<compile_context>
chip_gen: v7x
topology: tpu7x:2x2x1
jax: 0.10.2.dev20260603
libtpu: 0.0.44.dev20260713+nightly
codegen_flags: <defaults>
</compile_context>

<pallas_src>
import functools

import jax
import jax.numpy as jnp
from jax import lax
from jax.experimental import pallas as pl
from jax.experimental.pallas import tpu as pltpu
from jax.experimental.pallas import tpu_sc as plsc

_WINDOW = 128
_CHUNK = _WINDOW // 2
_GROUP = 2048
_LANES = 16


def kernel(x, weight):
    rows, cols = x.shape
    num_idx = rows * cols
    vocab, dim = weight.shape
    nwin = num_idx // _WINDOW
    half = _GROUP // 2
    ngrp_w = (vocab + _GROUP - 1) // _GROUP

    xt = x.T.astype(jnp.int32)
    wt = weight.T

    xv = (xt & ~jnp.int32(_GROUP - 1)) | ((xt & (half - 1)) << 1) | (
        (xt >> 10) & 1
    )
    idx3 = xv.reshape(cols, rows // _CHUNK, _CHUNK)

    _KW = 8
    nblk_w = (ngrp_w + _KW - 1) // _KW

    def wprep_body(in_ref, out_ref):
        t = in_ref[...].T
        out_ref[...] = jnp.concatenate(
            [
                jnp.concatenate(
                    [
                        t[k * _GROUP : k * _GROUP + half],
                        t[k * _GROUP + half : (k + 1) * _GROUP],
                    ],
                    axis=1,
                )
                for k in range(_KW)
            ],
            axis=0,
        )

    wprep = pl.pallas_call(
        wprep_body,
        grid=(nblk_w,),
        in_specs=[pl.BlockSpec((dim, _KW * _GROUP), lambda b: (0, b))],
        out_specs=pl.BlockSpec((_KW * half, 2 * dim), lambda b: (b, 0)),
        out_shape=jax.ShapeDtypeStruct(
            (nblk_w * _KW * half, 2 * dim), weight.dtype
        ),
        compiler_params=pltpu.CompilerParams(
            dimension_semantics=("parallel",)
        ),
    )
    w_sc = wprep(wt).reshape(nblk_w * _KW * _GROUP, dim)

    mesh = plsc.VectorSubcoreMesh(core_axis_name="c", subcore_axis_name="s")

    @functools.partial(
        pl.kernel,
        out_type=jax.ShapeDtypeStruct((num_idx, dim), weight.dtype),
        mesh=mesh,
        scratch_types=[pltpu.VMEM((_WINDOW,), jnp.int32)],
        compiler_params=pltpu.CompilerParams(
            use_tc_tiling_on_sc=False, needs_layout_passes=False
        ),
    )
    def gather_kernel(w_hbm, ia_hbm, ib_hbm, o_hbm, perm_ref):
        def body(ia_vmem, ib_vmem, o_vmem):
            @pl.loop(0, _CHUNK, step=_LANES)
            def _(c):
                pos = (lax.iota(jnp.int32, _LANES) + c) * 2
                plsc.store_scatter(
                    perm_ref, [pos], ia_vmem[0, 0, pl.ds(c, _LANES)]
                )
                plsc.store_scatter(
                    perm_ref, [pos + 1], ib_vmem[0, 0, pl.ds(c, _LANES)]
                )

            pltpu.sync_copy(w_hbm.at[perm_ref], o_vmem)

        pltpu.emit_pipeline(
            body,
            grid=(nwin,),
            in_specs=[
                pl.BlockSpec(
                    (1, 1, _CHUNK),
                    lambda i: (i // 128, 32 * ((i % 128) // 16) + i % 16, 0),
                ),
                pl.BlockSpec(
                    (1, 1, _CHUNK),
                    lambda i: (i // 128, 32 * ((i % 128) // 16) + 16 + i % 16, 0),
                ),
            ],
            out_specs=[pl.BlockSpec((_WINDOW, dim), lambda i: (i, 0))],
            core_axis_name=("c", "s"),
            dimension_semantics=(pltpu.PARALLEL,),
        )(ia_hbm, ib_hbm, o_hbm)

    _KE = 8

    def epilogue_body(in_ref, out_ref):
        t = in_ref[0].T
        out_ref[0] = jnp.concatenate(
            [
                t[s, k * half : (k + 1) * half]
                for k in range(_KE)
                for s in (slice(0, dim), slice(dim, 2 * dim))
            ],
            axis=1,
        )

    epilogue = pl.pallas_call(
        epilogue_body,
        grid=(cols, rows // (_KE * _GROUP)),
        in_specs=[
            pl.BlockSpec((1, _KE * half, 2 * dim), lambda j, b: (j, b, 0))
        ],
        out_specs=pl.BlockSpec((1, dim, _KE * _GROUP), lambda j, b: (j, 0, b)),
        out_shape=jax.ShapeDtypeStruct((cols, dim, rows), weight.dtype),
        compiler_params=pltpu.CompilerParams(
            dimension_semantics=("parallel", "parallel")
        ),
    )

    out = gather_kernel(w_sc, idx3, idx3)
    out3 = epilogue(out.reshape(cols, rows * dim // 128, 2 * dim))
    return out3.transpose(2, 0, 1)

# --- scband reference (transcript-rebuilt; emitter-appended) ---
"""Pipeline reference for scband-niuembedding-41214506172836 (READ-ONLY COPY).

The authoritative reference and input builder live on the scoring server;
editing this copy changes nothing except your own understanding.
"""

import jax, jax.numpy as jnp
import numpy as np

NUM_EMBEDDINGS = 1000000
EMBEDDING_DIM = 64

def setup_inputs(seed: int = 0) -> dict:
    key = jax.random.key(seed)
    k_idx, k_w = jax.random.split(key)
    x = jax.random.randint(k_idx, (16384, 26), 0, NUM_EMBEDDINGS, dtype=jnp.int64 if jax.config.jax_enable_x64 else jnp.int32)
    # trunc_normal_(mean=0, std=1, a=-3, b=3)
    weight = jax.random.truncated_normal(k_w, -3.0, 3.0, (NUM_EMBEDDINGS, EMBEDDING_DIM), dtype=jnp.float32)
    return {"x": x, "weight": weight}

def reference(x, weight):
    # weight[x] -> gather rows
    return jnp.take(weight, x, axis=0)

if __name__ == "__main__":
    import jax
    _d = setup_inputs()
    print(jax.jit(kernel)(*tuple(_d.values())))

</pallas_src>

<mosaic_0001>
#map = affine_map<(d0, d1) -> (0, 0)>
#map1 = affine_map<(d0, d1) -> (0, 0, 0)>
module attributes {stable_mosaic.version = 14 : i64} {
  func.func @gather_kernel(%arg0: i32, %arg1: i32, %arg2: memref<1015808x64xf32, #tpu.memory_space<hbm>>, %arg3: memref<26x256x64xi32, #tpu.memory_space<hbm>>, %arg4: memref<26x256x64xi32, #tpu.memory_space<hbm>>, %arg5: memref<425984x64xf32, #tpu.memory_space<hbm>>, %arg6: memref<128xi32, #tpu.memory_space<vmem>>) attributes {dimension_semantics = [#tpu.dimension_semantics<core_parallel>, #tpu.dimension_semantics<subcore_parallel>], iteration_bounds = array<i64: 2, 16>, scalar_prefetch = 0 : i64, scratch_operands = 1 : i64, tpu.core_type = #tpu.core_type<sc_vector_subcore>, window_params = [{transform_indices = #map}, {transform_indices = #map1}, {transform_indices = #map1}, {transform_indices = #map}]} {
    %mul3A = arith.constant 1 : i32
    %mul3A_0 = arith.muli %arg1, %mul3A : i32
    %add3A = arith.constant 0 : i32
    %add3A_1 = arith.addi %add3A, %mul3A_0 : i32
    %mul3A_2 = arith.constant 16 : i32
    %mul3A_3 = arith.muli %arg0, %mul3A_2 : i32
    %add3A_4 = arith.addi %add3A_1, %mul3A_3 : i32
    %mul3A_5 = arith.constant 104 : i32
    %mul3A_6 = arith.muli %add3A_4, %mul3A_5 : i32
    "tpu.region"() ({
      %run_scoped3A = memref.alloca() : memref<2x1x1x64xi32, #tpu.memory_space<vmem>>
      %run_scoped3A_7 = tpu.sem_alloc : memref<2x!tpu.dma_semaphore, #tpu.memory_space<semaphore_mem>>
      %run_scoped3A_8 = memref.alloca() : memref<2x1x1x64xi32, #tpu.memory_space<vmem>>
      %run_scoped3A_9 = tpu.sem_alloc : memref<2x!tpu.dma_semaphore, #tpu.memory_space<semaphore_mem>>
      %run_scoped3A_10 = memref.alloca() : memref<2x128x64xf32, #tpu.memory_space<vmem>>
      %run_scoped3A_11 = tpu.sem_alloc : memref<2x!tpu.dma_semaphore, #tpu.memory_space<semaphore_mem>>
      %add3A_12 = arith.constant 0 : i32
      %add3A_13 = arith.addi %add3A_12, %mul3A_6 : i32
      %select_n3A = arith.constant true
      %select_n3A_14 = arith.constant 0 : i32
      %select_n3A_15 = arith.constant -1 : i32
      %select_n3A_16 = arith.select %select_n3A, %select_n3A_15, %select_n3A_14 : i32
      %eq3A = arith.constant -1 : i32
      %eq3A_17 = arith.cmpi eq, %select_n3A_16, %eq3A : i32
      %select_n3A_18 = arith.constant 103 : i32
      %select_n3A_19 = arith.select %eq3A_17, %select_n3A_18, %select_n3A_16 : i32
      %add3A_20 = arith.addi %select_n3A_19, %mul3A_6 : i32
      %select_n3A_21 = arith.constant true
      %select_n3A_22 = arith.constant 0 : i32
      %select_n3A_23 = arith.constant 1 : i32
      %select_n3A_24 = arith.select %select_n3A_21, %select_n3A_23, %select_n3A_22 : i32
      %eq3A_25 = arith.constant 104 : i32
      %eq3A_26 = arith.cmpi eq, %select_n3A_24, %eq3A_25 : i32
      %select_n3A_27 = arith.constant 0 : i32
      %select_n3A_28 = arith.select %eq3A_26, %select_n3A_27, %select_n3A_24 : i32
      %add3A_29 = arith.addi %select_n3A_28, %mul3A_6 : i32
      %add3A_30 = arith.constant 1 : i32
      %add3A_31 = arith.addi %select_n3A_28, %add3A_30 : i32
      %select_n3A_32 = arith.constant true
      %select_n3A_33 = arith.select %select_n3A_32, %add3A_31, %select_n3A_28 : i32
      %eq3A_34 = arith.constant 104 : i32
      %eq3A_35 = arith.cmpi eq, %select_n3A_33, %eq3A_34 : i32
      %select_n3A_36 = arith.constant 0 : i32
      %select_n3A_37 = arith.select %eq3A_35, %select_n3A_36, %select_n3A_33 : i32
      %add3A_38 = arith.addi %select_n3A_37, %mul3A_6 : i32
      "tpu.trace_start"() <{level = 10 : i32, message = "ep_initialize_0"}> : () -> ()
      %rem3A = arith.constant 0 : i32
      %rem3A_39 = arith.constant 2 : i32
      %rem3A_40 = arith.remui %rem3A, %rem3A_39 : i32
      %jit3A = arith.constant 128 : i32
      %div3A = arith.divsi %add3A_13, %jit3A : i32
      %sign3A = arith.constant 0 : i32
      %sign3A_41 = arith.cmpi sgt, %add3A_13, %sign3A : i32
      %sign3A_42 = arith.extui %sign3A_41 : i1 to i32
      %sign3A_43 = arith.constant 0 : i32
      %sign3A_44 = arith.cmpi slt, %add3A_13, %sign3A_43 : i32
      %sign3A_45 = arith.extui %sign3A_44 : i1 to i32
      %sign3A_46 = arith.subi %sign3A_42, %sign3A_45 : i32
      %sign3A_47 = arith.constant 0 : i32
      %sign3A_48 = arith.cmpi sgt, %jit3A, %sign3A_47 : i32
      %sign3A_49 = arith.extui %sign3A_48 : i1 to i32
      %sign3A_50 = arith.constant 0 : i32
      %sign3A_51 = arith.cmpi slt, %jit3A, %sign3A_50 : i32
      %sign3A_52 = arith.extui %sign3A_51 : i1 to i32
      %sign3A_53 = arith.subi %sign3A_49, %sign3A_52 : i32
      %ne3A = arith.cmpi ne, %sign3A_46, %sign3A_53 : i32
      %rem3A_54 = arith.remsi %add3A_13, %jit3A : i32
      %ne3A_55 = arith.constant 0 : i32
      %ne3A_56 = arith.cmpi ne, %rem3A_54, %ne3A_55 : i32
      %and3A = arith.andi %ne3A, %ne3A_56 : i1
      %sub3A = arith.constant 1 : i32
      %sub3A_57 = arith.subi %div3A, %sub3A : i32
      %select_n3A_58 = arith.select %and3A, %sub3A_57, %div3A : i32
      %jit3A_59 = arith.constant 128 : i32
      %eq3A_60 = arith.constant 0 : i32
      %eq3A_61 = arith.cmpi eq, %jit3A_59, %eq3A_60 : i32
      %jit3A_62 = arith.constant 1 : i32
      %select_n3A_63 = arith.select %eq3A_61, %jit3A_62, %jit3A_59 : i32
      %rem3A_64 = arith.remsi %add3A_13, %select_n3A_63 : i32
      %ne3A_65 = arith.constant 0 : i32
      %ne3A_66 = arith.cmpi ne, %rem3A_64, %ne3A_65 : i32
      %lt3A = arith.constant 0 : i32
      %lt3A_67 = arith.cmpi slt, %rem3A_64, %lt3A : i32
      %lt3A_68 = arith.constant 0 : i32
      %lt3A_69 = arith.cmpi slt, %select_n3A_63, %lt3A_68 : i32
      %ne3A_70 = arith.xori %lt3A_67, %lt3A_69 : i1
      %and3A_71 = arith.andi %ne3A_70, %ne3A_66 : i1
      %add3A_72 = arith.addi %rem3A_64, %select_n3A_63 : i32
      %select_n3A_73 = arith.select %and3A_71, %add3A_72, %rem3A_64 : i32
      %jit3A_74 = arith.constant 16 : i32
      %div3A_75 = arith.divsi %select_n3A_73, %jit3A_74 : i32
      %sign3A_76 = arith.constant 0 : i32
      %sign3A_77 = arith.cmpi sgt, %select_n3A_73, %sign3A_76 : i32
      %sign3A_78 = arith.extui %sign3A_77 : i1 to i32
      %sign3A_79 = arith.constant 0 : i32
      %sign3A_80 = arith.cmpi slt, %select_n3A_73, %sign3A_79 : i32
      %sign3A_81 = arith.extui %sign3A_80 : i1 to i32
      %sign3A_82 = arith.subi %sign3A_78, %sign3A_81 : i32
      %sign3A_83 = arith.constant 0 : i32
      %sign3A_84 = arith.cmpi sgt, %jit3A_74, %sign3A_83 : i32
      %sign3A_85 = arith.extui %sign3A_84 : i1 to i32
      %sign3A_86 = arith.constant 0 : i32
      %sign3A_87 = arith.cmpi slt, %jit3A_74, %sign3A_86 : i32
      %sign3A_88 = arith.extui %sign3A_87 : i1 to i32
      %sign3A_89 = arith.subi %sign3A_85, %sign3A_88 : i32
      %ne3A_90 = arith.cmpi ne, %sign3A_82, %sign3A_89 : i32
      %rem3A_91 = arith.remsi %select_n3A_73, %jit3A_74 : i32
      %ne3A_92 = arith.constant 0 : i32
      %ne3A_93 = arith.cmpi ne, %rem3A_91, %ne3A_92 : i32
      %and3A_94 = arith.andi %ne3A_90, %ne3A_93 : i1
      %sub3A_95 = arith.constant 1 : i32
      %sub3A_96 = arith.subi %div3A_75, %sub3A_95 : i32
      %select_n3A_97 = arith.select %and3A_94, %sub3A_96, %div3A_75 : i32
      %mul3A_98 = arith.constant 32 : i32
      %mul3A_99 = arith.muli %mul3A_98, %select_n3A_97 : i32
      %jit3A_100 = arith.constant 16 : i32
      %eq3A_101 = arith.constant 0 : i32
      %eq3A_102 = arith.cmpi eq, %jit3A_100, %eq3A_101 : i32
      %jit3A_103 = arith.constant 1 : i32
      %select_n3A_104 = arith.select %eq3A_102, %jit3A_103, %jit3A_100 : i32
      %rem3A_105 = arith.remsi %add3A_13, %select_n3A_104 : i32
      %ne3A_106 = arith.constant 0 : i32
      %ne3A_107 = arith.cmpi ne, %rem3A_105, %ne3A_106 : i32
      %lt3A_108 = arith.constant 0 : i32
      %lt3A_109 = arith.cmpi slt, %rem3A_105, %lt3A_108 : i32
      %lt3A_110 = arith.constant 0 : i32
      %lt3A_111 = arith.cmpi slt, %select_n3A_104, %lt3A_110 : i32
      %ne3A_112 = arith.xori %lt3A_109, %lt3A_111 : i1
      %and3A_113 = arith.andi %ne3A_112, %ne3A_107 : i1
      %add3A_114 = arith.addi %rem3A_105, %select_n3A_104 : i32
      %select_n3A_115 = arith.select %and3A_113, %add3A_114, %rem3A_105 : i32
      %add3A_116 = arith.addi %mul3A_99, %select_n3A_115 : i32
      %mul3A_117 = arith.constant 1 : i32
      %mul3A_118 = arith.muli %mul3A_117, %select_n3A_58 : i32
      %mul3A_119 = arith.constant 1 : i32
      %mul3A_120 = arith.muli %mul3A_119, %add3A_116 : i32
      %dma_start3A = arith.constant 0 : i32
      %dma_start3A_121 = arith.constant 0 : i32
      %dma_start3A_122 = arith.constant 0 : i32
      %dma_start3A_123 = tpu.memref_slice %run_scoped3A[%rem3A_40, %dma_start3A, %dma_start3A_121, %dma_start3A_122] : memref<2x1x1x64xi32, #tpu.memory_space<vmem>> -> memref<1x1x1x64xi32, #tpu.memory_space<vmem>>
      %dma_start3A_124 = tpu.memref_squeeze %dma_start3A_123 : memref<1x1x1x64xi32, #tpu.memory_space<vmem>> -> memref<1x1x64xi32, #tpu.memory_space<vmem>>
      %dma_start3A_125 = arith.constant 0 : i32
      %dma_start3A_126 = tpu.memref_slice %arg3[%mul3A_118, %mul3A_120, %dma_start3A_125] : memref<26x256x64xi32, #tpu.memory_space<hbm>> -> memref<1x1x64xi32, #tpu.memory_space<hbm>>
      %dma_start3A_127 = tpu.memref_slice %run_scoped3A_7[%rem3A_40] : memref<2x!tpu.dma_semaphore, #tpu.memory_space<semaphore_mem>> -> memref<1x!tpu.dma_semaphore, #tpu.memory_space<semaphore_mem>>
      %dma_start3A_128 = tpu.memref_squeeze %dma_start3A_127 : memref<1x!tpu.dma_semaphore, #tpu.memory_space<semaphore_mem>> -> memref<!tpu.dma_semaphore, #tpu.memory_space<semaphore_mem>>
      %dma_start3A_129 = arith.constant 0 : i32
      %dma_start3A_130 = arith.constant 0 : i32
      %dma_start3A_131 = arith.constant 0 : i32
      %dma_start3A_132 = tpu.memref_slice %run_scoped3A[%rem3A_40, %dma_start3A_129, %dma_start3A_130, %dma_start3A_131] : memref<2x1x1x64xi32, #tpu.memory_space<vmem>> -> memref<1x1x1x64xi32, #tpu.memory_space<vmem>>
      %dma_start3A_133 = tpu.memref_squeeze %dma_start3A_132 : memref<1x1x1x64xi32, #tpu.memory_space<vmem>> -> memref<1x1x64xi32, #tpu.memory_space<vmem>>
      %dma_start3A_134 = arith.constant 0 : i32
      %dma_start3A_135 = tpu.memref_slice %arg3[%mul3A_118, %mul3A_120, %dma_start3A_134] : memref<26x256x64xi32, #tpu.memory_space<hbm>> -> memref<1x1x64xi32, #tpu.memory_space<hbm>>
      tpu.enqueue_dma source(%dma_start3A_135 : memref<1x1x64xi32, #tpu.memory_space<hbm>>) target(%dma_start3A_133 : memref<1x1x64xi32, #tpu.memory_space<vmem>>) target_semaphore(%dma_start3A_128 : memref<!tpu.dma_semaphore, #tpu.memory_space<semaphore_mem>>)
      %add3A_136 = arith.constant 0 : i32
      %add3A_137 = arith.constant 1 : i32
      %add3A_138 = arith.addi %add3A_136, %add3A_137 : i32
      %select_n3A_139 = arith.constant true
      %select_n3A_140 = arith.constant 0 : i32
      %select_n3A_141 = arith.select %select_n3A_139, %add3A_138, %select_n3A_140 : i32
      %rem3A_142 = arith.constant 0 : i32
      %rem3A_143 = arith.constant 2 : i32
      %rem3A_144 = arith.remui %rem3A_142, %rem3A_143 : i32
      %jit3A_145 = arith.constant 128 : i32
      %div3A_146 = arith.divsi %add3A_13, %jit3A_145 : i32
      %sign3A_147 = arith.constant 0 : i32
      %sign3A_148 = arith.cmpi sgt, %add3A_13, %sign3A_147 : i32
      %sign3A_149 = arith.extui %sign3A_148 : i1 to i32
      %sign3A_150 = arith.constant 0 : i32
      %sign3A_151 = arith.cmpi slt, %add3A_13, %sign3A_150 : i32
      %sign3A_152 = arith.extui %sign3A_151 : i1 to i32
      %sign3A_153 = arith.subi %sign3A_149, %sign3A_152 : i32
      %sign3A_154 = arith.constant 0 : i32
      %sign3A_155 = arith.cmpi sgt, %jit3A_145, %sign3A_154 : i32
      %sign3A_156 = arith.extui %sign3A_155 : i1 to i32
      %sign3A_157 = arith.constant 0 : i32
      %sign3A_158 = arith.cmpi slt, %jit3A_145, %sign3A_157 : i32
      %sign3A_159 = arith.extui %sign3A_158 : i1 to i32
      %sign3A_160 = arith.subi %sign3A_156, %sign3A_159 : i32
      %ne3A_161 = arith.cmpi ne, %sign3A_153, %sign3A_160 : i32
      %rem3A_162 = arith.remsi %add3A_13, %jit3A_145 : i32
      %ne3A_163 = arith.constant 0 : i32
      %ne3A_164 = arith.cmpi ne, %rem3A_162, %ne3A_163 : i32
      %and3A_165 = arith.andi %ne3A_161, %ne3A_164 : i1
      %sub3A_166 = arith.constant 1 : i32
      %sub3A_167 = arith.subi %div3A_146, %sub3A_166 : i32
      %select_n3A_168 = arith.select %and3A_165, %sub3A_167, %div3A_146 : i32
      %jit3A_169 = arith.constant 128 : i32
      %eq3A_170 = arith.constant 0 : i32
      %eq3A_171 = arith.cmpi eq, %jit3A_169, %eq3A_170 : i32
      %jit3A_172 = arith.constant 1 : i32
      %select_n3A_173 = arith.select %eq3A_171, %jit3A_172, %jit3A_169 : i32
      %rem3A_174 = arith.remsi %add3A_13, %select_n3A_173 : i32
      %ne3A_175 = arith.constant 0 : i32
      %ne3A_176 = arith.cmpi ne, %rem3A_174, %ne3A_175 : i32
      %lt3A_177 = arith.constant 0 : i32
      %lt3A_178 = arith.cmpi slt, %rem3A_174, %lt3A_177 : i32
      %lt3A_179 = arith.constant 0 : i32
      %lt3A_180 = arith.cmpi slt, %select_n3A_173, %lt3A_179 : i32
      %ne3A_181 = arith.xori %lt3A_178, %lt3A_180 : i1
      %and3A_182 = arith.andi %ne3A_181, %ne3A_176 : i1
      %add3A_183 = arith.addi %rem3A_174, %select_n3A_173 : i32
      %select_n3A_184 = arith.select %and3A_182, %add3A_183, %rem3A_174 : i32
      %jit3A_185 = arith.constant 16 : i32
      %div3A_186 = arith.divsi %select_n3A_184, %jit3A_185 : i32
      %sign3A_187 = arith.constant 0 : i32
      %sign3A_188 = arith.cmpi sgt, %select_n3A_184, %sign3A_187 : i32
      %sign3A_189 = arith.extui %sign3A_188 : i1 to i32
      %sign3A_190 = arith.constant 0 : i32
      %sign3A_191 = arith.cmpi slt, %select_n3A_184, %sign3A_190 : i32
      %sign3A_192 = arith.extui %sign3A_191 : i1 to i32
      %sign3A_193 = arith.subi %sign3A_189, %sign3A_192 : i32
      %sign3A_194 = arith.constant 0 : i32
      %sign3A_195 = arith.cmpi sgt, %jit3A_185, %sign3A_194 : i32
      %sign3A_196 = arith.extui %sign3A_195 : i1 to i32
      %sign3A_197 = arith.constant 0 : i32
      %sign3A_198 = arith.cmpi slt, %jit3A_185, %sign3A_197 : i32
      %sign3A_199 = arith.extui %sign3A_198 : i1 to i32
      %sign3A_200 = arith.subi %sign3A_196, %sign3A_199 : i32
      %ne3A_201 = arith.cmpi ne, %sign3A_193, %sign3A_200 : i32
      %rem3A_202 = arith.remsi %select_n3A_184, %jit3A_185 : i32
      %ne3A_203 = arith.constant 0 : i32
      %ne3A_204 = arith.cmpi ne, %rem3A_202, %ne3A_203 : i32
      %and3A_205 = arith.andi %ne3A_201, %ne3A_204 : i1
      %sub3A_206 = arith.constant 1 : i32
      %sub3A_207 = arith.subi %div3A_186, %sub3A_206 : i32
      %select_n3A_208 = arith.select %and3A_205, %sub3A_207, %div3A_186 : i32
      %mul3A_209 = arith.constant 32 : i32
      %mul3A_210 = arith.muli %mul3A_209, %select_n3A_208 : i32
      %add3A_211 = arith.constant 16 : i32
      %add3A_212 = arith.addi %mul3A_210, %add3A_211 : i32
      %jit3A_213 = arith.constant 16 : i32
      %eq3A_214 = arith.constant 0 : i32
      %eq3A_215 = arith.cmpi eq, %jit3A_213, %eq3A_214 : i32
      %jit3A_216 = arith.constant 1 : i32
      %select_n3A_217 = arith.select %eq3A_215, %jit3A_216, %jit3A_213 : i32
      %rem3A_218 = arith.remsi %add3A_13, %select_n3A_217 : i32
      %ne3A_219 = arith.constant 0 : i32
      %ne3A_220 = arith.cmpi ne, %rem3A_218, %ne3A_219 : i32
      %lt3A_221 = arith.constant 0 : i32
      %lt3A_222 = arith.cmpi slt, %rem3A_218, %lt3A_221 : i32
      %lt3A_223 = arith.constant 0 : i32
      %lt3A_224 = arith.cmpi slt, %select_n3A_217, %lt3A_223 : i32
      %ne3A_225 = arith.xori %lt3A_222, %lt3A_224 : i1
      %and3A_226 = arith.andi %ne3A_225, %ne3A_220 : i1
      %add3A_227 = arith.addi %rem3A_218, %select_n3A_217 : i32
      %select_n3A_228 = arith.select %and3A_226, %add3A_227, %rem3A_218 : i32
      %add3A_229 = arith.addi %add3A_212, %select_n3A_228 : i32
      %mul3A_230 = arith.constant 1 : i32
      %mul3A_231 = arith.muli %mul3A_230, %select_n3A_168 : i32
      %mul3A_232 = arith.constant 1 : i32
      %mul3A_233 = arith.muli %mul3A_232, %add3A_229 : i32
      %dma_start3A_234 = arith.constant 0 : i32
      %dma_start3A_235 = arith.constant 0 : i32
      %dma_start3A_236 = arith.constant 0 : i32
      %dma_start3A_237 = tpu.memref_slice %run_scoped3A_8[%rem3A_144, %dma_start3A_234, %dma_start3A_235, %dma_start3A_236] : memref<2x1x1x64xi32, #tpu.memory_space<vmem>> -> memref<1x1x1x64xi32, #tpu.memory_space<vmem>>
      %dma_start3A_238 = tpu.memref_squeeze %dma_start3A_237 : memref<1x1x1x64xi32, #tpu.memory_space<vmem>> -> memref<1x1x64xi32, #tpu.memory_space<vmem>>
      %dma_start3A_239 = arith.constant 0 : i32
      %dma_start3A_240 = tpu.memref_slice %arg4[%mul3A_231, %mul3A_233, %dma_start3A_239] : memref<26x256x64xi32, #tpu.memory_space<hbm>> -> memref<1x1x64xi32, #tpu.memory_space<hbm>>
      %dma_start3A_241 = tpu.memref_slice %run_scoped3A_9[%rem3A_144] : memref<2x!tpu.dma_semaphore, #tpu.memory_space<semaphore_mem>> -> memref<1x!tpu.dma_semaphore, #tpu.memory_space<semaphore_mem>>
      %dma_start3A_242 = tpu.memref_squeeze %dma_start3A_241 : memref<1x!tpu.dma_semaphore, #tpu.memory_space<semaphore_mem>> -> memref<!tpu.dma_semaphore, #tpu.memory_space<semaphore_mem>>
      %dma_start3A_243 = arith.constant 0 : i32
      %dma_start3A_244 = arith.constant 0 : i32
      %dma_start3A_245 = arith.constant 0 : i32
      %dma_start3A_246 = tpu.memref_slice %run_scoped3A_8[%rem3A_144, %dma_start3A_243, %dma_start3A_244, %dma_start3A_245] : memref<2x1x1x64xi32, #tpu.memory_space<vmem>> -> memref<1x1x1x64xi32, #tpu.memory_space<vmem>>
      %dma_start3A_247 = tpu.memref_squeeze %dma_start3A_246 : memref<1x1x1x64xi32, #tpu.memory_space<vmem>> -> memref<1x1x64xi32, #tpu.memory_space<vmem>>
      %dma_start3A_248 = arith.constant 0 : i32
      %dma_start3A_249 = tpu.memref_slice %arg4[%mul3A_231, %mul3A_233, %dma_start3A_248] : memref<26x256x64xi32, #tpu.memory_space<hbm>> -> memref<1x1x64xi32, #tpu.memory_space<hbm>>
      tpu.enqueue_dma source(%dma_start3A_249 : memref<1x1x64xi32, #tpu.memory_space<hbm>>) target(%dma_start3A_247 : memref<1x1x64xi32, #tpu.memory_space<vmem>>) target_semaphore(%dma_start3A_242 : memref<!tpu.dma_semaphore, #tpu.memory_space<semaphore_mem>>)
      %add3A_250 = arith.constant 0 : i32
      %add3A_251 = arith.constant 1 : i32
      %add3A_252 = arith.addi %add3A_250, %add3A_251 : i32
      %select_n3A_253 = arith.constant true
      %select_n3A_254 = arith.constant 0 : i32
      %select_n3A_255 = arith.select %select_n3A_253, %add3A_252, %select_n3A_254 : i32
      "tpu.trace_stop"() : () -> ()
      %scan3A = arith.constant 0 : i32
      %scan3A_256 = arith.constant 0 : i32
      %scan3A_257 = arith.constant 0 : i32
      %scan3A_258 = arith.constant 0 : i32
      %scan3A_259 = arith.constant 0 : i32
      %scan3A_260 = arith.constant 0 : i32
      %scan3A_261 = arith.constant 104 : i32
      %scan3A_262 = arith.addi %scan3A_260, %scan3A_261 : i32
      %scan3A_263 = arith.constant 1 : i32
      %scan3A_264:7 = scf.for %scan3A_319 = %scan3A_260 to %scan3A_262 step %scan3A_263 iter_args(%scan3A_320 = %select_n3A_141, %scan3A_321 = %scan3A, %scan3A_322 = %select_n3A_255, %scan3A_323 = %scan3A_256, %scan3A_324 = %scan3A_257, %scan3A_325 = %scan3A_258, %scan3A_326 = %scan3A_259) -> (i32, i32, i32, i32, i32, i32, i32)  : i32 {
        %eq3A_327 = arith.constant 0 : i32
        %eq3A_328 = arith.cmpi eq, %scan3A_319, %eq3A_327 : i32
        %eq3A_329 = arith.constant 103 : i32
        %eq3A_330 = arith.cmpi eq, %scan3A_319, %eq3A_329 : i32
        %add3A_331 = arith.addi %scan3A_326, %mul3A_6 : i32
        %sub3A_332 = arith.constant 1 : i32
        %sub3A_333 = arith.subi %scan3A_326, %sub3A_332 : i32
        %select_n3A_334 = arith.constant true
        %select_n3A_335 = arith.select %select_n3A_334, %sub3A_333, %scan3A_326 : i32
        %eq3A_336 = arith.constant -1 : i32
        %eq3A_337 = arith.cmpi eq, %select_n3A_335, %eq3A_336 : i32
        %select_n3A_338 = arith.constant 103 : i32
        %select_n3A_339 = arith.select %eq3A_337, %select_n3A_338, %select_n3A_335 : i32
        %add3A_340 = arith.addi %select_n3A_339, %mul3A_6 : i32
        %add3A_341 = arith.constant 1 : i32
        %add3A_342 = arith.addi %scan3A_326, %add3A_341 : i32
        %select_n3A_343 = arith.constant true
        %select_n3A_344 = arith.select %select_n3A_343, %add3A_342, %scan3A_326 : i32
        %eq3A_345 = arith.constant 104 : i32
        %eq3A_346 = arith.cmpi eq, %select_n3A_344, %eq3A_345 : i32
        %select_n3A_347 = arith.constant 0 : i32
        %select_n3A_348 = arith.select %eq3A_346, %select_n3A_347, %select_n3A_344 : i32
        %add3A_349 = arith.addi %select_n3A_348, %mul3A_6 : i32
        %add3A_350 = arith.constant 1 : i32
        %add3A_351 = arith.addi %select_n3A_348, %add3A_350 : i32
        %select_n3A_352 = arith.constant true
        %select_n3A_353 = arith.select %select_n3A_352, %add3A_351, %select_n3A_348 : i32
        %eq3A_354 = arith.constant 104 : i32
        %eq3A_355 = arith.cmpi eq, %select_n3A_353, %eq3A_354 : i32
        %select_n3A_356 = arith.constant 0 : i32
        %select_n3A_357 = arith.select %eq3A_355, %select_n3A_356, %select_n3A_353 : i32
        %add3A_358 = arith.addi %select_n3A_357, %mul3A_6 : i32
        %jit3A_359 = arith.constant 128 : i32
        %div3A_360 = arith.divsi %add3A_331, %jit3A_359 : i32
        %sign3A_361 = arith.constant 0 : i32
        %sign3A_362 = arith.cmpi sgt, %add3A_331, %sign3A_361 : i32
        %sign3A_363 = arith.extui %sign3A_362 : i1 to i32
        %sign3A_364 = arith.constant 0 : i32
        %sign3A_365 = arith.cmpi slt, %add3A_331, %sign3A_364 : i32
        %sign3A_366 = arith.extui %sign3A_365 : i1 to i32
        %sign3A_367 = arith.subi %sign3A_363, %sign3A_366 : i32
        %sign3A_368 = arith.constant 0 : i32
        %sign3A_369 = arith.cmpi sgt, %jit3A_359, %sign3A_368 : i32
        %sign3A_370 = arith.extui %sign3A_369 : i1 to i32
        %sign3A_371 = arith.constant 0 : i32
        %sign3A_372 = arith.cmpi slt, %jit3A_359, %sign3A_371 : i32
        %sign3A_373 = arith.extui %sign3A_372 : i1 to i32
        %sign3A_374 = arith.subi %sign3A_370, %sign3A_373 : i32
        %ne3A_375 = arith.cmpi ne, %sign3A_367, %sign3A_374 : i32
        %rem3A_376 = arith.remsi %add3A_331, %jit3A_359 : i32
        %ne3A_377 = arith.constant 0 : i32
        %ne3A_378 = arith.cmpi ne, %rem3A_376, %ne3A_377 : i32
        %and3A_379 = arith.andi %ne3A_375, %ne3A_378 : i1
        %sub3A_380 = arith.constant 1 : i32
        %sub3A_381 = arith.subi %div3A_360, %sub3A_380 : i32
        %select_n3A_382 = arith.select %and3A_379, %sub3A_381, %div3A_360 : i32
        %jit3A_383 = arith.constant 128 : i32
        %eq3A_384 = arith.constant 0 : i32
        %eq3A_385 = arith.cmpi eq, %jit3A_383, %eq3A_384 : i32
        %jit3A_386 = arith.constant 1 : i32
        %select_n3A_387 = arith.select %eq3A_385, %jit3A_386, %jit3A_383 : i32
        %rem3A_388 = arith.remsi %add3A_331, %select_n3A_387 : i32
        %ne3A_389 = arith.constant 0 : i32
        %ne3A_390 = arith.cmpi ne, %rem3A_388, %ne3A_389 : i32
        %lt3A_391 = arith.constant 0 : i32
        %lt3A_392 = arith.cmpi slt, %rem3A_388, %lt3A_391 : i32
        %lt3A_393 = arith.constant 0 : i32
        %lt3A_394 = arith.cmpi slt, %select_n3A_387, %lt3A_393 : i32
        %ne3A_395 = arith.xori %lt3A_392, %lt3A_394 : i1
        %and3A_396 = arith.andi %ne3A_395, %ne3A_390 : i1
        %add3A_397 = arith.addi %rem3A_388, %select_n3A_387 : i32
        %select_n3A_398 = arith.select %and3A_396, %add3A_397, %rem3A_388 : i32
        %jit3A_399 = arith.constant 16 : i32
        %div3A_400 = arith.divsi %select_n3A_398, %jit3A_399 : i32
        %sign3A_401 = arith.constant 0 : i32
        %sign3A_402 = arith.cmpi sgt, %select_n3A_398, %sign3A_401 : i32
        %sign3A_403 = arith.extui %sign3A_402 : i1 to i32
        %sign3A_404 = arith.constant 0 : i32
        %sign3A_405 = arith.cmpi slt, %select_n3A_398, %sign3A_404 : i32
        %sign3A_406 = arith.extui %sign3A_405 : i1 to i32
        %sign3A_407 = arith.subi %sign3A_403, %sign3A_406 : i32
        %sign3A_408 = arith.constant 0 : i32
        %sign3A_409 = arith.cmpi sgt, %jit3A_399, %sign3A_408 : i32
        %sign3A_410 = arith.extui %sign3A_409 : i1 to i32
        %sign3A_411 = arith.constant 0 : i32
        %sign3A_412 = arith.cmpi slt, %jit3A_399, %sign3A_411 : i32
        %sign3A_413 = arith.extui %sign3A_412 : i1 to i32
        %sign3A_414 = arith.subi %sign3A_410, %sign3A_413 : i32
        %ne3A_415 = arith.cmpi ne, %sign3A_407, %sign3A_414 : i32
        %rem3A_416 = arith.remsi %select_n3A_398, %jit3A_399 : i32
        %ne3A_417 = arith.constant 0 : i32
        %ne3A_418 = arith.cmpi ne, %rem3A_416, %ne3A_417 : i32
        %and3A_419 = arith.andi %ne3A_415, %ne3A_418 : i1
        %sub3A_420 = arith.constant 1 : i32
        %sub3A_421 = arith.subi %div3A_400, %sub3A_420 : i32
        %select_n3A_422 = arith.select %and3A_419, %sub3A_421, %div3A_400 : i32
        %mul3A_423 = arith.constant 32 : i32
        %mul3A_424 = arith.muli %mul3A_423, %select_n3A_422 : i32
        %jit3A_425 = arith.constant 16 : i32
        %eq3A_426 = arith.constant 0 : i32
        %eq3A_427 = arith.cmpi eq, %jit3A_425, %eq3A_426 : i32
        %jit3A_428 = arith.constant 1 : i32
        %select_n3A_429 = arith.select %eq3A_427, %jit3A_428, %jit3A_425 : i32
        %rem3A_430 = arith.remsi %add3A_331, %select_n3A_429 : i32
        %ne3A_431 = arith.constant 0 : i32
        %ne3A_432 = arith.cmpi ne, %rem3A_430, %ne3A_431 : i32
        %lt3A_433 = arith.constant 0 : i32
        %lt3A_434 = arith.cmpi slt, %rem3A_430, %lt3A_433 : i32
        %lt3A_435 = arith.constant 0 : i32
        %lt3A_436 = arith.cmpi slt, %select_n3A_429, %lt3A_435 : i32
        %ne3A_437 = arith.xori %lt3A_434, %lt3A_436 : i1
        %and3A_438 = arith.andi %ne3A_437, %ne3A_432 : i1
        %add3A_439 = arith.addi %rem3A_430, %select_n3A_429 : i32
        %select_n3A_440 = arith.select %and3A_438, %add3A_439, %rem3A_430 : i32
        %add3A_441 = arith.addi %mul3A_424, %select_n3A_440 : i32
        %jit3A_442 = arith.constant 128 : i32
        %div3A_443 = arith.divsi %add3A_349, %jit3A_442 : i32
        %sign3A_444 = arith.constant 0 : i32
        %sign3A_445 = arith.cmpi sgt, %add3A_349, %sign3A_444 : i32
        %sign3A_446 = arith.extui %sign3A_445 : i1 to i32
        %sign3A_447 = arith.constant 0 : i32
        %sign3A_448 = arith.cmpi slt, %add3A_349, %sign3A_447 : i32
        %sign3A_449 = arith.extui %sign3A_448 : i1 to i32
        %sign3A_450 = arith.subi %sign3A_446, %sign3A_449 : i32
        %sign3A_451 = arith.constant 0 : i32
        %sign3A_452 = arith.cmpi sgt, %jit3A_442, %sign3A_451 : i32
        %sign3A_453 = arith.extui %sign3A_452 : i1 to i32
        %sign3A_454 = arith.constant 0 : i32
        %sign3A_455 = arith.cmpi slt, %jit3A_442, %sign3A_454 : i32
        %sign3A_456 = arith.extui %sign3A_455 : i1 to i32
        %sign3A_457 = arith.subi %sign3A_453, %sign3A_456 : i32
        %ne3A_458 = arith.cmpi ne, %sign3A_450, %sign3A_457 : i32
        %rem3A_459 = arith.remsi %add3A_349, %jit3A_442 : i32
        %ne3A_460 = arith.constant 0 : i32
        %ne3A_461 = arith.cmpi ne, %rem3A_459, %ne3A_460 : i32
        %and3A_462 = arith.andi %ne3A_458, %ne3A_461 : i1
        %sub3A_463 = arith.constant 1 : i32
        %sub3A_464 = arith.subi %div3A_443, %sub3A_463 : i32
        %select_n3A_465 = arith.select %and3A_462, %sub3A_464, %div3A_443 : i32
        %jit3A_466 = arith.constant 128 : i32
        %eq3A_467 = arith.constant 0 : i32
        %eq3A_468 = arith.cmpi eq, %jit3A_466, %eq3A_467 : i32
        %jit3A_469 = arith.constant 1 : i32
        %select_n3A_470 = arith.select %eq3A_468, %jit3A_469, %jit3A_466 : i32
        %rem3A_471 = arith.remsi %add3A_349, %select_n3A_470 : i32
        %ne3A_472 = arith.constant 0 : i32
        %ne3A_473 = arith.cmpi ne, %rem3A_471, %ne3A_472 : i32
        %lt3A_474 = arith.constant 0 : i32
        %lt3A_475 = arith.cmpi slt, %rem3A_471, %lt3A_474 : i32
        %lt3A_476 = arith.constant 0 : i32
        %lt3A_477 = arith.cmpi slt, %select_n3A_470, %lt3A_476 : i32
        %ne3A_478 = arith.xori %lt3A_475, %lt3A_477 : i1
        %and3A_479 = arith.andi %ne3A_478, %ne3A_473 : i1
        %add3A_480 = arith.addi %rem3A_471, %select_n3A_470 : i32
        %select_n3A_481 = arith.select %and3A_479, %add3A_480, %rem3A_471 : i32
        %jit3A_482 = arith.constant 16 : i32
        %div3A_483 = arith.divsi %select_n3A_481, %jit3A_482 : i32
        %sign3A_484 = arith.constant 0 : i32
        %sign3A_485 = arith.cmpi sgt, %select_n3A_481, %sign3A_484 : i32
        %sign3A_486 = arith.extui %sign3A_485 : i1 to i32
        %sign3A_487 = arith.constant 0 : i32
        %sign3A_488 = arith.cmpi slt, %select_n3A_481, %sign3A_487 : i32
        %sign3A_489 = arith.extui %sign3A_488 : i1 to i32
        %sign3A_490 = arith.subi %sign3A_486, %sign3A_489 : i32
        %sign3A_491 = arith.constant 0 : i32
        %sign3A_492 = arith.cmpi sgt, %jit3A_482, %sign3A_491 : i32
        %sign3A_493 = arith.extui %sign3A_492 : i1 to i32
        %sign3A_494 = arith.constant 0 : i32
        %sign3A_495 = arith.cmpi slt, %jit3A_482, %sign3A_494 : i32
        %sign3A_496 = arith.extui %sign3A_495 : i1 to i32
        %sign3A_497 = arith.subi %sign3A_493, %sign3A_496 : i32
        %ne3A_498 = arith.cmpi ne, %sign3A_490, %sign3A_497 : i32
        %rem3A_499 = arith.remsi %select_n3A_481, %jit3A_482 : i32
        %ne3A_500 = arith.constant 0 : i32
        %ne3A_501 = arith.cmpi ne, %rem3A_499, %ne3A_500 : i32
        %and3A_502 = arith.andi %ne3A_498, %ne3A_501 : i1
        %sub3A_503 = arith.constant 1 : i32
        %sub3A_504 = arith.subi %div3A_483, %sub3A_503 : i32
        %select_n3A_505 = arith.select %and3A_502, %sub3A_504, %div3A_483 : i32
        %mul3A_506 = arith.constant 32 : i32
        %mul3A_507 = arith.muli %mul3A_506, %select_n3A_505 : i32
        %jit3A_508 = arith.constant 16 : i32
        %eq3A_509 = arith.constant 0 : i32
        %eq3A_510 = arith.cmpi eq, %jit3A_508, %eq3A_509 : i32
        %jit3A_511 = arith.constant 1 : i32
        %select_n3A_512 = arith.select %eq3A_510, %jit3A_511, %jit3A_508 : i32
        %rem3A_513 = arith.remsi %add3A_349, %select_n3A_512 : i32
        %ne3A_514 = arith.constant 0 : i32
        %ne3A_515 = arith.cmpi ne, %rem3A_513, %ne3A_514 : i32
        %lt3A_516 = arith.constant 0 : i32
        %lt3A_517 = arith.cmpi slt, %rem3A_513, %lt3A_516 : i32
        %lt3A_518 = arith.constant 0 : i32
        %lt3A_519 = arith.cmpi slt, %select_n3A_512, %lt3A_518 : i32
        %ne3A_520 = arith.xori %lt3A_517, %lt3A_519 : i1
        %and3A_521 = arith.andi %ne3A_520, %ne3A_515 : i1
        %add3A_522 = arith.addi %rem3A_513, %select_n3A_512 : i32
        %select_n3A_523 = arith.select %and3A_521, %add3A_522, %rem3A_513 : i32
        %add3A_524 = arith.addi %mul3A_507, %select_n3A_523 : i32
        %ne3A_525 = arith.cmpi ne, %select_n3A_382, %select_n3A_465 : i32
        %ne3A_526 = arith.cmpi ne, %add3A_441, %add3A_524 : i32
        %or3A = arith.constant false
        %or3A_527 = arith.ori %or3A, %ne3A_525 : i1
        %or3A_528 = arith.ori %or3A_527, %ne3A_526 : i1
        %or3A_529 = arith.constant false
        %or3A_530 = arith.ori %or3A_528, %or3A_529 : i1
        %ge3A = arith.constant 103 : i32
        %ge3A_531 = arith.cmpi sge, %scan3A_319, %ge3A : i32
        %not3A = arith.constant true
        %not3A_532 = arith.xori %ge3A_531, %not3A : i1
        %and3A_533 = arith.andi %or3A_530, %not3A_532 : i1
        %convert_element_type3A = arith.extui %and3A_533 : i1 to i32
        %cond3A = arith.constant 0 : i32
        %cond3A_534 = arith.cmpi ne, %convert_element_type3A, %cond3A : i32
        scf.if %cond3A_534 {
          "tpu.trace_start"() <{level = 10 : i32, message = "ep_copy_in"}> : () -> ()
          %rem3A_2242 = arith.constant 2 : i32
          %rem3A_2243 = arith.remui %scan3A_320, %rem3A_2242 : i32
          %jit3A_2244 = arith.constant 128 : i32
          %div3A_2245 = arith.divsi %add3A_349, %jit3A_2244 : i32
          %sign3A_2246 = arith.constant 0 : i32
          %sign3A_2247 = arith.cmpi sgt, %add3A_349, %sign3A_2246 : i32
          %sign3A_2248 = arith.extui %sign3A_2247 : i1 to i32
          %sign3A_2249 = arith.constant 0 : i32
          %sign3A_2250 = arith.cmpi slt, %add3A_349, %sign3A_2249 : i32
          %sign3A_2251 = arith.extui %sign3A_2250 : i1 to i32
          %sign3A_2252 = arith.subi %sign3A_2248, %sign3A_2251 : i32
          %sign3A_2253 = arith.constant 0 : i32
          %sign3A_2254 = arith.cmpi sgt, %jit3A_2244, %sign3A_2253 : i32
          %sign3A_2255 = arith.extui %sign3A_2254 : i1 to i32
          %sign3A_2256 = arith.constant 0 : i32
          %sign3A_2257 = arith.cmpi slt, %jit3A_2244, %sign3A_2256 : i32
          %sign3A_2258 = arith.extui %sign3A_2257 : i1 to i32
          %sign3A_2259 = arith.subi %sign3A_2255, %sign3A_2258 : i32
          %ne3A_2260 = arith.cmpi ne, %sign3A_2252, %sign3A_2259 : i32
          %rem3A_2261 = arith.remsi %add3A_349, %jit3A_2244 : i32
          %ne3A_2262 = arith.constant 0 : i32
          %ne3A_2263 = arith.cmpi ne, %rem3A_2261, %ne3A_2262 : i32
          %and3A_2264 = arith.andi %ne3A_2260, %ne3A_2263 : i1
          %sub3A_2265 = arith.constant 1 : i32
          %sub3A_2266 = arith.subi %div3A_2245, %sub3A_2265 : i32
          %select_n3A_2267 = arith.select %and3A_2264, %sub3A_2266, %div3A_2245 : i32
          %jit3A_2268 = arith.constant 128 : i32
          %eq3A_2269 = arith.constant 0 : i32
          %eq3A_2270 = arith.cmpi eq, %jit3A_2268, %eq3A_2269 : i32
          %jit3A_2271 = arith.constant 1 : i32
          %select_n3A_2272 = arith.select %eq3A_2270, %jit3A_2271, %jit3A_2268 : i32
          %rem3A_2273 = arith.remsi %add3A_349, %select_n3A_2272 : i32
          %ne3A_2274 = arith.constant 0 : i32
          %ne3A_2275 = arith.cmpi ne, %rem3A_2273, %ne3A_2274 : i32
          %lt3A_2276 = arith.constant 0 : i32
          %lt3A_2277 = arith.cmpi slt, %rem3A_2273, %lt3A_2276 : i32
          %lt3A_2278 = arith.constant 0 : i32
          %lt3A_2279 = arith.cmpi slt, %select_n3A_2272, %lt3A_2278 : i32
          %ne3A_2280 = arith.xori %lt3A_2277, %lt3A_2279 : i1
          %and3A_2281 = arith.andi %ne3A_2280, %ne3A_2275 : i1
          %add3A_2282 = arith.addi %rem3A_2273, %select_n3A_2272 : i32
          %select_n3A_2283 = arith.select %and3A_2281, %add3A_2282, %rem3A_2273 : i32
          %jit3A_2284 = arith.constant 16 : i32
          %div3A_2285 = arith.divsi %select_n3A_2283, %jit3A_2284 : i32
          %sign3A_2286 = arith.constant 0 : i32
          %sign3A_2287 = arith.cmpi sgt, %select_n3A_2283, %sign3A_2286 : i32
          %sign3A_2288 = arith.extui %sign3A_2287 : i1 to i32
          %sign3A_2289 = arith.constant 0 : i32
          %sign3A_2290 = arith.cmpi slt, %select_n3A_2283, %sign3A_2289 : i32
          %sign3A_2291 = arith.extui %sign3A_2290 : i1 to i32
          %sign3A_2292 = arith.subi %sign3A_2288, %sign3A_2291 : i32
          %sign3A_2293 = arith.constant 0 : i32
          %sign3A_2294 = arith.cmpi sgt, %jit3A_2284, %sign3A_2293 : i32
          %sign3A_2295 = arith.extui %sign3A_2294 : i1 to i32
          %sign3A_2296 = arith.constant 0 : i32
          %sign3A_2297 = arith.cmpi slt, %jit3A_2284, %sign3A_2296 : i32
          %sign3A_2298 = arith.extui %sign3A_2297 : i1 to i32
          %sign3A_2299 = arith.subi %sign3A_2295, %sign3A_2298 : i32
          %ne3A_2300 = arith.cmpi ne, %sign3A_2292, %sign3A_2299 : i32
          %rem3A_2301 = arith.remsi %select_n3A_2283, %jit3A_2284 : i32
          %ne3A_2302 = arith.constant 0 : i32
          %ne3A_2303 = arith.cmpi ne, %rem3A_2301, %ne3A_2302 : i32
          %and3A_2304 = arith.andi %ne3A_2300, %ne3A_2303 : i1
          %sub3A_2305 = arith.constant 1 : i32
          %sub3A_2306 = arith.subi %div3A_2285, %sub3A_2305 : i32
          %select_n3A_2307 = arith.select %and3A_2304, %sub3A_2306, %div3A_2285 : i32
          %mul3A_2308 = arith.constant 32 : i32
          %mul3A_2309 = arith.muli %mul3A_2308, %select_n3A_2307 : i32
          %jit3A_2310 = arith.constant 16 : i32
          %eq3A_2311 = arith.constant 0 : i32
          %eq3A_2312 = arith.cmpi eq, %jit3A_2310, %eq3A_2311 : i32
          %jit3A_2313 = arith.constant 1 : i32
          %select_n3A_2314 = arith.select %eq3A_2312, %jit3A_2313, %jit3A_2310 : i32
          %rem3A_2315 = arith.remsi %add3A_349, %select_n3A_2314 : i32
          %ne3A_2316 = arith.constant 0 : i32
          %ne3A_2317 = arith.cmpi ne, %rem3A_2315, %ne3A_2316 : i32
          %lt3A_2318 = arith.constant 0 : i32
          %lt3A_2319 = arith.cmpi slt, %rem3A_2315, %lt3A_2318 : i32
          %lt3A_2320 = arith.constant 0 : i32
          %lt3A_2321 = arith.cmpi slt, %select_n3A_2314, %lt3A_2320 : i32
          %ne3A_2322 = arith.xori %lt3A_2319, %lt3A_2321 : i1
          %and3A_2323 = arith.andi %ne3A_2322, %ne3A_2317 : i1
          %add3A_2324 = arith.addi %rem3A_2315, %select_n3A_2314 : i32
          %select_n3A_2325 = arith.select %and3A_2323, %add3A_2324, %rem3A_2315 : i32
          %add3A_2326 = arith.addi %mul3A_2309, %select_n3A_2325 : i32
          %mul3A_2327 = arith.constant 1 : i32
          %mul3A_2328 = arith.muli %mul3A_2327, %select_n3A_2267 : i32
          %mul3A_2329 = arith.constant 1 : i32
          %mul3A_2330 = arith.muli %mul3A_2329, %add3A_2326 : i32
          %dma_start3A_2331 = arith.constant 0 : i32
          %dma_start3A_2332 = arith.constant 0 : i32
          %dma_start3A_2333 = arith.constant 0 : i32
          %dma_start3A_2334 = tpu.memref_slice %run_scoped3A[%rem3A_2243, %dma_start3A_2331, %dma_start3A_2332, %dma_start3A_2333] : memref<2x1x1x64xi32, #tpu.memory_space<vmem>> -> memref<1x1x1x64xi32, #tpu.memory_space<vmem>>
          %dma_start3A_2335 = tpu.memref_squeeze %dma_start3A_2334 : memref<1x1x1x64xi32, #tpu.memory_space<vmem>> -> memref<1x1x64xi32, #tpu.memory_space<vmem>>
          %dma_start3A_2336 = arith.constant 0 : i32
          %dma_start3A_2337 = tpu.memref_slice %arg3[%mul3A_2328, %mul3A_2330, %dma_start3A_2336] : memref<26x256x64xi32, #tpu.memory_space<hbm>> -> memref<1x1x64xi32, #tpu.memory_space<hbm>>
          %dma_start3A_2338 = tpu.memref_slice %run_scoped3A_7[%rem3A_2243] : memref<2x!tpu.dma_semaphore, #tpu.memory_space<semaphore_mem>> -> memref<1x!tpu.dma_semaphore, #tpu.memory_space<semaphore_mem>>
          %dma_start3A_2339 = tpu.memref_squeeze %dma_start3A_2338 : memref<1x!tpu.dma_semaphore, #tpu.memory_space<semaphore_mem>> -> memref<!tpu.dma_semaphore, #tpu.memory_space<semaphore_mem>>
          %dma_start3A_2340 = arith.constant 0 : i32
          %dma_start3A_2341 = arith.constant 0 : i32
          %dma_start3A_2342 = arith.constant 0 : i32
          %dma_start3A_2343 = tpu.memref_slice %run_scoped3A[%rem3A_2243, %dma_start3A_2340, %dma_start3A_2341, %dma_start3A_2342] : memref<2x1x1x64xi32, #tpu.memory_space<vmem>> -> memref<1x1x1x64xi32, #tpu.memory_space<vmem>>
          %dma_start3A_2344 = tpu.memref_squeeze %dma_start3A_2343 : memref<1x1x1x64xi32, #tpu.memory_space<vmem>> -> memref<1x1x64xi32, #tpu.memory_space<vmem>>
          %dma_start3A_2345 = arith.constant 0 : i32
          %dma_start3A_2346 = tpu.memref_slice %arg3[%mul3A_2328, %mul3A_2330, %dma_start3A_2345] : memref<26x256x64xi32, #tpu.memory_space<hbm>> -> memref<1x1x64xi32, #tpu.memory_space<hbm>>
          tpu.enqueue_dma source(%dma_start3A_2346 : memref<1x1x64xi32, #tpu.memory_space<hbm>>) target(%dma_start3A_2344 : memref<1x1x64xi32, #tpu.memory_space<vmem>>) target_semaphore(%dma_start3A_2339 : memref<!tpu.dma_semaphore, #tpu.memory_space<semaphore_mem>>)
          "tpu.trace_stop"() : () -> ()
        } else {
        }
        %and3A_535 = arith.constant true
        %and3A_536 = arith.andi %and3A_533, %and3A_535 : i1
        %add3A_537 = arith.constant 1 : i32
        %add3A_538 = arith.addi %scan3A_320, %add3A_537 : i32
        %select_n3A_539 = arith.select %and3A_536, %add3A_538, %scan3A_320 : i32
        %jit3A_540 = arith.constant 128 : i32
        %div3A_541 = arith.divsi %add3A_331, %jit3A_540 : i32
        %sign3A_542 = arith.constant 0 : i32
        %sign3A_543 = arith.cmpi sgt, %add3A_331, %sign3A_542 : i32
        %sign3A_544 = arith.extui %sign3A_543 : i1 to i32
        %sign3A_545 = arith.constant 0 : i32
        %sign3A_546 = arith.cmpi slt, %add3A_331, %sign3A_545 : i32
        %sign3A_547 = arith.extui %sign3A_546 : i1 to i32
        %sign3A_548 = arith.subi %sign3A_544, %sign3A_547 : i32
        %sign3A_549 = arith.constant 0 : i32
        %sign3A_550 = arith.cmpi sgt, %jit3A_540, %sign3A_549 : i32
        %sign3A_551 = arith.extui %sign3A_550 : i1 to i32
        %sign3A_552 = arith.constant 0 : i32
        %sign3A_553 = arith.cmpi slt, %jit3A_540, %sign3A_552 : i32
        %sign3A_554 = arith.extui %sign3A_553 : i1 to i32
        %sign3A_555 = arith.subi %sign3A_551, %sign3A_554 : i32
        %ne3A_556 = arith.cmpi ne, %sign3A_548, %sign3A_555 : i32
        %rem3A_557 = arith.remsi %add3A_331, %jit3A_540 : i32
        %ne3A_558 = arith.constant 0 : i32
        %ne3A_559 = arith.cmpi ne, %rem3A_557, %ne3A_558 : i32
        %and3A_560 = arith.andi %ne3A_556, %ne3A_559 : i1
        %sub3A_561 = arith.constant 1 : i32
        %sub3A_562 = arith.subi %div3A_541, %sub3A_561 : i32
        %select_n3A_563 = arith.select %and3A_560, %sub3A_562, %div3A_541 : i32
        %jit3A_564 = arith.constant 128 : i32
        %eq3A_565 = arith.constant 0 : i32
        %eq3A_566 = arith.cmpi eq, %jit3A_564, %eq3A_565 : i32
        %jit3A_567 = arith.constant 1 : i32
        %select_n3A_568 = arith.select %eq3A_566, %jit3A_567, %jit3A_564 : i32
        %rem3A_569 = arith.remsi %add3A_331, %select_n3A_568 : i32
        %ne3A_570 = arith.constant 0 : i32
        %ne3A_571 = arith.cmpi ne, %rem3A_569, %ne3A_570 : i32
        %lt3A_572 = arith.constant 0 : i32
        %lt3A_573 = arith.cmpi slt, %rem3A_569, %lt3A_572 : i32
        %lt3A_574 = arith.constant 0 : i32
        %lt3A_575 = arith.cmpi slt, %select_n3A_568, %lt3A_574 : i32
        %ne3A_576 = arith.xori %lt3A_573, %lt3A_575 : i1
        %and3A_577 = arith.andi %ne3A_576, %ne3A_571 : i1
        %add3A_578 = arith.addi %rem3A_569, %select_n3A_568 : i32
        %select_n3A_579 = arith.select %and3A_577, %add3A_578, %rem3A_569 : i32
        %jit3A_580 = arith.constant 16 : i32
        %div3A_581 = arith.divsi %select_n3A_579, %jit3A_580 : i32
        %sign3A_582 = arith.constant 0 : i32
        %sign3A_583 = arith.cmpi sgt, %select_n3A_579, %sign3A_582 : i32
        %sign3A_584 = arith.extui %sign3A_583 : i1 to i32
        %sign3A_585 = arith.constant 0 : i32
        %sign3A_586 = arith.cmpi slt, %select_n3A_579, %sign3A_585 : i32
        %sign3A_587 = arith.extui %sign3A_586 : i1 to i32
        %sign3A_588 = arith.subi %sign3A_584, %sign3A_587 : i32
        %sign3A_589 = arith.constant 0 : i32
        %sign3A_590 = arith.cmpi sgt, %jit3A_580, %sign3A_589 : i32
        %sign3A_591 = arith.extui %sign3A_590 : i1 to i32
        %sign3A_592 = arith.constant 0 : i32
        %sign3A_593 = arith.cmpi slt, %jit3A_580, %sign3A_592 : i32
        %sign3A_594 = arith.extui %sign3A_593 : i1 to i32
        %sign3A_595 = arith.subi %sign3A_591, %sign3A_594 : i32
        %ne3A_596 = arith.cmpi ne, %sign3A_588, %sign3A_595 : i32
        %rem3A_597 = arith.remsi %select_n3A_579, %jit3A_580 : i32
        %ne3A_598 = arith.constant 0 : i32
        %ne3A_599 = arith.cmpi ne, %rem3A_597, %ne3A_598 : i32
        %and3A_600 = arith.andi %ne3A_596, %ne3A_599 : i1
        %sub3A_601 = arith.constant 1 : i32
        %sub3A_602 = arith.subi %div3A_581, %sub3A_601 : i32
        %select_n3A_603 = arith.select %and3A_600, %sub3A_602, %div3A_581 : i32
        %mul3A_604 = arith.constant 32 : i32
        %mul3A_605 = arith.muli %mul3A_604, %select_n3A_603 : i32
        %add3A_606 = arith.constant 16 : i32
        %add3A_607 = arith.addi %mul3A_605, %add3A_606 : i32
        %jit3A_608 = arith.constant 16 : i32
        %eq3A_609 = arith.constant 0 : i32
        %eq3A_610 = arith.cmpi eq, %jit3A_608, %eq3A_609 : i32
        %jit3A_611 = arith.constant 1 : i32
        %select_n3A_612 = arith.select %eq3A_610, %jit3A_611, %jit3A_608 : i32
        %rem3A_613 = arith.remsi %add3A_331, %select_n3A_612 : i32
        %ne3A_614 = arith.constant 0 : i32
        %ne3A_615 = arith.cmpi ne, %rem3A_613, %ne3A_614 : i32
        %lt3A_616 = arith.constant 0 : i32
        %lt3A_617 = arith.cmpi slt, %rem3A_613, %lt3A_616 : i32
        %lt3A_618 = arith.constant 0 : i32
        %lt3A_619 = arith.cmpi slt, %select_n3A_612, %lt3A_618 : i32
        %ne3A_620 = arith.xori %lt3A_617, %lt3A_619 : i1
        %and3A_621 = arith.andi %ne3A_620, %ne3A_615 : i1
        %add3A_622 = arith.addi %rem3A_613, %select_n3A_612 : i32
        %select_n3A_623 = arith.select %and3A_621, %add3A_622, %rem3A_613 : i32
        %add3A_624 = arith.addi %add3A_607, %select_n3A_623 : i32
        %jit3A_625 = arith.constant 128 : i32
        %div3A_626 = arith.divsi %add3A_349, %jit3A_625 : i32
        %sign3A_627 = arith.constant 0 : i32
        %sign3A_628 = arith.cmpi sgt, %add3A_349, %sign3A_627 : i32
        %sign3A_629 = arith.extui %sign3A_628 : i1 to i32
        %sign3A_630 = arith.constant 0 : i32
        %sign3A_631 = arith.cmpi slt, %add3A_349, %sign3A_630 : i32
        %sign3A_632 = arith.extui %sign3A_631 : i1 to i32
        %sign3A_633 = arith.subi %sign3A_629, %sign3A_632 : i32
        %sign3A_634 = arith.constant 0 : i32
        %sign3A_635 = arith.cmpi sgt, %jit3A_625, %sign3A_634 : i32
        %sign3A_636 = arith.extui %sign3A_635 : i1 to i32
        %sign3A_637 = arith.constant 0 : i32
        %sign3A_638 = arith.cmpi slt, %jit3A_625, %sign3A_637 : i32
        %sign3A_639 = arith.extui %sign3A_638 : i1 to i32
        %sign3A_640 = arith.subi %sign3A_636, %sign3A_639 : i32
        %ne3A_641 = arith.cmpi ne, %sign3A_633, %sign3A_640 : i32
        %rem3A_642 = arith.remsi %add3A_349, %jit3A_625 : i32
        %ne3A_643 = arith.constant 0 : i32
        %ne3A_644 = arith.cmpi ne, %rem3A_642, %ne3A_643 : i32
        %and3A_645 = arith.andi %ne3A_641, %ne3A_644 : i1
        %sub3A_646 = arith.constant 1 : i32
        %sub3A_647 = arith.subi %div3A_626, %sub3A_646 : i32
        %select_n3A_648 = arith.select %and3A_645, %sub3A_647, %div3A_626 : i32
        %jit3A_649 = arith.constant 128 : i32
        %eq3A_650 = arith.constant 0 : i32
        %eq3A_651 = arith.cmpi eq, %jit3A_649, %eq3A_650 : i32
        %jit3A_652 = arith.constant 1 : i32
        %select_n3A_653 = arith.select %eq3A_651, %jit3A_652, %jit3A_649 : i32
        %rem3A_654 = arith.remsi %add3A_349, %select_n3A_653 : i32
        %ne3A_655 = arith.constant 0 : i32
        %ne3A_656 = arith.cmpi ne, %rem3A_654, %ne3A_655 : i32
        %lt3A_657 = arith.constant 0 : i32
        %lt3A_658 = arith.cmpi slt, %rem3A_654, %lt3A_657 : i32
        %lt3A_659 = arith.constant 0 : i32
        %lt3A_660 = arith.cmpi slt, %select_n3A_653, %lt3A_659 : i32
        %ne3A_661 = arith.xori %lt3A_658, %lt3A_660 : i1
        %and3A_662 = arith.andi %ne3A_661, %ne3A_656 : i1
        %add3A_663 = arith.addi %rem3A_654, %select_n3A_653 : i32
        %select_n3A_664 = arith.select %and3A_662, %add3A_663, %rem3A_654 : i32
        %jit3A_665 = arith.constant 16 : i32
        %div3A_666 = arith.divsi %select_n3A_664, %jit3A_665 : i32
        %sign3A_667 = arith.constant 0 : i32
        %sign3A_668 = arith.cmpi sgt, %select_n3A_664, %sign3A_667 : i32
        %sign3A_669 = arith.extui %sign3A_668 : i1 to i32
        %sign3A_670 = arith.constant 0 : i32
        %sign3A_671 = arith.cmpi slt, %select_n3A_664, %sign3A_670 : i32
        %sign3A_672 = arith.extui %sign3A_671 : i1 to i32
        %sign3A_673 = arith.subi %sign3A_669, %sign3A_672 : i32
        %sign3A_674 = arith.constant 0 : i32
        %sign3A_675 = arith.cmpi sgt, %jit3A_665, %sign3A_674 : i32
        %sign3A_676 = arith.extui %sign3A_675 : i1 to i32
        %sign3A_677 = arith.constant 0 : i32
        %sign3A_678 = arith.cmpi slt, %jit3A_665, %sign3A_677 : i32
        %sign3A_679 = arith.extui %sign3A_678 : i1 to i32
        %sign3A_680 = arith.subi %sign3A_676, %sign3A_679 : i32
        %ne3A_681 = arith.cmpi ne, %sign3A_673, %sign3A_680 : i32
        %rem3A_682 = arith.remsi %select_n3A_664, %jit3A_665 : i32
        %ne3A_683 = arith.constant 0 : i32
        %ne3A_684 = arith.cmpi ne, %rem3A_682, %ne3A_683 : i32
        %and3A_685 = arith.andi %ne3A_681, %ne3A_684 : i1
        %sub3A_686 = arith.constant 1 : i32
        %sub3A_687 = arith.subi %div3A_666, %sub3A_686 : i32
        %select_n3A_688 = arith.select %and3A_685, %sub3A_687, %div3A_666 : i32
        %mul3A_689 = arith.constant 32 : i32
        %mul3A_690 = arith.muli %mul3A_689, %select_n3A_688 : i32
        %add3A_691 = arith.constant 16 : i32
        %add3A_692 = arith.addi %mul3A_690, %add3A_691 : i32
        %jit3A_693 = arith.constant 16 : i32
        %eq3A_694 = arith.constant 0 : i32
        %eq3A_695 = arith.cmpi eq, %jit3A_693, %eq3A_694 : i32
        %jit3A_696 = arith.constant 1 : i32
        %select_n3A_697 = arith.select %eq3A_695, %jit3A_696, %jit3A_693 : i32
        %rem3A_698 = arith.remsi %add3A_349, %select_n3A_697 : i32
        %ne3A_699 = arith.constant 0 : i32
        %ne3A_700 = arith.cmpi ne, %rem3A_698, %ne3A_699 : i32
        %lt3A_701 = arith.constant 0 : i32
        %lt3A_702 = arith.cmpi slt, %rem3A_698, %lt3A_701 : i32
        %lt3A_703 = arith.constant 0 : i32
        %lt3A_704 = arith.cmpi slt, %select_n3A_697, %lt3A_703 : i32
        %ne3A_705 = arith.xori %lt3A_702, %lt3A_704 : i1
        %and3A_706 = arith.andi %ne3A_705, %ne3A_700 : i1
        %add3A_707 = arith.addi %rem3A_698, %select_n3A_697 : i32
        %select_n3A_708 = arith.select %and3A_706, %add3A_707, %rem3A_698 : i32
        %add3A_709 = arith.addi %add3A_692, %select_n3A_708 : i32
        %ne3A_710 = arith.cmpi ne, %select_n3A_563, %select_n3A_648 : i32
        %ne3A_711 = arith.cmpi ne, %add3A_624, %add3A_709 : i32
        %or3A_712 = arith.constant false
        %or3A_713 = arith.ori %or3A_712, %ne3A_710 : i1
        %or3A_714 = arith.ori %or3A_713, %ne3A_711 : i1
        %or3A_715 = arith.constant false
        %or3A_716 = arith.ori %or3A_714, %or3A_715 : i1
        %ge3A_717 = arith.constant 103 : i32
        %ge3A_718 = arith.cmpi sge, %scan3A_319, %ge3A_717 : i32
        %not3A_719 = arith.constant true
        %not3A_720 = arith.xori %ge3A_718, %not3A_719 : i1
        %and3A_721 = arith.andi %or3A_716, %not3A_720 : i1
        %convert_element_type3A_722 = arith.extui %and3A_721 : i1 to i32
        %cond3A_723 = arith.constant 0 : i32
        %cond3A_724 = arith.cmpi ne, %convert_element_type3A_722, %cond3A_723 : i32
        scf.if %cond3A_724 {
          "tpu.trace_start"() <{level = 10 : i32, message = "ep_copy_in"}> : () -> ()
          %rem3A_2242 = arith.constant 2 : i32
          %rem3A_2243 = arith.remui %scan3A_322, %rem3A_2242 : i32
          %jit3A_2244 = arith.constant 128 : i32
          %div3A_2245 = arith.divsi %add3A_349, %jit3A_2244 : i32
          %sign3A_2246 = arith.constant 0 : i32
          %sign3A_2247 = arith.cmpi sgt, %add3A_349, %sign3A_2246 : i32
          %sign3A_2248 = arith.extui %sign3A_2247 : i1 to i32
          %sign3A_2249 = arith.constant 0 : i32
          %sign3A_2250 = arith.cmpi slt, %add3A_349, %sign3A_2249 : i32
          %sign3A_2251 = arith.extui %sign3A_2250 : i1 to i32
          %sign3A_2252 = arith.subi %sign3A_2248, %sign3A_2251 : i32
          %sign3A_2253 = arith.constant 0 : i32
          %sign3A_2254 = arith.cmpi sgt, %jit3A_2244, %sign3A_2253 : i32
          %sign3A_2255 = arith.extui %sign3A_2254 : i1 to i32
          %sign3A_2256 = arith.constant 0 : i32
          %sign3A_2257 = arith.cmpi slt, %jit3A_2244, %sign3A_2256 : i32
          %sign3A_2258 = arith.extui %sign3A_2257 : i1 to i32
          %sign3A_2259 = arith.subi %sign3A_2255, %sign3A_2258 : i32
          %ne3A_2260 = arith.cmpi ne, %sign3A_2252, %sign3A_2259 : i32
          %rem3A_2261 = arith.remsi %add3A_349, %jit3A_2244 : i32
          %ne3A_2262 = arith.constant 0 : i32
          %ne3A_2263 = arith.cmpi ne, %rem3A_2261, %ne3A_2262 : i32
          %and3A_2264 = arith.andi %ne3A_2260, %ne3A_2263 : i1
          %sub3A_2265 = arith.constant 1 : i32
          %sub3A_2266 = arith.subi %div3A_2245, %sub3A_2265 : i32
          %select_n3A_2267 = arith.select %and3A_2264, %sub3A_2266, %div3A_2245 : i32
          %jit3A_2268 = arith.constant 128 : i32
          %eq3A_2269 = arith.constant 0 : i32
          %eq3A_2270 = arith.cmpi eq, %jit3A_2268, %eq3A_2269 : i32
          %jit3A_2271 = arith.constant 1 : i32
          %select_n3A_2272 = arith.select %eq3A_2270, %jit3A_2271, %jit3A_2268 : i32
          %rem3A_2273 = arith.remsi %add3A_349, %select_n3A_2272 : i32
          %ne3A_2274 = arith.constant 0 : i32
          %ne3A_2275 = arith.cmpi ne, %rem3A_2273, %ne3A_2274 : i32
          %lt3A_2276 = arith.constant 0 : i32
          %lt3A_2277 = arith.cmpi slt, %rem3A_2273, %lt3A_2276 : i32
          %lt3A_2278 = arith.constant 0 : i32
          %lt3A_2279 = arith.cmpi slt, %select_n3A_2272, %lt3A_2278 : i32
          %ne3A_2280 = arith.xori %lt3A_2277, %lt3A_2279 : i1
          %and3A_2281 = arith.andi %ne3A_2280, %ne3A_2275 : i1
          %add3A_2282 = arith.addi %rem3A_2273, %select_n3A_2272 : i32
          %select_n3A_2283 = arith.select %and3A_2281, %add3A_2282, %rem3A_2273 : i32
          %jit3A_2284 = arith.constant 16 : i32
          %div3A_2285 = arith.divsi %select_n3A_2283, %jit3A_2284 : i32
          %sign3A_2286 = arith.constant 0 : i32
          %sign3A_2287 = arith.cmpi sgt, %select_n3A_2283, %sign3A_2286 : i32
          %sign3A_2288 = arith.extui %sign3A_2287 : i1 to i32
          %sign3A_2289 = arith.constant 0 : i32
          %sign3A_2290 = arith.cmpi slt, %select_n3A_2283, %sign3A_2289 : i32
          %sign3A_2291 = arith.extui %sign3A_2290 : i1 to i32
          %sign3A_2292 = arith.subi %sign3A_2288, %sign3A_2291 : i32
          %sign3A_2293 = arith.constant 0 : i32
          %sign3A_2294 = arith.cmpi sgt, %jit3A_2284, %sign3A_2293 : i32
          %sign3A_2295 = arith.extui %sign3A_2294 : i1 to i32
          %sign3A_2296 = arith.constant 0 : i32
          %sign3A_2297 = arith.cmpi slt, %jit3A_2284, %sign3A_2296 : i32
          %sign3A_2298 = arith.extui %sign3A_2297 : i1 to i32
          %sign3A_2299 = arith.subi %sign3A_2295, %sign3A_2298 : i32
          %ne3A_2300 = arith.cmpi ne, %sign3A_2292, %sign3A_2299 : i32
          %rem3A_2301 = arith.remsi %select_n3A_2283, %jit3A_2284 : i32
          %ne3A_2302 = arith.constant 0 : i32
          %ne3A_2303 = arith.cmpi ne, %rem3A_2301, %ne3A_2302 : i32
          %and3A_2304 = arith.andi %ne3A_2300, %ne3A_2303 : i1
          %sub3A_2305 = arith.constant 1 : i32
          %sub3A_2306 = arith.subi %div3A_2285, %sub3A_2305 : i32
          %select_n3A_2307 = arith.select %and3A_2304, %sub3A_2306, %div3A_2285 : i32
          %mul3A_2308 = arith.constant 32 : i32
          %mul3A_2309 = arith.muli %mul3A_2308, %select_n3A_2307 : i32
          %add3A_2310 = arith.constant 16 : i32
          %add3A_2311 = arith.addi %mul3A_2309, %add3A_2310 : i32
          %jit3A_2312 = arith.constant 16 : i32
          %eq3A_2313 = arith.constant 0 : i32
          %eq3A_2314 = arith.cmpi eq, %jit3A_2312, %eq3A_2313 : i32
          %jit3A_2315 = arith.constant 1 : i32
          %select_n3A_2316 = arith.select %eq3A_2314, %jit3A_2315, %jit3A_2312 : i32
          %rem3A_2317 = arith.remsi %add3A_349, %select_n3A_2316 : i32
          %ne3A_2318 = arith.constant 0 : i32
          %ne3A_2319 = arith.cmpi ne, %rem3A_2317, %ne3A_2318 : i32
          %lt3A_2320 = arith.constant 0 : i32
          %lt3A_2321 = arith.cmpi slt, %rem3A_2317, %lt3A_2320 : i32
          %lt3A_2322 = arith.constant 0 : i32
          %lt3A_2323 = arith.cmpi slt, %select_n3A_2316, %lt3A_2322 : i32
          %ne3A_2324 = arith.xori %lt3A_2321, %lt3A_2323 : i1
          %and3A_2325 = arith.andi %ne3A_2324, %ne3A_2319 : i1
          %add3A_2326 = arith.addi %rem3A_2317, %select_n3A_2316 : i32
          %select_n3A_2327 = arith.select %and3A_2325, %add3A_2326, %rem3A_2317 : i32
          %add3A_2328 = arith.addi %add3A_2311, %select_n3A_2327 : i32
          %mul3A_2329 = arith.constant 1 : i32
          %mul3A_2330 = arith.muli %mul3A_2329, %select_n3A_2267 : i32
          %mul3A_2331 = arith.constant 1 : i32
          %mul3A_2332 = arith.muli %mul3A_2331, %add3A_2328 : i32
          %dma_start3A_2333 = arith.constant 0 : i32
          %dma_start3A_2334 = arith.constant 0 : i32
          %dma_start3A_2335 = arith.constant 0 : i32
          %dma_start3A_2336 = tpu.memref_slice %run_scoped3A_8[%rem3A_2243, %dma_start3A_2333, %dma_start3A_2334, %dma_start3A_2335] : memref<2x1x1x64xi32, #tpu.memory_space<vmem>> -> memref<1x1x1x64xi32, #tpu.memory_space<vmem>>
          %dma_start3A_2337 = tpu.memref_squeeze %dma_start3A_2336 : memref<1x1x1x64xi32, #tpu.memory_space<vmem>> -> memref<1x1x64xi32, #tpu.memory_space<vmem>>
          %dma_start3A_2338 = arith.constant 0 : i32
          %dma_start3A_2339 = tpu.memref_slice %arg4[%mul3A_2330, %mul3A_2332, %dma_start3A_2338] : memref<26x256x64xi32, #tpu.memory_space<hbm>> -> memref<1x1x64xi32, #tpu.memory_space<hbm>>
          %dma_start3A_2340 = tpu.memref_slice %run_scoped3A_9[%rem3A_2243] : memref<2x!tpu.dma_semaphore, #tpu.memory_space<semaphore_mem>> -> memref<1x!tpu.dma_semaphore, #tpu.memory_space<semaphore_mem>>
          %dma_start3A_2341 = tpu.memref_squeeze %dma_start3A_2340 : memref<1x!tpu.dma_semaphore, #tpu.memory_space<semaphore_mem>> -> memref<!tpu.dma_semaphore, #tpu.memory_space<semaphore_mem>>
          %dma_start3A_2342 = arith.constant 0 : i32
          %dma_start3A_2343 = arith.constant 0 : i32
          %dma_start3A_2344 = arith.constant 0 : i32
          %dma_start3A_2345 = tpu.memref_slice %run_scoped3A_8[%rem3A_2243, %dma_start3A_2342, %dma_start3A_2343, %dma_start3A_2344] : memref<2x1x1x64xi32, #tpu.memory_space<vmem>> -> memref<1x1x1x64xi32, #tpu.memory_space<vmem>>
          %dma_start3A_2346 = tpu.memref_squeeze %dma_start3A_2345 : memref<1x1x1x64xi32, #tpu.memory_space<vmem>> -> memref<1x1x64xi32, #tpu.memory_space<vmem>>
          %dma_start3A_2347 = arith.constant 0 : i32
          %dma_start3A_2348 = tpu.memref_slice %arg4[%mul3A_2330, %mul3A_2332, %dma_start3A_2347] : memref<26x256x64xi32, #tpu.memory_space<hbm>> -> memref<1x1x64xi32, #tpu.memory_space<hbm>>
          tpu.enqueue_dma source(%dma_start3A_2348 : memref<1x1x64xi32, #tpu.memory_space<hbm>>) target(%dma_start3A_2346 : memref<1x1x64xi32, #tpu.memory_space<vmem>>) target_semaphore(%dma_start3A_2341 : memref<!tpu.dma_semaphore, #tpu.memory_space<semaphore_mem>>)
          "tpu.trace_stop"() : () -> ()
        } else {
        }
        %and3A_725 = arith.constant true
        %and3A_726 = arith.andi %and3A_721, %and3A_725 : i1
        %add3A_727 = arith.constant 1 : i32
        %add3A_728 = arith.addi %scan3A_322, %add3A_727 : i32
        %select_n3A_729 = arith.select %and3A_726, %add3A_728, %scan3A_322 : i32
        %ne3A_730 = arith.cmpi ne, %add3A_331, %add3A_349 : i32
        %or3A_731 = arith.constant false
        %or3A_732 = arith.ori %or3A_731, %ne3A_730 : i1
        %or3A_733 = arith.constant false
        %or3A_734 = arith.ori %or3A_732, %or3A_733 : i1
        %ge3A_735 = arith.constant 103 : i32
        %ge3A_736 = arith.cmpi sge, %scan3A_319, %ge3A_735 : i32
        %not3A_737 = arith.constant true
        %not3A_738 = arith.xori %ge3A_736, %not3A_737 : i1
        %and3A_739 = arith.andi %or3A_734, %not3A_738 : i1
        %jit3A_740 = arith.constant 128 : i32
        %div3A_741 = arith.divsi %add3A_331, %jit3A_740 : i32
        %sign3A_742 = arith.constant 0 : i32
        %sign3A_743 = arith.cmpi sgt, %add3A_331, %sign3A_742 : i32
        %sign3A_744 = arith.extui %sign3A_743 : i1 to i32
        %sign3A_745 = arith.constant 0 : i32
        %sign3A_746 = arith.cmpi slt, %add3A_331, %sign3A_745 : i32
        %sign3A_747 = arith.extui %sign3A_746 : i1 to i32
        %sign3A_748 = arith.subi %sign3A_744, %sign3A_747 : i32
        %sign3A_749 = arith.constant 0 : i32
        %sign3A_750 = arith.cmpi sgt, %jit3A_740, %sign3A_749 : i32
        %sign3A_751 = arith.extui %sign3A_750 : i1 to i32
        %sign3A_752 = arith.constant 0 : i32
        %sign3A_753 = arith.cmpi slt, %jit3A_740, %sign3A_752 : i32
        %sign3A_754 = arith.extui %sign3A_753 : i1 to i32
        %sign3A_755 = arith.subi %sign3A_751, %sign3A_754 : i32
        %ne3A_756 = arith.cmpi ne, %sign3A_748, %sign3A_755 : i32
        %rem3A_757 = arith.remsi %add3A_331, %jit3A_740 : i32
        %ne3A_758 = arith.constant 0 : i32
        %ne3A_759 = arith.cmpi ne, %rem3A_757, %ne3A_758 : i32
        %and3A_760 = arith.andi %ne3A_756, %ne3A_759 : i1
        %sub3A_761 = arith.constant 1 : i32
        %sub3A_762 = arith.subi %div3A_741, %sub3A_761 : i32
        %select_n3A_763 = arith.select %and3A_760, %sub3A_762, %div3A_741 : i32
        %jit3A_764 = arith.constant 128 : i32
        %eq3A_765 = arith.constant 0 : i32
        %eq3A_766 = arith.cmpi eq, %jit3A_764, %eq3A_765 : i32
        %jit3A_767 = arith.constant 1 : i32
        %select_n3A_768 = arith.select %eq3A_766, %jit3A_767, %jit3A_764 : i32
        %rem3A_769 = arith.remsi %add3A_331, %select_n3A_768 : i32
        %ne3A_770 = arith.constant 0 : i32
        %ne3A_771 = arith.cmpi ne, %rem3A_769, %ne3A_770 : i32
        %lt3A_772 = arith.constant 0 : i32
        %lt3A_773 = arith.cmpi slt, %rem3A_769, %lt3A_772 : i32
        %lt3A_774 = arith.constant 0 : i32
        %lt3A_775 = arith.cmpi slt, %select_n3A_768, %lt3A_774 : i32
        %ne3A_776 = arith.xori %lt3A_773, %lt3A_775 : i1
        %and3A_777 = arith.andi %ne3A_776, %ne3A_771 : i1
        %add3A_778 = arith.addi %rem3A_769, %select_n3A_768 : i32
        %select_n3A_779 = arith.select %and3A_777, %add3A_778, %rem3A_769 : i32
        %jit3A_780 = arith.constant 16 : i32
        %div3A_781 = arith.divsi %select_n3A_779, %jit3A_780 : i32
        %sign3A_782 = arith.constant 0 : i32
        %sign3A_783 = arith.cmpi sgt, %select_n3A_779, %sign3A_782 : i32
        %sign3A_784 = arith.extui %sign3A_783 : i1 to i32
        %sign3A_785 = arith.constant 0 : i32
        %sign3A_786 = arith.cmpi slt, %select_n3A_779, %sign3A_785 : i32
        %sign3A_787 = arith.extui %sign3A_786 : i1 to i32
        %sign3A_788 = arith.subi %sign3A_784, %sign3A_787 : i32
        %sign3A_789 = arith.constant 0 : i32
        %sign3A_790 = arith.cmpi sgt, %jit3A_780, %sign3A_789 : i32
        %sign3A_791 = arith.extui %sign3A_790 : i1 to i32
        %sign3A_792 = arith.constant 0 : i32
        %sign3A_793 = arith.cmpi slt, %jit3A_780, %sign3A_792 : i32
        %sign3A_794 = arith.extui %sign3A_793 : i1 to i32
        %sign3A_795 = arith.subi %sign3A_791, %sign3A_794 : i32
        %ne3A_796 = arith.cmpi ne, %sign3A_788, %sign3A_795 : i32
        %rem3A_797 = arith.remsi %select_n3A_779, %jit3A_780 : i32
        %ne3A_798 = arith.constant 0 : i32
        %ne3A_799 = arith.cmpi ne, %rem3A_797, %ne3A_798 : i32
        %and3A_800 = arith.andi %ne3A_796, %ne3A_799 : i1
        %sub3A_801 = arith.constant 1 : i32
        %sub3A_802 = arith.subi %div3A_781, %sub3A_801 : i32
        %select_n3A_803 = arith.select %and3A_800, %sub3A_802, %div3A_781 : i32
        %mul3A_804 = arith.constant 32 : i32
        %mul3A_805 = arith.muli %mul3A_804, %select_n3A_803 : i32
        %jit3A_806 = arith.constant 16 : i32
        %eq3A_807 = arith.constant 0 : i32
        %eq3A_808 = arith.cmpi eq, %jit3A_806, %eq3A_807 : i32
        %jit3A_809 = arith.constant 1 : i32
        %select_n3A_810 = arith.select %eq3A_808, %jit3A_809, %jit3A_806 : i32
        %rem3A_811 = arith.remsi %add3A_331, %select_n3A_810 : i32
        %ne3A_812 = arith.constant 0 : i32
        %ne3A_813 = arith.cmpi ne, %rem3A_811, %ne3A_812 : i32
        %lt3A_814 = arith.constant 0 : i32
        %lt3A_815 = arith.cmpi slt, %rem3A_811, %lt3A_814 : i32
        %lt3A_816 = arith.constant 0 : i32
        %lt3A_817 = arith.cmpi slt, %select_n3A_810, %lt3A_816 : i32
        %ne3A_818 = arith.xori %lt3A_815, %lt3A_817 : i1
        %and3A_819 = arith.andi %ne3A_818, %ne3A_813 : i1
        %add3A_820 = arith.addi %rem3A_811, %select_n3A_810 : i32
        %select_n3A_821 = arith.select %and3A_819, %add3A_820, %rem3A_811 : i32
        %add3A_822 = arith.addi %mul3A_805, %select_n3A_821 : i32
        %jit3A_823 = arith.constant 128 : i32
        %div3A_824 = arith.divsi %add3A_340, %jit3A_823 : i32
        %sign3A_825 = arith.constant 0 : i32
        %sign3A_826 = arith.cmpi sgt, %add3A_340, %sign3A_825 : i32
        %sign3A_827 = arith.extui %sign3A_826 : i1 to i32
        %sign3A_828 = arith.constant 0 : i32
        %sign3A_829 = arith.cmpi slt, %add3A_340, %sign3A_828 : i32
        %sign3A_830 = arith.extui %sign3A_829 : i1 to i32
        %sign3A_831 = arith.subi %sign3A_827, %sign3A_830 : i32
        %sign3A_832 = arith.constant 0 : i32
        %sign3A_833 = arith.cmpi sgt, %jit3A_823, %sign3A_832 : i32
        %sign3A_834 = arith.extui %sign3A_833 : i1 to i32
        %sign3A_835 = arith.constant 0 : i32
        %sign3A_836 = arith.cmpi slt, %jit3A_823, %sign3A_835 : i32
        %sign3A_837 = arith.extui %sign3A_836 : i1 to i32
        %sign3A_838 = arith.subi %sign3A_834, %sign3A_837 : i32
        %ne3A_839 = arith.cmpi ne, %sign3A_831, %sign3A_838 : i32
        %rem3A_840 = arith.remsi %add3A_340, %jit3A_823 : i32
        %ne3A_841 = arith.constant 0 : i32
        %ne3A_842 = arith.cmpi ne, %rem3A_840, %ne3A_841 : i32
        %and3A_843 = arith.andi %ne3A_839, %ne3A_842 : i1
        %sub3A_844 = arith.constant 1 : i32
        %sub3A_845 = arith.subi %div3A_824, %sub3A_844 : i32
        %select_n3A_846 = arith.select %and3A_843, %sub3A_845, %div3A_824 : i32
        %jit3A_847 = arith.constant 128 : i32
        %eq3A_848 = arith.constant 0 : i32
        %eq3A_849 = arith.cmpi eq, %jit3A_847, %eq3A_848 : i32
        %jit3A_850 = arith.constant 1 : i32
        %select_n3A_851 = arith.select %eq3A_849, %jit3A_850, %jit3A_847 : i32
        %rem3A_852 = arith.remsi %add3A_340, %select_n3A_851 : i32
        %ne3A_853 = arith.constant 0 : i32
        %ne3A_854 = arith.cmpi ne, %rem3A_852, %ne3A_853 : i32
        %lt3A_855 = arith.constant 0 : i32
        %lt3A_856 = arith.cmpi slt, %rem3A_852, %lt3A_855 : i32
        %lt3A_857 = arith.constant 0 : i32
        %lt3A_858 = arith.cmpi slt, %select_n3A_851, %lt3A_857 : i32
        %ne3A_859 = arith.xori %lt3A_856, %lt3A_858 : i1
        %and3A_860 = arith.andi %ne3A_859, %ne3A_854 : i1
        %add3A_861 = arith.addi %rem3A_852, %select_n3A_851 : i32
        %select_n3A_862 = arith.select %and3A_860, %add3A_861, %rem3A_852 : i32
        %jit3A_863 = arith.constant 16 : i32
        %div3A_864 = arith.divsi %select_n3A_862, %jit3A_863 : i32
        %sign3A_865 = arith.constant 0 : i32
        %sign3A_866 = arith.cmpi sgt, %select_n3A_862, %sign3A_865 : i32
        %sign3A_867 = arith.extui %sign3A_866 : i1 to i32
        %sign3A_868 = arith.constant 0 : i32
        %sign3A_869 = arith.cmpi slt, %select_n3A_862, %sign3A_868 : i32
        %sign3A_870 = arith.extui %sign3A_869 : i1 to i32
        %sign3A_871 = arith.subi %sign3A_867, %sign3A_870 : i32
        %sign3A_872 = arith.constant 0 : i32
        %sign3A_873 = arith.cmpi sgt, %jit3A_863, %sign3A_872 : i32
        %sign3A_874 = arith.extui %sign3A_873 : i1 to i32
        %sign3A_875 = arith.constant 0 : i32
        %sign3A_876 = arith.cmpi slt, %jit3A_863, %sign3A_875 : i32
        %sign3A_877 = arith.extui %sign3A_876 : i1 to i32
        %sign3A_878 = arith.subi %sign3A_874, %sign3A_877 : i32
        %ne3A_879 = arith.cmpi ne, %sign3A_871, %sign3A_878 : i32
        %rem3A_880 = arith.remsi %select_n3A_862, %jit3A_863 : i32
        %ne3A_881 = arith.constant 0 : i32
        %ne3A_882 = arith.cmpi ne, %rem3A_880, %ne3A_881 : i32
        %and3A_883 = arith.andi %ne3A_879, %ne3A_882 : i1
        %sub3A_884 = arith.constant 1 : i32
        %sub3A_885 = arith.subi %div3A_864, %sub3A_884 : i32
        %select_n3A_886 = arith.select %and3A_883, %sub3A_885, %div3A_864 : i32
        %mul3A_887 = arith.constant 32 : i32
        %mul3A_888 = arith.muli %mul3A_887, %select_n3A_886 : i32
        %jit3A_889 = arith.constant 16 : i32
        %eq3A_890 = arith.constant 0 : i32
        %eq3A_891 = arith.cmpi eq, %jit3A_889, %eq3A_890 : i32
        %jit3A_892 = arith.constant 1 : i32
        %select_n3A_893 = arith.select %eq3A_891, %jit3A_892, %jit3A_889 : i32
        %rem3A_894 = arith.remsi %add3A_340, %select_n3A_893 : i32
        %ne3A_895 = arith.constant 0 : i32
        %ne3A_896 = arith.cmpi ne, %rem3A_894, %ne3A_895 : i32
        %lt3A_897 = arith.constant 0 : i32
        %lt3A_898 = arith.cmpi slt, %rem3A_894, %lt3A_897 : i32
        %lt3A_899 = arith.constant 0 : i32
        %lt3A_900 = arith.cmpi slt, %select_n3A_893, %lt3A_899 : i32
        %ne3A_901 = arith.xori %lt3A_898, %lt3A_900 : i1
        %and3A_902 = arith.andi %ne3A_901, %ne3A_896 : i1
        %add3A_903 = arith.addi %rem3A_894, %select_n3A_893 : i32
        %select_n3A_904 = arith.select %and3A_902, %add3A_903, %rem3A_894 : i32
        %add3A_905 = arith.addi %mul3A_888, %select_n3A_904 : i32
        %ne3A_906 = arith.cmpi ne, %select_n3A_763, %select_n3A_846 : i32
        %ne3A_907 = arith.cmpi ne, %add3A_822, %add3A_905 : i32
        %or3A_908 = arith.constant false
        %or3A_909 = arith.ori %or3A_908, %ne3A_906 : i1
        %or3A_910 = arith.ori %or3A_909, %ne3A_907 : i1
        %or3A_911 = arith.constant false
        %or3A_912 = arith.ori %or3A_910, %or3A_911 : i1
        %or3A_913 = arith.ori %or3A_912, %eq3A_328 : i1
        %convert_element_type3A_914 = arith.extui %or3A_913 : i1 to i32
        %cond3A_915 = arith.constant 0 : i32
        %cond3A_916 = arith.cmpi ne, %convert_element_type3A_914, %cond3A_915 : i32
        scf.if %cond3A_916 {
          %jit3A_2242 = arith.constant 128 : i32
          "tpu.trace_start"() <{level = 10 : i32, message = "ep_wait_in"}> : () -> ()
          %div3A_2243 = arith.divsi %add3A_331, %jit3A_2242 : i32
          %sign3A_2244 = arith.constant 0 : i32
          %sign3A_2245 = arith.cmpi sgt, %add3A_331, %sign3A_2244 : i32
          %sign3A_2246 = arith.extui %sign3A_2245 : i1 to i32
          %sign3A_2247 = arith.constant 0 : i32
          %sign3A_2248 = arith.cmpi slt, %add3A_331, %sign3A_2247 : i32
          %sign3A_2249 = arith.extui %sign3A_2248 : i1 to i32
          %sign3A_2250 = arith.subi %sign3A_2246, %sign3A_2249 : i32
          %sign3A_2251 = arith.constant 0 : i32
          %sign3A_2252 = arith.cmpi sgt, %jit3A_2242, %sign3A_2251 : i32
          %sign3A_2253 = arith.extui %sign3A_2252 : i1 to i32
          %sign3A_2254 = arith.constant 0 : i32
          %sign3A_2255 = arith.cmpi slt, %jit3A_2242, %sign3A_2254 : i32
          %sign3A_2256 = arith.extui %sign3A_2255 : i1 to i32
          %sign3A_2257 = arith.subi %sign3A_2253, %sign3A_2256 : i32
          %ne3A_2258 = arith.cmpi ne, %sign3A_2250, %sign3A_2257 : i32
          %rem3A_2259 = arith.remsi %add3A_331, %jit3A_2242 : i32
          %ne3A_2260 = arith.constant 0 : i32
          %ne3A_2261 = arith.cmpi ne, %rem3A_2259, %ne3A_2260 : i32
          %and3A_2262 = arith.andi %ne3A_2258, %ne3A_2261 : i1
          %sub3A_2263 = arith.constant 1 : i32
          %sub3A_2264 = arith.subi %div3A_2243, %sub3A_2263 : i32
          %select_n3A_2265 = arith.select %and3A_2262, %sub3A_2264, %div3A_2243 : i32
          %jit3A_2266 = arith.constant 128 : i32
          %eq3A_2267 = arith.constant 0 : i32
          %eq3A_2268 = arith.cmpi eq, %jit3A_2266, %eq3A_2267 : i32
          %jit3A_2269 = arith.constant 1 : i32
          %select_n3A_2270 = arith.select %eq3A_2268, %jit3A_2269, %jit3A_2266 : i32
          %rem3A_2271 = arith.remsi %add3A_331, %select_n3A_2270 : i32
          %ne3A_2272 = arith.constant 0 : i32
          %ne3A_2273 = arith.cmpi ne, %rem3A_2271, %ne3A_2272 : i32
          %lt3A_2274 = arith.constant 0 : i32
          %lt3A_2275 = arith.cmpi slt, %rem3A_2271, %lt3A_2274 : i32
          %lt3A_2276 = arith.constant 0 : i32
          %lt3A_2277 = arith.cmpi slt, %select_n3A_2270, %lt3A_2276 : i32
          %ne3A_2278 = arith.xori %lt3A_2275, %lt3A_2277 : i1
          %and3A_2279 = arith.andi %ne3A_2278, %ne3A_2273 : i1
          %add3A_2280 = arith.addi %rem3A_2271, %select_n3A_2270 : i32
          %select_n3A_2281 = arith.select %and3A_2279, %add3A_2280, %rem3A_2271 : i32
          %jit3A_2282 = arith.constant 16 : i32
          %div3A_2283 = arith.divsi %select_n3A_2281, %jit3A_2282 : i32
          %sign3A_2284 = arith.constant 0 : i32
          %sign3A_2285 = arith.cmpi sgt, %select_n3A_2281, %sign3A_2284 : i32
          %sign3A_2286 = arith.extui %sign3A_2285 : i1 to i32
          %sign3A_2287 = arith.constant 0 : i32
          %sign3A_2288 = arith.cmpi slt, %select_n3A_2281, %sign3A_2287 : i32
          %sign3A_2289 = arith.extui %sign3A_2288 : i1 to i32
          %sign3A_2290 = arith.subi %sign3A_2286, %sign3A_2289 : i32
          %sign3A_2291 = arith.constant 0 : i32
          %sign3A_2292 = arith.cmpi sgt, %jit3A_2282, %sign3A_2291 : i32
          %sign3A_2293 = arith.extui %sign3A_2292 : i1 to i32
          %sign3A_2294 = arith.constant 0 : i32
          %sign3A_2295 = arith.cmpi slt, %jit3A_2282, %sign3A_2294 : i32
          %sign3A_2296 = arith.extui %sign3A_2295 : i1 to i32
          %sign3A_2297 = arith.subi %sign3A_2293, %sign3A_2296 : i32
          %ne3A_2298 = arith.cmpi ne, %sign3A_2290, %sign3A_2297 : i32
          %rem3A_2299 = arith.remsi %select_n3A_2281, %jit3A_2282 : i32
          %ne3A_2300 = arith.constant 0 : i32
          %ne3A_2301 = arith.cmpi ne, %rem3A_2299, %ne3A_2300 : i32
          %and3A_2302 = arith.andi %ne3A_2298, %ne3A_2301 : i1
          %sub3A_2303 = arith.constant 1 : i32
          %sub3A_2304 = arith.subi %div3A_2283, %sub3A_2303 : i32
          %select_n3A_2305 = arith.select %and3A_2302, %sub3A_2304, %div3A_2283 : i32
          %mul3A_2306 = arith.constant 32 : i32
          %mul3A_2307 = arith.muli %mul3A_2306, %select_n3A_2305 : i32
          %jit3A_2308 = arith.constant 16 : i32
          %eq3A_2309 = arith.constant 0 : i32
          %eq3A_2310 = arith.cmpi eq, %jit3A_2308, %eq3A_2309 : i32
          %jit3A_2311 = arith.constant 1 : i32
          %select_n3A_2312 = arith.select %eq3A_2310, %jit3A_2311, %jit3A_2308 : i32
          %rem3A_2313 = arith.remsi %add3A_331, %select_n3A_2312 : i32
          %ne3A_2314 = arith.constant 0 : i32
          %ne3A_2315 = arith.cmpi ne, %rem3A_2313, %ne3A_2314 : i32
          %lt3A_2316 = arith.constant 0 : i32
          %lt3A_2317 = arith.cmpi slt, %rem3A_2313, %lt3A_2316 : i32
          %lt3A_2318 = arith.constant 0 : i32
          %lt3A_2319 = arith.cmpi slt, %select_n3A_2312, %lt3A_2318 : i32
          %ne3A_2320 = arith.xori %lt3A_2317, %lt3A_2319 : i1
          %and3A_2321 = arith.andi %ne3A_2320, %ne3A_2315 : i1
          %add3A_2322 = arith.addi %rem3A_2313, %select_n3A_2312 : i32
          %select_n3A_2323 = arith.select %and3A_2321, %add3A_2322, %rem3A_2313 : i32
          %add3A_2324 = arith.addi %mul3A_2307, %select_n3A_2323 : i32
          %mul3A_2325 = arith.constant 1 : i32
          %mul3A_2326 = arith.muli %mul3A_2325, %select_n3A_2265 : i32
          %mul3A_2327 = arith.constant 1 : i32
          %mul3A_2328 = arith.muli %mul3A_2327, %add3A_2324 : i32
          %rem3A_2329 = arith.constant 2 : i32
          %rem3A_2330 = arith.remui %scan3A_321, %rem3A_2329 : i32
          %dma_wait3A_2331 = arith.constant 0 : i32
          %dma_wait3A_2332 = arith.constant 0 : i32
          %dma_wait3A_2333 = arith.constant 0 : i32
          %dma_wait3A_2334 = tpu.memref_slice %run_scoped3A[%rem3A_2330, %dma_wait3A_2331, %dma_wait3A_2332, %dma_wait3A_2333] : memref<2x1x1x64xi32, #tpu.memory_space<vmem>> -> memref<1x1x1x64xi32, #tpu.memory_space<vmem>>
          %dma_wait3A_2335 = tpu.memref_squeeze %dma_wait3A_2334 : memref<1x1x1x64xi32, #tpu.memory_space<vmem>> -> memref<1x1x64xi32, #tpu.memory_space<vmem>>
          %dma_wait3A_2336 = arith.constant 0 : i32
          %dma_wait3A_2337 = tpu.memref_slice %arg3[%mul3A_2326, %mul3A_2328, %dma_wait3A_2336] : memref<26x256x64xi32, #tpu.memory_space<hbm>> -> memref<1x1x64xi32, #tpu.memory_space<hbm>>
          %dma_wait3A_2338 = tpu.memref_slice %run_scoped3A_7[%rem3A_2330] : memref<2x!tpu.dma_semaphore, #tpu.memory_space<semaphore_mem>> -> memref<1x!tpu.dma_semaphore, #tpu.memory_space<semaphore_mem>>
          %dma_wait3A_2339 = tpu.memref_squeeze %dma_wait3A_2338 : memref<1x!tpu.dma_semaphore, #tpu.memory_space<semaphore_mem>> -> memref<!tpu.dma_semaphore, #tpu.memory_space<semaphore_mem>>
          %dma_wait3A_2340 = arith.constant 0 : i32
          %dma_wait3A_2341 = arith.constant 0 : i32
          %dma_wait3A_2342 = arith.constant 0 : i32
          %dma_wait3A_2343 = tpu.memref_slice %run_scoped3A[%rem3A_2330, %dma_wait3A_2340, %dma_wait3A_2341, %dma_wait3A_2342] : memref<2x1x1x64xi32, #tpu.memory_space<vmem>> -> memref<1x1x1x64xi32, #tpu.memory_space<vmem>>
          %dma_wait3A_2344 = tpu.memref_squeeze %dma_wait3A_2343 : memref<1x1x1x64xi32, #tpu.memory_space<vmem>> -> memref<1x1x64xi32, #tpu.memory_space<vmem>>
          %dma_wait3A_2345 = arith.constant 0 : i32
          %dma_wait3A_2346 = tpu.memref_slice %arg3[%mul3A_2326, %mul3A_2328, %dma_wait3A_2345] : memref<26x256x64xi32, #tpu.memory_space<hbm>> -> memref<1x1x64xi32, #tpu.memory_space<hbm>>
          tpu.wait_dma2 semaphore(%dma_wait3A_2339 : memref<!tpu.dma_semaphore, #tpu.memory_space<semaphore_mem>>) src(%dma_wait3A_2346 : memref<1x1x64xi32, #tpu.memory_space<hbm>>) dst(%dma_wait3A_2344 : memref<1x1x64xi32, #tpu.memory_space<vmem>>)
          "tpu.trace_stop"() : () -> ()
        } else {
        }
        %jit3A_917 = arith.constant 128 : i32
        %div3A_918 = arith.divsi %add3A_331, %jit3A_917 : i32
        %sign3A_919 = arith.constant 0 : i32
        %sign3A_920 = arith.cmpi sgt, %add3A_331, %sign3A_919 : i32
        %sign3A_921 = arith.extui %sign3A_920 : i1 to i32
        %sign3A_922 = arith.constant 0 : i32
        %sign3A_923 = arith.cmpi slt, %add3A_331, %sign3A_922 : i32
        %sign3A_924 = arith.extui %sign3A_923 : i1 to i32
        %sign3A_925 = arith.subi %sign3A_921, %sign3A_924 : i32
        %sign3A_926 = arith.constant 0 : i32
        %sign3A_927 = arith.cmpi sgt, %jit3A_917, %sign3A_926 : i32
        %sign3A_928 = arith.extui %sign3A_927 : i1 to i32
        %sign3A_929 = arith.constant 0 : i32
        %sign3A_930 = arith.cmpi slt, %jit3A_917, %sign3A_929 : i32
        %sign3A_931 = arith.extui %sign3A_930 : i1 to i32
        %sign3A_932 = arith.subi %sign3A_928, %sign3A_931 : i32
        %ne3A_933 = arith.cmpi ne, %sign3A_925, %sign3A_932 : i32
        %rem3A_934 = arith.remsi %add3A_331, %jit3A_917 : i32
        %ne3A_935 = arith.constant 0 : i32
        %ne3A_936 = arith.cmpi ne, %rem3A_934, %ne3A_935 : i32
        %and3A_937 = arith.andi %ne3A_933, %ne3A_936 : i1
        %sub3A_938 = arith.constant 1 : i32
        %sub3A_939 = arith.subi %div3A_918, %sub3A_938 : i32
        %select_n3A_940 = arith.select %and3A_937, %sub3A_939, %div3A_918 : i32
        %jit3A_941 = arith.constant 128 : i32
        %eq3A_942 = arith.constant 0 : i32
        %eq3A_943 = arith.cmpi eq, %jit3A_941, %eq3A_942 : i32
        %jit3A_944 = arith.constant 1 : i32
        %select_n3A_945 = arith.select %eq3A_943, %jit3A_944, %jit3A_941 : i32
        %rem3A_946 = arith.remsi %add3A_331, %select_n3A_945 : i32
        %ne3A_947 = arith.constant 0 : i32
        %ne3A_948 = arith.cmpi ne, %rem3A_946, %ne3A_947 : i32
        %lt3A_949 = arith.constant 0 : i32
        %lt3A_950 = arith.cmpi slt, %rem3A_946, %lt3A_949 : i32
        %lt3A_951 = arith.constant 0 : i32
        %lt3A_952 = arith.cmpi slt, %select_n3A_945, %lt3A_951 : i32
        %ne3A_953 = arith.xori %lt3A_950, %lt3A_952 : i1
        %and3A_954 = arith.andi %ne3A_953, %ne3A_948 : i1
        %add3A_955 = arith.addi %rem3A_946, %select_n3A_945 : i32
        %select_n3A_956 = arith.select %and3A_954, %add3A_955, %rem3A_946 : i32
        %jit3A_957 = arith.constant 16 : i32
        %div3A_958 = arith.divsi %select_n3A_956, %jit3A_957 : i32
        %sign3A_959 = arith.constant 0 : i32
        %sign3A_960 = arith.cmpi sgt, %select_n3A_956, %sign3A_959 : i32
        %sign3A_961 = arith.extui %sign3A_960 : i1 to i32
        %sign3A_962 = arith.constant 0 : i32
        %sign3A_963 = arith.cmpi slt, %select_n3A_956, %sign3A_962 : i32
        %sign3A_964 = arith.extui %sign3A_963 : i1 to i32
        %sign3A_965 = arith.subi %sign3A_961, %sign3A_964 : i32
        %sign3A_966 = arith.constant 0 : i32
        %sign3A_967 = arith.cmpi sgt, %jit3A_957, %sign3A_966 : i32
        %sign3A_968 = arith.extui %sign3A_967 : i1 to i32
        %sign3A_969 = arith.constant 0 : i32
        %sign3A_970 = arith.cmpi slt, %jit3A_957, %sign3A_969 : i32
        %sign3A_971 = arith.extui %sign3A_970 : i1 to i32
        %sign3A_972 = arith.subi %sign3A_968, %sign3A_971 : i32
        %ne3A_973 = arith.cmpi ne, %sign3A_965, %sign3A_972 : i32
        %rem3A_974 = arith.remsi %select_n3A_956, %jit3A_957 : i32
        %ne3A_975 = arith.constant 0 : i32
        %ne3A_976 = arith.cmpi ne, %rem3A_974, %ne3A_975 : i32
        %and3A_977 = arith.andi %ne3A_973, %ne3A_976 : i1
        %sub3A_978 = arith.constant 1 : i32
        %sub3A_979 = arith.subi %div3A_958, %sub3A_978 : i32
        %select_n3A_980 = arith.select %and3A_977, %sub3A_979, %div3A_958 : i32
        %mul3A_981 = arith.constant 32 : i32
        %mul3A_982 = arith.muli %mul3A_981, %select_n3A_980 : i32
        %add3A_983 = arith.constant 16 : i32
        %add3A_984 = arith.addi %mul3A_982, %add3A_983 : i32
        %jit3A_985 = arith.constant 16 : i32
        %eq3A_986 = arith.constant 0 : i32
        %eq3A_987 = arith.cmpi eq, %jit3A_985, %eq3A_986 : i32
        %jit3A_988 = arith.constant 1 : i32
        %select_n3A_989 = arith.select %eq3A_987, %jit3A_988, %jit3A_985 : i32
        %rem3A_990 = arith.remsi %add3A_331, %select_n3A_989 : i32
        %ne3A_991 = arith.constant 0 : i32
        %ne3A_992 = arith.cmpi ne, %rem3A_990, %ne3A_991 : i32
        %lt3A_993 = arith.constant 0 : i32
        %lt3A_994 = arith.cmpi slt, %rem3A_990, %lt3A_993 : i32
        %lt3A_995 = arith.constant 0 : i32
        %lt3A_996 = arith.cmpi slt, %select_n3A_989, %lt3A_995 : i32
        %ne3A_997 = arith.xori %lt3A_994, %lt3A_996 : i1
        %and3A_998 = arith.andi %ne3A_997, %ne3A_992 : i1
        %add3A_999 = arith.addi %rem3A_990, %select_n3A_989 : i32
        %select_n3A_1000 = arith.select %and3A_998, %add3A_999, %rem3A_990 : i32
        %add3A_1001 = arith.addi %add3A_984, %select_n3A_1000 : i32
        %jit3A_1002 = arith.constant 128 : i32
        %div3A_1003 = arith.divsi %add3A_340, %jit3A_1002 : i32
        %sign3A_1004 = arith.constant 0 : i32
        %sign3A_1005 = arith.cmpi sgt, %add3A_340, %sign3A_1004 : i32
        %sign3A_1006 = arith.extui %sign3A_1005 : i1 to i32
        %sign3A_1007 = arith.constant 0 : i32
        %sign3A_1008 = arith.cmpi slt, %add3A_340, %sign3A_1007 : i32
        %sign3A_1009 = arith.extui %sign3A_1008 : i1 to i32
        %sign3A_1010 = arith.subi %sign3A_1006, %sign3A_1009 : i32
        %sign3A_1011 = arith.constant 0 : i32
        %sign3A_1012 = arith.cmpi sgt, %jit3A_1002, %sign3A_1011 : i32
        %sign3A_1013 = arith.extui %sign3A_1012 : i1 to i32
        %sign3A_1014 = arith.constant 0 : i32
        %sign3A_1015 = arith.cmpi slt, %jit3A_1002, %sign3A_1014 : i32
        %sign3A_1016 = arith.extui %sign3A_1015 : i1 to i32
        %sign3A_1017 = arith.subi %sign3A_1013, %sign3A_1016 : i32
        %ne3A_1018 = arith.cmpi ne, %sign3A_1010, %sign3A_1017 : i32
        %rem3A_1019 = arith.remsi %add3A_340, %jit3A_1002 : i32
        %ne3A_1020 = arith.constant 0 : i32
        %ne3A_1021 = arith.cmpi ne, %rem3A_1019, %ne3A_1020 : i32
        %and3A_1022 = arith.andi %ne3A_1018, %ne3A_1021 : i1
        %sub3A_1023 = arith.constant 1 : i32
        %sub3A_1024 = arith.subi %div3A_1003, %sub3A_1023 : i32
        %select_n3A_1025 = arith.select %and3A_1022, %sub3A_1024, %div3A_1003 : i32
        %jit3A_1026 = arith.constant 128 : i32
        %eq3A_1027 = arith.constant 0 : i32
        %eq3A_1028 = arith.cmpi eq, %jit3A_1026, %eq3A_1027 : i32
        %jit3A_1029 = arith.constant 1 : i32
        %select_n3A_1030 = arith.select %eq3A_1028, %jit3A_1029, %jit3A_1026 : i32
        %rem3A_1031 = arith.remsi %add3A_340, %select_n3A_1030 : i32
        %ne3A_1032 = arith.constant 0 : i32
        %ne3A_1033 = arith.cmpi ne, %rem3A_1031, %ne3A_1032 : i32
        %lt3A_1034 = arith.constant 0 : i32
        %lt3A_1035 = arith.cmpi slt, %rem3A_1031, %lt3A_1034 : i32
        %lt3A_1036 = arith.constant 0 : i32
        %lt3A_1037 = arith.cmpi slt, %select_n3A_1030, %lt3A_1036 : i32
        %ne3A_1038 = arith.xori %lt3A_1035, %lt3A_1037 : i1
        %and3A_1039 = arith.andi %ne3A_1038, %ne3A_1033 : i1
        %add3A_1040 = arith.addi %rem3A_1031, %select_n3A_1030 : i32
        %select_n3A_1041 = arith.select %and3A_1039, %add3A_1040, %rem3A_1031 : i32
        %jit3A_1042 = arith.constant 16 : i32
        %div3A_1043 = arith.divsi %select_n3A_1041, %jit3A_1042 : i32
        %sign3A_1044 = arith.constant 0 : i32
        %sign3A_1045 = arith.cmpi sgt, %select_n3A_1041, %sign3A_1044 : i32
        %sign3A_1046 = arith.extui %sign3A_1045 : i1 to i32
        %sign3A_1047 = arith.constant 0 : i32
        %sign3A_1048 = arith.cmpi slt, %select_n3A_1041, %sign3A_1047 : i32
        %sign3A_1049 = arith.extui %sign3A_1048 : i1 to i32
        %sign3A_1050 = arith.subi %sign3A_1046, %sign3A_1049 : i32
        %sign3A_1051 = arith.constant 0 : i32
        %sign3A_1052 = arith.cmpi sgt, %jit3A_1042, %sign3A_1051 : i32
        %sign3A_1053 = arith.extui %sign3A_1052 : i1 to i32
        %sign3A_1054 = arith.constant 0 : i32
        %sign3A_1055 = arith.cmpi slt, %jit3A_1042, %sign3A_1054 : i32
        %sign3A_1056 = arith.extui %sign3A_1055 : i1 to i32
        %sign3A_1057 = arith.subi %sign3A_1053, %sign3A_1056 : i32
        %ne3A_1058 = arith.cmpi ne, %sign3A_1050, %sign3A_1057 : i32
        %rem3A_1059 = arith.remsi %select_n3A_1041, %jit3A_1042 : i32
        %ne3A_1060 = arith.constant 0 : i32
        %ne3A_1061 = arith.cmpi ne, %rem3A_1059, %ne3A_1060 : i32
        %and3A_1062 = arith.andi %ne3A_1058, %ne3A_1061 : i1
        %sub3A_1063 = arith.constant 1 : i32
        %sub3A_1064 = arith.subi %div3A_1043, %sub3A_1063 : i32
        %select_n3A_1065 = arith.select %and3A_1062, %sub3A_1064, %div3A_1043 : i32
        %mul3A_1066 = arith.constant 32 : i32
        %mul3A_1067 = arith.muli %mul3A_1066, %select_n3A_1065 : i32
        %add3A_1068 = arith.constant 16 : i32
        %add3A_1069 = arith.addi %mul3A_1067, %add3A_1068 : i32
        %jit3A_1070 = arith.constant 16 : i32
        %eq3A_1071 = arith.constant 0 : i32
        %eq3A_1072 = arith.cmpi eq, %jit3A_1070, %eq3A_1071 : i32
        %jit3A_1073 = arith.constant 1 : i32
        %select_n3A_1074 = arith.select %eq3A_1072, %jit3A_1073, %jit3A_1070 : i32
        %rem3A_1075 = arith.remsi %add3A_340, %select_n3A_1074 : i32
        %ne3A_1076 = arith.constant 0 : i32
        %ne3A_1077 = arith.cmpi ne, %rem3A_1075, %ne3A_1076 : i32
        %lt3A_1078 = arith.constant 0 : i32
        %lt3A_1079 = arith.cmpi slt, %rem3A_1075, %lt3A_1078 : i32
        %lt3A_1080 = arith.constant 0 : i32
        %lt3A_1081 = arith.cmpi slt, %select_n3A_1074, %lt3A_1080 : i32
        %ne3A_1082 = arith.xori %lt3A_1079, %lt3A_1081 : i1
        %and3A_1083 = arith.andi %ne3A_1082, %ne3A_1077 : i1
        %add3A_1084 = arith.addi %rem3A_1075, %select_n3A_1074 : i32
        %select_n3A_1085 = arith.select %and3A_1083, %add3A_1084, %rem3A_1075 : i32
        %add3A_1086 = arith.addi %add3A_1069, %select_n3A_1085 : i32
        %ne3A_1087 = arith.cmpi ne, %select_n3A_940, %select_n3A_1025 : i32
        %ne3A_1088 = arith.cmpi ne, %add3A_1001, %add3A_1086 : i32
        %or3A_1089 = arith.constant false
        %or3A_1090 = arith.ori %or3A_1089, %ne3A_1087 : i1
        %or3A_1091 = arith.ori %or3A_1090, %ne3A_1088 : i1
        %or3A_1092 = arith.constant false
        %or3A_1093 = arith.ori %or3A_1091, %or3A_1092 : i1
        %or3A_1094 = arith.ori %or3A_1093, %eq3A_328 : i1
        %convert_element_type3A_1095 = arith.extui %or3A_1094 : i1 to i32
        %cond3A_1096 = arith.constant 0 : i32
        %cond3A_1097 = arith.cmpi ne, %convert_element_type3A_1095, %cond3A_1096 : i32
        scf.if %cond3A_1097 {
          %jit3A_2242 = arith.constant 128 : i32
          "tpu.trace_start"() <{level = 10 : i32, message = "ep_wait_in"}> : () -> ()
          %div3A_2243 = arith.divsi %add3A_331, %jit3A_2242 : i32
          %sign3A_2244 = arith.constant 0 : i32
          %sign3A_2245 = arith.cmpi sgt, %add3A_331, %sign3A_2244 : i32
          %sign3A_2246 = arith.extui %sign3A_2245 : i1 to i32
          %sign3A_2247 = arith.constant 0 : i32
          %sign3A_2248 = arith.cmpi slt, %add3A_331, %sign3A_2247 : i32
          %sign3A_2249 = arith.extui %sign3A_2248 : i1 to i32
          %sign3A_2250 = arith.subi %sign3A_2246, %sign3A_2249 : i32
          %sign3A_2251 = arith.constant 0 : i32
          %sign3A_2252 = arith.cmpi sgt, %jit3A_2242, %sign3A_2251 : i32
          %sign3A_2253 = arith.extui %sign3A_2252 : i1 to i32
          %sign3A_2254 = arith.constant 0 : i32
          %sign3A_2255 = arith.cmpi slt, %jit3A_2242, %sign3A_2254 : i32
          %sign3A_2256 = arith.extui %sign3A_2255 : i1 to i32
          %sign3A_2257 = arith.subi %sign3A_2253, %sign3A_2256 : i32
          %ne3A_2258 = arith.cmpi ne, %sign3A_2250, %sign3A_2257 : i32
          %rem3A_2259 = arith.remsi %add3A_331, %jit3A_2242 : i32
          %ne3A_2260 = arith.constant 0 : i32
          %ne3A_2261 = arith.cmpi ne, %rem3A_2259, %ne3A_2260 : i32
          %and3A_2262 = arith.andi %ne3A_2258, %ne3A_2261 : i1
          %sub3A_2263 = arith.constant 1 : i32
          %sub3A_2264 = arith.subi %div3A_2243, %sub3A_2263 : i32
          %select_n3A_2265 = arith.select %and3A_2262, %sub3A_2264, %div3A_2243 : i32
          %jit3A_2266 = arith.constant 128 : i32
          %eq3A_2267 = arith.constant 0 : i32
          %eq3A_2268 = arith.cmpi eq, %jit3A_2266, %eq3A_2267 : i32
          %jit3A_2269 = arith.constant 1 : i32
          %select_n3A_2270 = arith.select %eq3A_2268, %jit3A_2269, %jit3A_2266 : i32
          %rem3A_2271 = arith.remsi %add3A_331, %select_n3A_2270 : i32
          %ne3A_2272 = arith.constant 0 : i32
          %ne3A_2273 = arith.cmpi ne, %rem3A_2271, %ne3A_2272 : i32
          %lt3A_2274 = arith.constant 0 : i32
          %lt3A_2275 = arith.cmpi slt, %rem3A_2271, %lt3A_2274 : i32
          %lt3A_2276 = arith.constant 0 : i32
          %lt3A_2277 = arith.cmpi slt, %select_n3A_2270, %lt3A_2276 : i32
          %ne3A_2278 = arith.xori %lt3A_2275, %lt3A_2277 : i1
          %and3A_2279 = arith.andi %ne3A_2278, %ne3A_2273 : i1
          %add3A_2280 = arith.addi %rem3A_2271, %select_n3A_2270 : i32
          %select_n3A_2281 = arith.select %and3A_2279, %add3A_2280, %rem3A_2271 : i32
          %jit3A_2282 = arith.constant 16 : i32
          %div3A_2283 = arith.divsi %select_n3A_2281, %jit3A_2282 : i32
          %sign3A_2284 = arith.constant 0 : i32
          %sign3A_2285 = arith.cmpi sgt, %select_n3A_2281, %sign3A_2284 : i32
          %sign3A_2286 = arith.extui %sign3A_2285 : i1 to i32
          %sign3A_2287 = arith.constant 0 : i32
          %sign3A_2288 = arith.cmpi slt, %select_n3A_2281, %sign3A_2287 : i32
          %sign3A_2289 = arith.extui %sign3A_2288 : i1 to i32
          %sign3A_2290 = arith.subi %sign3A_2286, %sign3A_2289 : i32
          %sign3A_2291 = arith.constant 0 : i32
          %sign3A_2292 = arith.cmpi sgt, %jit3A_2282, %sign3A_2291 : i32
          %sign3A_2293 = arith.extui %sign3A_2292 : i1 to i32
          %sign3A_2294 = arith.constant 0 : i32
          %sign3A_2295 = arith.cmpi slt, %jit3A_2282, %sign3A_2294 : i32
          %sign3A_2296 = arith.extui %sign3A_2295 : i1 to i32
          %sign3A_2297 = arith.subi %sign3A_2293, %sign3A_2296 : i32
          %ne3A_2298 = arith.cmpi ne, %sign3A_2290, %sign3A_2297 : i32
          %rem3A_2299 = arith.remsi %select_n3A_2281, %jit3A_2282 : i32
          %ne3A_2300 = arith.constant 0 : i32
          %ne3A_2301 = arith.cmpi ne, %rem3A_2299, %ne3A_2300 : i32
          %and3A_2302 = arith.andi %ne3A_2298, %ne3A_2301 : i1
          %sub3A_2303 = arith.constant 1 : i32
          %sub3A_2304 = arith.subi %div3A_2283, %sub3A_2303 : i32
          %select_n3A_2305 = arith.select %and3A_2302, %sub3A_2304, %div3A_2283 : i32
          %mul3A_2306 = arith.constant 32 : i32
          %mul3A_2307 = arith.muli %mul3A_2306, %select_n3A_2305 : i32
          %add3A_2308 = arith.constant 16 : i32
          %add3A_2309 = arith.addi %mul3A_2307, %add3A_2308 : i32
          %jit3A_2310 = arith.constant 16 : i32
          %eq3A_2311 = arith.constant 0 : i32
          %eq3A_2312 = arith.cmpi eq, %jit3A_2310, %eq3A_2311 : i32
          %jit3A_2313 = arith.constant 1 : i32
          %select_n3A_2314 = arith.select %eq3A_2312, %jit3A_2313, %jit3A_2310 : i32
          %rem3A_2315 = arith.remsi %add3A_331, %select_n3A_2314 : i32
          %ne3A_2316 = arith.constant 0 : i32
          %ne3A_2317 = arith.cmpi ne, %rem3A_2315, %ne3A_2316 : i32
          %lt3A_2318 = arith.constant 0 : i32
          %lt3A_2319 = arith.cmpi slt, %rem3A_2315, %lt3A_2318 : i32
          %lt3A_2320 = arith.constant 0 : i32
          %lt3A_2321 = arith.cmpi slt, %select_n3A_2314, %lt3A_2320 : i32
          %ne3A_2322 = arith.xori %lt3A_2319, %lt3A_2321 : i1
          %and3A_2323 = arith.andi %ne3A_2322, %ne3A_2317 : i1
          %add3A_2324 = arith.addi %rem3A_2315, %select_n3A_2314 : i32
          %select_n3A_2325 = arith.select %and3A_2323, %add3A_2324, %rem3A_2315 : i32
          %add3A_2326 = arith.addi %add3A_2309, %select_n3A_2325 : i32
          %mul3A_2327 = arith.constant 1 : i32
          %mul3A_2328 = arith.muli %mul3A_2327, %select_n3A_2265 : i32
          %mul3A_2329 = arith.constant 1 : i32
          %mul3A_2330 = arith.muli %mul3A_2329, %add3A_2326 : i32
          %rem3A_2331 = arith.constant 2 : i32
          %rem3A_2332 = arith.remui %scan3A_323, %rem3A_2331 : i32
          %dma_wait3A_2333 = arith.constant 0 : i32
          %dma_wait3A_2334 = arith.constant 0 : i32
          %dma_wait3A_2335 = arith.constant 0 : i32
          %dma_wait3A_2336 = tpu.memref_slice %run_scoped3A_8[%rem3A_2332, %dma_wait3A_2333, %dma_wait3A_2334, %dma_wait3A_2335] : memref<2x1x1x64xi32, #tpu.memory_space<vmem>> -> memref<1x1x1x64xi32, #tpu.memory_space<vmem>>
          %dma_wait3A_2337 = tpu.memref_squeeze %dma_wait3A_2336 : memref<1x1x1x64xi32, #tpu.memory_space<vmem>> -> memref<1x1x64xi32, #tpu.memory_space<vmem>>
          %dma_wait3A_2338 = arith.constant 0 : i32
          %dma_wait3A_2339 = tpu.memref_slice %arg4[%mul3A_2328, %mul3A_2330, %dma_wait3A_2338] : memref<26x256x64xi32, #tpu.memory_space<hbm>> -> memref<1x1x64xi32, #tpu.memory_space<hbm>>
          %dma_wait3A_2340 = tpu.memref_slice %run_scoped3A_9[%rem3A_2332] : memref<2x!tpu.dma_semaphore, #tpu.memory_space<semaphore_mem>> -> memref<1x!tpu.dma_semaphore, #tpu.memory_space<semaphore_mem>>
          %dma_wait3A_2341 = tpu.memref_squeeze %dma_wait3A_2340 : memref<1x!tpu.dma_semaphore, #tpu.memory_space<semaphore_mem>> -> memref<!tpu.dma_semaphore, #tpu.memory_space<semaphore_mem>>
          %dma_wait3A_2342 = arith.constant 0 : i32
          %dma_wait3A_2343 = arith.constant 0 : i32
          %dma_wait3A_2344 = arith.constant 0 : i32
          %dma_wait3A_2345 = tpu.memref_slice %run_scoped3A_8[%rem3A_2332, %dma_wait3A_2342, %dma_wait3A_2343, %dma_wait3A_2344] : memref<2x1x1x64xi32, #tpu.memory_space<vmem>> -> memref<1x1x1x64xi32, #tpu.memory_space<vmem>>
          %dma_wait3A_2346 = tpu.memref_squeeze %dma_wait3A_2345 : memref<1x1x1x64xi32, #tpu.memory_space<vmem>> -> memref<1x1x64xi32, #tpu.memory_space<vmem>>
          %dma_wait3A_2347 = arith.constant 0 : i32
          %dma_wait3A_2348 = tpu.memref_slice %arg4[%mul3A_2328, %mul3A_2330, %dma_wait3A_2347] : memref<26x256x64xi32, #tpu.memory_space<hbm>> -> memref<1x1x64xi32, #tpu.memory_space<hbm>>
          tpu.wait_dma2 semaphore(%dma_wait3A_2341 : memref<!tpu.dma_semaphore, #tpu.memory_space<semaphore_mem>>) src(%dma_wait3A_2348 : memref<1x1x64xi32, #tpu.memory_space<hbm>>) dst(%dma_wait3A_2346 : memref<1x1x64xi32, #tpu.memory_space<vmem>>)
          "tpu.trace_stop"() : () -> ()
        } else {
        }
        %ne3A_1098 = arith.cmpi ne, %add3A_331, %add3A_340 : i32
        %or3A_1099 = arith.constant false
        %or3A_1100 = arith.ori %or3A_1099, %ne3A_1098 : i1
        %or3A_1101 = arith.constant false
        %or3A_1102 = arith.ori %or3A_1100, %or3A_1101 : i1
        %or3A_1103 = arith.ori %or3A_1102, %eq3A_328 : i1
        %convert_element_type3A_1104 = arith.extui %or3A_1103 : i1 to i32
        %cond3A_1105 = arith.constant 0 : i32
        %cond3A_1106 = arith.cmpi ne, %convert_element_type3A_1104, %cond3A_1105 : i32
        scf.if %cond3A_1106 {
        } else {
        }
        %rem3A_1107 = arith.constant 2 : i32
        %rem3A_1108 = arith.remui %scan3A_321, %rem3A_1107 : i32
        %rem3A_1109 = arith.constant 2 : i32
        %rem3A_1110 = arith.remui %scan3A_323, %rem3A_1109 : i32
        %rem3A_1111 = arith.constant 2 : i32
        %rem3A_1112 = arith.remui %scan3A_324, %rem3A_1111 : i32
        "tpu.trace_start"() <{level = 10 : i32, message = "ep_run_kernel"}> : () -> ()
        %scan3A_1113 = arith.constant 0 : i32
        %scan3A_1114 = arith.constant 4 : i32
        %scan3A_1115 = arith.addi %scan3A_1113, %scan3A_1114 : i32
        %scan3A_1116 = arith.constant 1 : i32
        scf.for %scan3A_2242 = %scan3A_1113 to %scan3A_1115 step %scan3A_1116  : i32 {
          %mul3A_2243 = arith.constant 16 : i32
          %mul3A_2244 = arith.muli %scan3A_2242, %mul3A_2243 : i32
          %add3A_2245 = arith.constant 0 : i32
          %add3A_2246 = arith.addi %add3A_2245, %mul3A_2244 : i32
          %iota3A = tpu.iota {dimensions = array<i32: 0>} : vector<16xi32>
          %add3A_2247 = vector.broadcast %add3A_2246 : i32 to vector<16xi32>
          %add3A_2248 = arith.addi %iota3A, %add3A_2247 : vector<16xi32>
          %mul3A_2249 = arith.constant 2 : i32
          %mul3A_2250 = vector.broadcast %mul3A_2249 : i32 to vector<16xi32>
          %mul3A_2251 = arith.muli %add3A_2248, %mul3A_2250 : vector<16xi32>
          %get3A = arith.constant 0 : i32
          %get3A_2252 = arith.constant 0 : i32
          %get3A_2253 = arith.constant 0 : i32
          %get3A_2254 = arith.constant 0 : i32
          %get3A_2255 = arith.constant 0 : i32
          %get3A_2256 = tpu.memref_slice %run_scoped3A[%rem3A_1108, %get3A_2253, %get3A_2254, %get3A_2255] : memref<2x1x1x64xi32, #tpu.memory_space<vmem>> -> memref<1x1x1x64xi32, #tpu.memory_space<vmem>>
          %get3A_2257 = tpu.memref_squeeze %get3A_2256 : memref<1x1x1x64xi32, #tpu.memory_space<vmem>> -> memref<1x1x64xi32, #tpu.memory_space<vmem>>
          %get3A_2258 = arith.index_cast %get3A : i32 to index
          %get3A_2259 = arith.index_cast %get3A_2252 : i32 to index
          %get3A_2260 = arith.index_cast %add3A_2246 : i32 to index
          %get3A_2261 = tpu.vector_load %get3A_2257[%get3A_2258, %get3A_2259, %get3A_2260] {strides = array<i32>} : memref<1x1x64xi32, #tpu.memory_space<vmem>>, vector<16xi32>,
          tpu.vector_store_idx %arg6[%mul3A_2251], %get3A_2261 : memref<128xi32, #tpu.memory_space<vmem>>[vector<16xi32>], vector<16xi32>,
          %add3A_2262 = arith.constant 1 : i32
          %add3A_2263 = vector.broadcast %add3A_2262 : i32 to vector<16xi32>
          %add3A_2264 = arith.addi %mul3A_2251, %add3A_2263 : vector<16xi32>
          %get3A_2265 = arith.constant 0 : i32
          %get3A_2266 = arith.constant 0 : i32
          %get3A_2267 = arith.constant 0 : i32
          %get3A_2268 = arith.constant 0 : i32
          %get3A_2269 = arith.constant 0 : i32
          %get3A_2270 = tpu.memref_slice %run_scoped3A_8[%rem3A_1110, %get3A_2267, %get3A_2268, %get3A_2269] : memref<2x1x1x64xi32, #tpu.memory_space<vmem>> -> memref<1x1x1x64xi32, #tpu.memory_space<vmem>>
          %get3A_2271 = tpu.memref_squeeze %get3A_2270 : memref<1x1x1x64xi32, #tpu.memory_space<vmem>> -> memref<1x1x64xi32, #tpu.memory_space<vmem>>
          %get3A_2272 = arith.index_cast %get3A_2265 : i32 to index
          %get3A_2273 = arith.index_cast %get3A_2266 : i32 to index
          %get3A_2274 = arith.index_cast %add3A_2246 : i32 to index
          %get3A_2275 = tpu.vector_load %get3A_2271[%get3A_2272, %get3A_2273, %get3A_2274] {strides = array<i32>} : memref<1x1x64xi32, #tpu.memory_space<vmem>>, vector<16xi32>,
          tpu.vector_store_idx %arg6[%add3A_2264], %get3A_2275 : memref<128xi32, #tpu.memory_space<vmem>>[vector<16xi32>], vector<16xi32>,
        }
        %scan3A_1117 = arith.constant 4 : i32
        "tpu.region"() ({
          %run_scoped3A_2242 = tpu.sem_alloc : memref<!tpu.dma_semaphore, #tpu.memory_space<semaphore_mem>>
          %dma_start3A_2243 = arith.constant 0 : i32
          %dma_start3A_2244 = arith.constant 0 : i32
          %dma_start3A_2245 = tpu.memref_slice %run_scoped3A_10[%rem3A_1112, %dma_start3A_2243, %dma_start3A_2244] : memref<2x128x64xf32, #tpu.memory_space<vmem>> -> memref<1x128x64xf32, #tpu.memory_space<vmem>>
          %dma_start3A_2246 = tpu.memref_squeeze %dma_start3A_2245 : memref<1x128x64xf32, #tpu.memory_space<vmem>> -> memref<128x64xf32, #tpu.memory_space<vmem>>
          %dma_start3A_2247 = arith.constant 0 : i32
          %dma_start3A_2248 = arith.constant 0 : i32
          %dma_start3A_2249 = tpu.memref_slice %arg2[%dma_start3A_2247, %dma_start3A_2248] : memref<1015808x64xf32, #tpu.memory_space<hbm>> -> memref<1015808x64xf32, #tpu.memory_space<hbm>>
          tpu.enqueue_indirect_dma source(%dma_start3A_2249 : memref<1015808x64xf32, #tpu.memory_space<hbm>>) target(%dma_start3A_2246 : memref<128x64xf32, #tpu.memory_space<vmem>>) offsets(%arg6 : memref<128xi32, #tpu.memory_space<vmem>>) semaphore(%run_scoped3A_2242 : memref<!tpu.dma_semaphore, #tpu.memory_space<semaphore_mem>>)
          %dma_wait3A_2250 = arith.constant 0 : i32
          %dma_wait3A_2251 = arith.constant 0 : i32
          %dma_wait3A_2252 = tpu.memref_slice %run_scoped3A_10[%rem3A_1112, %dma_wait3A_2250, %dma_wait3A_2251] : memref<2x128x64xf32, #tpu.memory_space<vmem>> -> memref<1x128x64xf32, #tpu.memory_space<vmem>>
          %dma_wait3A_2253 = tpu.memref_squeeze %dma_wait3A_2252 : memref<1x128x64xf32, #tpu.memory_space<vmem>> -> memref<128x64xf32, #tpu.memory_space<vmem>>
          %dma_wait3A_2254 = arith.constant 0 : i32
          %dma_wait3A_2255 = arith.constant 0 : i32
          %dma_wait3A_2256 = tpu.memref_slice %arg2[%dma_wait3A_2254, %dma_wait3A_2255] : memref<1015808x64xf32, #tpu.memory_space<hbm>> -> memref<1015808x64xf32, #tpu.memory_space<hbm>>
          tpu.wait_indirect_dma semaphore(%run_scoped3A_2242 : memref<!tpu.dma_semaphore, #tpu.memory_space<semaphore_mem>>) src(%dma_wait3A_2256 : memref<1015808x64xf32, #tpu.memory_space<hbm>>) dst(%dma_wait3A_2253 : memref<128x64xf32, #tpu.memory_space<vmem>>)
          tpu.yield
        }) : () -> ()
        %jit3A_1118 = arith.constant 128 : i32
        "tpu.trace_stop"() : () -> ()
        %div3A_1119 = arith.divsi %add3A_331, %jit3A_1118 : i32
        %sign3A_1120 = arith.constant 0 : i32
        %sign3A_1121 = arith.cmpi sgt, %add3A_331, %sign3A_1120 : i32
        %sign3A_1122 = arith.extui %sign3A_1121 : i1 to i32
        %sign3A_1123 = arith.constant 0 : i32
        %sign3A_1124 = arith.cmpi slt, %add3A_331, %sign3A_1123 : i32
        %sign3A_1125 = arith.extui %sign3A_1124 : i1 to i32
        %sign3A_1126 = arith.subi %sign3A_1122, %sign3A_1125 : i32
        %sign3A_1127 = arith.constant 0 : i32
        %sign3A_1128 = arith.cmpi sgt, %jit3A_1118, %sign3A_1127 : i32
        %sign3A_1129 = arith.extui %sign3A_1128 : i1 to i32
        %sign3A_1130 = arith.constant 0 : i32
        %sign3A_1131 = arith.cmpi slt, %jit3A_1118, %sign3A_1130 : i32
        %sign3A_1132 = arith.extui %sign3A_1131 : i1 to i32
        %sign3A_1133 = arith.subi %sign3A_1129, %sign3A_1132 : i32
        %ne3A_1134 = arith.cmpi ne, %sign3A_1126, %sign3A_1133 : i32
        %rem3A_1135 = arith.remsi %add3A_331, %jit3A_1118 : i32
        %ne3A_1136 = arith.constant 0 : i32
        %ne3A_1137 = arith.cmpi ne, %rem3A_1135, %ne3A_1136 : i32
        %and3A_1138 = arith.andi %ne3A_1134, %ne3A_1137 : i1
        %sub3A_1139 = arith.constant 1 : i32
        %sub3A_1140 = arith.subi %div3A_1119, %sub3A_1139 : i32
        %select_n3A_1141 = arith.select %and3A_1138, %sub3A_1140, %div3A_1119 : i32
        %jit3A_1142 = arith.constant 128 : i32
        %eq3A_1143 = arith.constant 0 : i32
        %eq3A_1144 = arith.cmpi eq, %jit3A_1142, %eq3A_1143 : i32
        %jit3A_1145 = arith.constant 1 : i32
        %select_n3A_1146 = arith.select %eq3A_1144, %jit3A_1145, %jit3A_1142 : i32
        %rem3A_1147 = arith.remsi %add3A_331, %select_n3A_1146 : i32
        %ne3A_1148 = arith.constant 0 : i32
        %ne3A_1149 = arith.cmpi ne, %rem3A_1147, %ne3A_1148 : i32
        %lt3A_1150 = arith.constant 0 : i32
        %lt3A_1151 = arith.cmpi slt, %rem3A_1147, %lt3A_1150 : i32
        %lt3A_1152 = arith.constant 0 : i32
        %lt3A_1153 = arith.cmpi slt, %select_n3A_1146, %lt3A_1152 : i32
        %ne3A_1154 = arith.xori %lt3A_1151, %lt3A_1153 : i1
        %and3A_1155 = arith.andi %ne3A_1154, %ne3A_1149 : i1
        %add3A_1156 = arith.addi %rem3A_1147, %select_n3A_1146 : i32
        %select_n3A_1157 = arith.select %and3A_1155, %add3A_1156, %rem3A_1147 : i32
        %jit3A_1158 = arith.constant 16 : i32
        %div3A_1159 = arith.divsi %select_n3A_1157, %jit3A_1158 : i32
        %sign3A_1160 = arith.constant 0 : i32
        %sign3A_1161 = arith.cmpi sgt, %select_n3A_1157, %sign3A_1160 : i32
        %sign3A_1162 = arith.extui %sign3A_1161 : i1 to i32
        %sign3A_1163 = arith.constant 0 : i32
        %sign3A_1164 = arith.cmpi slt, %select_n3A_1157, %sign3A_1163 : i32
        %sign3A_1165 = arith.extui %sign3A_1164 : i1 to i32
        %sign3A_1166 = arith.subi %sign3A_1162, %sign3A_1165 : i32
        %sign3A_1167 = arith.constant 0 : i32
        %sign3A_1168 = arith.cmpi sgt, %jit3A_1158, %sign3A_1167 : i32
        %sign3A_1169 = arith.extui %sign3A_1168 : i1 to i32
        %sign3A_1170 = arith.constant 0 : i32
        %sign3A_1171 = arith.cmpi slt, %jit3A_1158, %sign3A_1170 : i32
        %sign3A_1172 = arith.extui %sign3A_1171 : i1 to i32
        %sign3A_1173 = arith.subi %sign3A_1169, %sign3A_1172 : i32
        %ne3A_1174 = arith.cmpi ne, %sign3A_1166, %sign3A_1173 : i32
        %rem3A_1175 = arith.remsi %select_n3A_1157, %jit3A_1158 : i32
        %ne3A_1176 = arith.constant 0 : i32
        %ne3A_1177 = arith.cmpi ne, %rem3A_1175, %ne3A_1176 : i32
        %and3A_1178 = arith.andi %ne3A_1174, %ne3A_1177 : i1
        %sub3A_1179 = arith.constant 1 : i32
        %sub3A_1180 = arith.subi %div3A_1159, %sub3A_1179 : i32
        %select_n3A_1181 = arith.select %and3A_1178, %sub3A_1180, %div3A_1159 : i32
        %mul3A_1182 = arith.constant 32 : i32
        %mul3A_1183 = arith.muli %mul3A_1182, %select_n3A_1181 : i32
        %jit3A_1184 = arith.constant 16 : i32
        %eq3A_1185 = arith.constant 0 : i32
        %eq3A_1186 = arith.cmpi eq, %jit3A_1184, %eq3A_1185 : i32
        %jit3A_1187 = arith.constant 1 : i32
        %select_n3A_1188 = arith.select %eq3A_1186, %jit3A_1187, %jit3A_1184 : i32
        %rem3A_1189 = arith.remsi %add3A_331, %select_n3A_1188 : i32
        %ne3A_1190 = arith.constant 0 : i32
        %ne3A_1191 = arith.cmpi ne, %rem3A_1189, %ne3A_1190 : i32
        %lt3A_1192 = arith.constant 0 : i32
        %lt3A_1193 = arith.cmpi slt, %rem3A_1189, %lt3A_1192 : i32
        %lt3A_1194 = arith.constant 0 : i32
        %lt3A_1195 = arith.cmpi slt, %select_n3A_1188, %lt3A_1194 : i32
        %ne3A_1196 = arith.xori %lt3A_1193, %lt3A_1195 : i1
        %and3A_1197 = arith.andi %ne3A_1196, %ne3A_1191 : i1
        %add3A_1198 = arith.addi %rem3A_1189, %select_n3A_1188 : i32
        %select_n3A_1199 = arith.select %and3A_1197, %add3A_1198, %rem3A_1189 : i32
        %add3A_1200 = arith.addi %mul3A_1183, %select_n3A_1199 : i32
        %jit3A_1201 = arith.constant 128 : i32
        %div3A_1202 = arith.divsi %add3A_349, %jit3A_1201 : i32
        %sign3A_1203 = arith.constant 0 : i32
        %sign3A_1204 = arith.cmpi sgt, %add3A_349, %sign3A_1203 : i32
        %sign3A_1205 = arith.extui %sign3A_1204 : i1 to i32
        %sign3A_1206 = arith.constant 0 : i32
        %sign3A_1207 = arith.cmpi slt, %add3A_349, %sign3A_1206 : i32
        %sign3A_1208 = arith.extui %sign3A_1207 : i1 to i32
        %sign3A_1209 = arith.subi %sign3A_1205, %sign3A_1208 : i32
        %sign3A_1210 = arith.constant 0 : i32
        %sign3A_1211 = arith.cmpi sgt, %jit3A_1201, %sign3A_1210 : i32
        %sign3A_1212 = arith.extui %sign3A_1211 : i1 to i32
        %sign3A_1213 = arith.constant 0 : i32
        %sign3A_1214 = arith.cmpi slt, %jit3A_1201, %sign3A_1213 : i32
        %sign3A_1215 = arith.extui %sign3A_1214 : i1 to i32
        %sign3A_1216 = arith.subi %sign3A_1212, %sign3A_1215 : i32
        %ne3A_1217 = arith.cmpi ne, %sign3A_1209, %sign3A_1216 : i32
        %rem3A_1218 = arith.remsi %add3A_349, %jit3A_1201 : i32
        %ne3A_1219 = arith.constant 0 : i32
        %ne3A_1220 = arith.cmpi ne, %rem3A_1218, %ne3A_1219 : i32
        %and3A_1221 = arith.andi %ne3A_1217, %ne3A_1220 : i1
        %sub3A_1222 = arith.constant 1 : i32
        %sub3A_1223 = arith.subi %div3A_1202, %sub3A_1222 : i32
        %select_n3A_1224 = arith.select %and3A_1221, %sub3A_1223, %div3A_1202 : i32
        %jit3A_1225 = arith.constant 128 : i32
        %eq3A_1226 = arith.constant 0 : i32
        %eq3A_1227 = arith.cmpi eq, %jit3A_1225, %eq3A_1226 : i32
        %jit3A_1228 = arith.constant 1 : i32
        %select_n3A_1229 = arith.select %eq3A_1227, %jit3A_1228, %jit3A_1225 : i32
        %rem3A_1230 = arith.remsi %add3A_349, %select_n3A_1229 : i32
        %ne3A_1231 = arith.constant 0 : i32
        %ne3A_1232 = arith.cmpi ne, %rem3A_1230, %ne3A_1231 : i32
        %lt3A_1233 = arith.constant 0 : i32
        %lt3A_1234 = arith.cmpi slt, %rem3A_1230, %lt3A_1233 : i32
        %lt3A_1235 = arith.constant 0 : i32
        %lt3A_1236 = arith.cmpi slt, %select_n3A_1229, %lt3A_1235 : i32
        %ne3A_1237 = arith.xori %lt3A_1234, %lt3A_1236 : i1
        %and3A_1238 = arith.andi %ne3A_1237, %ne3A_1232 : i1
        %add3A_1239 = arith.addi %rem3A_1230, %select_n3A_1229 : i32
        %select_n3A_1240 = arith.select %and3A_1238, %add3A_1239, %rem3A_1230 : i32
        %jit3A_1241 = arith.constant 16 : i32
        %div3A_1242 = arith.divsi %select_n3A_1240, %jit3A_1241 : i32
        %sign3A_1243 = arith.constant 0 : i32
        %sign3A_1244 = arith.cmpi sgt, %select_n3A_1240, %sign3A_1243 : i32
        %sign3A_1245 = arith.extui %sign3A_1244 : i1 to i32
        %sign3A_1246 = arith.constant 0 : i32
        %sign3A_1247 = arith.cmpi slt, %select_n3A_1240, %sign3A_1246 : i32
        %sign3A_1248 = arith.extui %sign3A_1247 : i1 to i32
        %sign3A_1249 = arith.subi %sign3A_1245, %sign3A_1248 : i32
        %sign3A_1250 = arith.constant 0 : i32
        %sign3A_1251 = arith.cmpi sgt, %jit3A_1241, %sign3A_1250 : i32
        %sign3A_1252 = arith.extui %sign3A_1251 : i1 to i32
        %sign3A_1253 = arith.constant 0 : i32
        %sign3A_1254 = arith.cmpi slt, %jit3A_1241, %sign3A_1253 : i32
        %sign3A_1255 = arith.extui %sign3A_1254 : i1 to i32
        %sign3A_1256 = arith.subi %sign3A_1252, %sign3A_1255 : i32
        %ne3A_1257 = arith.cmpi ne, %sign3A_1249, %sign3A_1256 : i32
        %rem3A_1258 = arith.remsi %select_n3A_1240, %jit3A_1241 : i32
        %ne3A_1259 = arith.constant 0 : i32
        %ne3A_1260 = arith.cmpi ne, %rem3A_1258, %ne3A_1259 : i32
        %and3A_1261 = arith.andi %ne3A_1257, %ne3A_1260 : i1
        %sub3A_1262 = arith.constant 1 : i32
        %sub3A_1263 = arith.subi %div3A_1242, %sub3A_1262 : i32
        %select_n3A_1264 = arith.select %and3A_1261, %sub3A_1263, %div3A_1242 : i32
        %mul3A_1265 = arith.constant 32 : i32
        %mul3A_1266 = arith.muli %mul3A_1265, %select_n3A_1264 : i32
        %jit3A_1267 = arith.constant 16 : i32
        %eq3A_1268 = arith.constant 0 : i32
        %eq3A_1269 = arith.cmpi eq, %jit3A_1267, %eq3A_1268 : i32
        %jit3A_1270 = arith.constant 1 : i32
        %select_n3A_1271 = arith.select %eq3A_1269, %jit3A_1270, %jit3A_1267 : i32
        %rem3A_1272 = arith.remsi %add3A_349, %select_n3A_1271 : i32
        %ne3A_1273 = arith.constant 0 : i32
        %ne3A_1274 = arith.cmpi ne, %rem3A_1272, %ne3A_1273 : i32
        %lt3A_1275 = arith.constant 0 : i32
        %lt3A_1276 = arith.cmpi slt, %rem3A_1272, %lt3A_1275 : i32
        %lt3A_1277 = arith.constant 0 : i32
        %lt3A_1278 = arith.cmpi slt, %select_n3A_1271, %lt3A_1277 : i32
        %ne3A_1279 = arith.xori %lt3A_1276, %lt3A_1278 : i1
        %and3A_1280 = arith.andi %ne3A_1279, %ne3A_1274 : i1
        %add3A_1281 = arith.addi %rem3A_1272, %select_n3A_1271 : i32
        %select_n3A_1282 = arith.select %and3A_1280, %add3A_1281, %rem3A_1272 : i32
        %add3A_1283 = arith.addi %mul3A_1266, %select_n3A_1282 : i32
        %ne3A_1284 = arith.cmpi ne, %select_n3A_1141, %select_n3A_1224 : i32
        %ne3A_1285 = arith.cmpi ne, %add3A_1200, %add3A_1283 : i32
        %or3A_1286 = arith.constant false
        %or3A_1287 = arith.ori %or3A_1286, %ne3A_1284 : i1
        %or3A_1288 = arith.ori %or3A_1287, %ne3A_1285 : i1
        %or3A_1289 = arith.constant false
        %or3A_1290 = arith.ori %or3A_1288, %or3A_1289 : i1
        %or3A_1291 = arith.ori %or3A_1290, %eq3A_330 : i1
        %convert_element_type3A_1292 = arith.extui %or3A_1291 : i1 to i32
        %cond3A_1293 = arith.constant 0 : i32
        %cond3A_1294 = arith.cmpi ne, %convert_element_type3A_1292, %cond3A_1293 : i32
        scf.if %cond3A_1294 {
        } else {
        }
        %and3A_1295 = arith.constant false
        %and3A_1296 = arith.andi %or3A_1291, %and3A_1295 : i1
        %jit3A_1297 = arith.constant 128 : i32
        %div3A_1298 = arith.divsi %add3A_331, %jit3A_1297 : i32
        %sign3A_1299 = arith.constant 0 : i32
        %sign3A_1300 = arith.cmpi sgt, %add3A_331, %sign3A_1299 : i32
        %sign3A_1301 = arith.extui %sign3A_1300 : i1 to i32
        %sign3A_1302 = arith.constant 0 : i32
        %sign3A_1303 = arith.cmpi slt, %add3A_331, %sign3A_1302 : i32
        %sign3A_1304 = arith.extui %sign3A_1303 : i1 to i32
        %sign3A_1305 = arith.subi %sign3A_1301, %sign3A_1304 : i32
        %sign3A_1306 = arith.constant 0 : i32
        %sign3A_1307 = arith.cmpi sgt, %jit3A_1297, %sign3A_1306 : i32
        %sign3A_1308 = arith.extui %sign3A_1307 : i1 to i32
        %sign3A_1309 = arith.constant 0 : i32
        %sign3A_1310 = arith.cmpi slt, %jit3A_1297, %sign3A_1309 : i32
        %sign3A_1311 = arith.extui %sign3A_1310 : i1 to i32
        %sign3A_1312 = arith.subi %sign3A_1308, %sign3A_1311 : i32
        %ne3A_1313 = arith.cmpi ne, %sign3A_1305, %sign3A_1312 : i32
        %rem3A_1314 = arith.remsi %add3A_331, %jit3A_1297 : i32
        %ne3A_1315 = arith.constant 0 : i32
        %ne3A_1316 = arith.cmpi ne, %rem3A_1314, %ne3A_1315 : i32
        %and3A_1317 = arith.andi %ne3A_1313, %ne3A_1316 : i1
        %sub3A_1318 = arith.constant 1 : i32
        %sub3A_1319 = arith.subi %div3A_1298, %sub3A_1318 : i32
        %select_n3A_1320 = arith.select %and3A_1317, %sub3A_1319, %div3A_1298 : i32
        %jit3A_1321 = arith.constant 128 : i32
        %eq3A_1322 = arith.constant 0 : i32
        %eq3A_1323 = arith.cmpi eq, %jit3A_1321, %eq3A_1322 : i32
        %jit3A_1324 = arith.constant 1 : i32
        %select_n3A_1325 = arith.select %eq3A_1323, %jit3A_1324, %jit3A_1321 : i32
        %rem3A_1326 = arith.remsi %add3A_331, %select_n3A_1325 : i32
        %ne3A_1327 = arith.constant 0 : i32
        %ne3A_1328 = arith.cmpi ne, %rem3A_1326, %ne3A_1327 : i32
        %lt3A_1329 = arith.constant 0 : i32
        %lt3A_1330 = arith.cmpi slt, %rem3A_1326, %lt3A_1329 : i32
        %lt3A_1331 = arith.constant 0 : i32
        %lt3A_1332 = arith.cmpi slt, %select_n3A_1325, %lt3A_1331 : i32
        %ne3A_1333 = arith.xori %lt3A_1330, %lt3A_1332 : i1
        %and3A_1334 = arith.andi %ne3A_1333, %ne3A_1328 : i1
        %add3A_1335 = arith.addi %rem3A_1326, %select_n3A_1325 : i32
        %select_n3A_1336 = arith.select %and3A_1334, %add3A_1335, %rem3A_1326 : i32
        %jit3A_1337 = arith.constant 16 : i32
        %div3A_1338 = arith.divsi %select_n3A_1336, %jit3A_1337 : i32
        %sign3A_1339 = arith.constant 0 : i32
        %sign3A_1340 = arith.cmpi sgt, %select_n3A_1336, %sign3A_1339 : i32
        %sign3A_1341 = arith.extui %sign3A_1340 : i1 to i32
        %sign3A_1342 = arith.constant 0 : i32
        %sign3A_1343 = arith.cmpi slt, %select_n3A_1336, %sign3A_1342 : i32
        %sign3A_1344 = arith.extui %sign3A_1343 : i1 to i32
        %sign3A_1345 = arith.subi %sign3A_1341, %sign3A_1344 : i32
        %sign3A_1346 = arith.constant 0 : i32
        %sign3A_1347 = arith.cmpi sgt, %jit3A_1337, %sign3A_1346 : i32
        %sign3A_1348 = arith.extui %sign3A_1347 : i1 to i32
        %sign3A_1349 = arith.constant 0 : i32
        %sign3A_1350 = arith.cmpi slt, %jit3A_1337, %sign3A_1349 : i32
        %sign3A_1351 = arith.extui %sign3A_1350 : i1 to i32
        %sign3A_1352 = arith.subi %sign3A_1348, %sign3A_1351 : i32
        %ne3A_1353 = arith.cmpi ne, %sign3A_1345, %sign3A_1352 : i32
        %rem3A_1354 = arith.remsi %select_n3A_1336, %jit3A_1337 : i32
        %ne3A_1355 = arith.constant 0 : i32
        %ne3A_1356 = arith.cmpi ne, %rem3A_1354, %ne3A_1355 : i32
        %and3A_1357 = arith.andi %ne3A_1353, %ne3A_1356 : i1
        %sub3A_1358 = arith.constant 1 : i32
        %sub3A_1359 = arith.subi %div3A_1338, %sub3A_1358 : i32
        %select_n3A_1360 = arith.select %and3A_1357, %sub3A_1359, %div3A_1338 : i32
        %mul3A_1361 = arith.constant 32 : i32
        %mul3A_1362 = arith.muli %mul3A_1361, %select_n3A_1360 : i32
        %add3A_1363 = arith.constant 16 : i32
        %add3A_1364 = arith.addi %mul3A_1362, %add3A_1363 : i32
        %jit3A_1365 = arith.constant 16 : i32
        %eq3A_1366 = arith.constant 0 : i32
        %eq3A_1367 = arith.cmpi eq, %jit3A_1365, %eq3A_1366 : i32
        %jit3A_1368 = arith.constant 1 : i32
        %select_n3A_1369 = arith.select %eq3A_1367, %jit3A_1368, %jit3A_1365 : i32
        %rem3A_1370 = arith.remsi %add3A_331, %select_n3A_1369 : i32
        %ne3A_1371 = arith.constant 0 : i32
        %ne3A_1372 = arith.cmpi ne, %rem3A_1370, %ne3A_1371 : i32
        %lt3A_1373 = arith.constant 0 : i32
        %lt3A_1374 = arith.cmpi slt, %rem3A_1370, %lt3A_1373 : i32
        %lt3A_1375 = arith.constant 0 : i32
        %lt3A_1376 = arith.cmpi slt, %select_n3A_1369, %lt3A_1375 : i32
        %ne3A_1377 = arith.xori %lt3A_1374, %lt3A_1376 : i1
        %and3A_1378 = arith.andi %ne3A_1377, %ne3A_1372 : i1
        %add3A_1379 = arith.addi %rem3A_1370, %select_n3A_1369 : i32
        %select_n3A_1380 = arith.select %and3A_1378, %add3A_1379, %rem3A_1370 : i32
        %add3A_1381 = arith.addi %add3A_1364, %select_n3A_1380 : i32
        %jit3A_1382 = arith.constant 128 : i32
        %div3A_1383 = arith.divsi %add3A_349, %jit3A_1382 : i32
        %sign3A_1384 = arith.constant 0 : i32
        %sign3A_1385 = arith.cmpi sgt, %add3A_349, %sign3A_1384 : i32
        %sign3A_1386 = arith.extui %sign3A_1385 : i1 to i32
        %sign3A_1387 = arith.constant 0 : i32
        %sign3A_1388 = arith.cmpi slt, %add3A_349, %sign3A_1387 : i32
        %sign3A_1389 = arith.extui %sign3A_1388 : i1 to i32
        %sign3A_1390 = arith.subi %sign3A_1386, %sign3A_1389 : i32
        %sign3A_1391 = arith.constant 0 : i32
        %sign3A_1392 = arith.cmpi sgt, %jit3A_1382, %sign3A_1391 : i32
        %sign3A_1393 = arith.extui %sign3A_1392 : i1 to i32
        %sign3A_1394 = arith.constant 0 : i32
        %sign3A_1395 = arith.cmpi slt, %jit3A_1382, %sign3A_1394 : i32
        %sign3A_1396 = arith.extui %sign3A_1395 : i1 to i32
        %sign3A_1397 = arith.subi %sign3A_1393, %sign3A_1396 : i32
        %ne3A_1398 = arith.cmpi ne, %sign3A_1390, %sign3A_1397 : i32
        %rem3A_1399 = arith.remsi %add3A_349, %jit3A_1382 : i32
        %ne3A_1400 = arith.constant 0 : i32
        %ne3A_1401 = arith.cmpi ne, %rem3A_1399, %ne3A_1400 : i32
        %and3A_1402 = arith.andi %ne3A_1398, %ne3A_1401 : i1
        %sub3A_1403 = arith.constant 1 : i32
        %sub3A_1404 = arith.subi %div3A_1383, %sub3A_1403 : i32
        %select_n3A_1405 = arith.select %and3A_1402, %sub3A_1404, %div3A_1383 : i32
        %jit3A_1406 = arith.constant 128 : i32
        %eq3A_1407 = arith.constant 0 : i32
        %eq3A_1408 = arith.cmpi eq, %jit3A_1406, %eq3A_1407 : i32
        %jit3A_1409 = arith.constant 1 : i32
        %select_n3A_1410 = arith.select %eq3A_1408, %jit3A_1409, %jit3A_1406 : i32
        %rem3A_1411 = arith.remsi %add3A_349, %select_n3A_1410 : i32
        %ne3A_1412 = arith.constant 0 : i32
        %ne3A_1413 = arith.cmpi ne, %rem3A_1411, %ne3A_1412 : i32
        %lt3A_1414 = arith.constant 0 : i32
        %lt3A_1415 = arith.cmpi slt, %rem3A_1411, %lt3A_1414 : i32
        %lt3A_1416 = arith.constant 0 : i32
        %lt3A_1417 = arith.cmpi slt, %select_n3A_1410, %lt3A_1416 : i32
        %ne3A_1418 = arith.xori %lt3A_1415, %lt3A_1417 : i1
        %and3A_1419 = arith.andi %ne3A_1418, %ne3A_1413 : i1
        %add3A_1420 = arith.addi %rem3A_1411, %select_n3A_1410 : i32
        %select_n3A_1421 = arith.select %and3A_1419, %add3A_1420, %rem3A_1411 : i32
        %jit3A_1422 = arith.constant 16 : i32
        %div3A_1423 = arith.divsi %select_n3A_1421, %jit3A_1422 : i32
        %sign3A_1424 = arith.constant 0 : i32
        %sign3A_1425 = arith.cmpi sgt, %select_n3A_1421, %sign3A_1424 : i32
        %sign3A_1426 = arith.extui %sign3A_1425 : i1 to i32
        %sign3A_1427 = arith.constant 0 : i32
        %sign3A_1428 = arith.cmpi slt, %select_n3A_1421, %sign3A_1427 : i32
        %sign3A_1429 = arith.extui %sign3A_1428 : i1 to i32
        %sign3A_1430 = arith.subi %sign3A_1426, %sign3A_1429 : i32
        %sign3A_1431 = arith.constant 0 : i32
        %sign3A_1432 = arith.cmpi sgt, %jit3A_1422, %sign3A_1431 : i32
        %sign3A_1433 = arith.extui %sign3A_1432 : i1 to i32
        %sign3A_1434 = arith.constant 0 : i32
        %sign3A_1435 = arith.cmpi slt, %jit3A_1422, %sign3A_1434 : i32
        %sign3A_1436 = arith.extui %sign3A_1435 : i1 to i32
        %sign3A_1437 = arith.subi %sign3A_1433, %sign3A_1436 : i32
        %ne3A_1438 = arith.cmpi ne, %sign3A_1430, %sign3A_1437 : i32
        %rem3A_1439 = arith.remsi %select_n3A_1421, %jit3A_1422 : i32
        %ne3A_1440 = arith.constant 0 : i32
        %ne3A_1441 = arith.cmpi ne, %rem3A_1439, %ne3A_1440 : i32
        %and3A_1442 = arith.andi %ne3A_1438, %ne3A_1441 : i1
        %sub3A_1443 = arith.constant 1 : i32
        %sub3A_1444 = arith.subi %div3A_1423, %sub3A_1443 : i32
        %select_n3A_1445 = arith.select %and3A_1442, %sub3A_1444, %div3A_1423 : i32
        %mul3A_1446 = arith.constant 32 : i32
        %mul3A_1447 = arith.muli %mul3A_1446, %select_n3A_1445 : i32
        %add3A_1448 = arith.constant 16 : i32
        %add3A_1449 = arith.addi %mul3A_1447, %add3A_1448 : i32
        %jit3A_1450 = arith.constant 16 : i32
        %eq3A_1451 = arith.constant 0 : i32
        %eq3A_1452 = arith.cmpi eq, %jit3A_1450, %eq3A_1451 : i32
        %jit3A_1453 = arith.constant 1 : i32
        %select_n3A_1454 = arith.select %eq3A_1452, %jit3A_1453, %jit3A_1450 : i32
        %rem3A_1455 = arith.remsi %add3A_349, %select_n3A_1454 : i32
        %ne3A_1456 = arith.constant 0 : i32
        %ne3A_1457 = arith.cmpi ne, %rem3A_1455, %ne3A_1456 : i32
        %lt3A_1458 = arith.constant 0 : i32
        %lt3A_1459 = arith.cmpi slt, %rem3A_1455, %lt3A_1458 : i32
        %lt3A_1460 = arith.constant 0 : i32
        %lt3A_1461 = arith.cmpi slt, %select_n3A_1454, %lt3A_1460 : i32
        %ne3A_1462 = arith.xori %lt3A_1459, %lt3A_1461 : i1
        %and3A_1463 = arith.andi %ne3A_1462, %ne3A_1457 : i1
        %add3A_1464 = arith.addi %rem3A_1455, %select_n3A_1454 : i32
        %select_n3A_1465 = arith.select %and3A_1463, %add3A_1464, %rem3A_1455 : i32
        %add3A_1466 = arith.addi %add3A_1449, %select_n3A_1465 : i32
        %ne3A_1467 = arith.cmpi ne, %select_n3A_1320, %select_n3A_1405 : i32
        %ne3A_1468 = arith.cmpi ne, %add3A_1381, %add3A_1466 : i32
        %or3A_1469 = arith.constant false
        %or3A_1470 = arith.ori %or3A_1469, %ne3A_1467 : i1
        %or3A_1471 = arith.ori %or3A_1470, %ne3A_1468 : i1
        %or3A_1472 = arith.constant false
        %or3A_1473 = arith.ori %or3A_1471, %or3A_1472 : i1
        %or3A_1474 = arith.ori %or3A_1473, %eq3A_330 : i1
        %convert_element_type3A_1475 = arith.extui %or3A_1474 : i1 to i32
        %cond3A_1476 = arith.constant 0 : i32
        %cond3A_1477 = arith.cmpi ne, %convert_element_type3A_1475, %cond3A_1476 : i32
        scf.if %cond3A_1477 {
        } else {
        }
        %and3A_1478 = arith.constant false
        %and3A_1479 = arith.andi %or3A_1474, %and3A_1478 : i1
        %ne3A_1480 = arith.cmpi ne, %add3A_331, %add3A_349 : i32
        %or3A_1481 = arith.constant false
        %or3A_1482 = arith.ori %or3A_1481, %ne3A_1480 : i1
        %or3A_1483 = arith.constant false
        %or3A_1484 = arith.ori %or3A_1482, %or3A_1483 : i1
        %or3A_1485 = arith.ori %or3A_1484, %eq3A_330 : i1
        %convert_element_type3A_1486 = arith.extui %or3A_1485 : i1 to i32
        %cond3A_1487 = arith.constant 0 : i32
        %cond3A_1488 = arith.cmpi ne, %convert_element_type3A_1486, %cond3A_1487 : i32
        scf.if %cond3A_1488 {
          "tpu.trace_start"() <{level = 10 : i32, message = "ep_copy_out"}> : () -> ()
          %rem3A_2242 = arith.constant 2 : i32
          %rem3A_2243 = arith.remui %scan3A_324, %rem3A_2242 : i32
          %mul3A_2244 = arith.constant 128 : i32
          %mul3A_2245 = arith.muli %mul3A_2244, %add3A_331 : i32
          %dma_start3A_2246 = arith.constant 0 : i32
          %dma_start3A_2247 = arith.constant 0 : i32
          %dma_start3A_2248 = tpu.memref_slice %run_scoped3A_10[%rem3A_2243, %dma_start3A_2246, %dma_start3A_2247] : memref<2x128x64xf32, #tpu.memory_space<vmem>> -> memref<1x128x64xf32, #tpu.memory_space<vmem>>
          %dma_start3A_2249 = tpu.memref_squeeze %dma_start3A_2248 : memref<1x128x64xf32, #tpu.memory_space<vmem>> -> memref<128x64xf32, #tpu.memory_space<vmem>>
          %dma_start3A_2250 = arith.constant 0 : i32
          %dma_start3A_2251 = tpu.memref_slice %arg5[%mul3A_2245, %dma_start3A_2250] : memref<425984x64xf32, #tpu.memory_space<hbm>> -> memref<128x64xf32, #tpu.memory_space<hbm>>
          %dma_start3A_2252 = tpu.memref_slice %run_scoped3A_11[%rem3A_2243] : memref<2x!tpu.dma_semaphore, #tpu.memory_space<semaphore_mem>> -> memref<1x!tpu.dma_semaphore, #tpu.memory_space<semaphore_mem>>
          %dma_start3A_2253 = tpu.memref_squeeze %dma_start3A_2252 : memref<1x!tpu.dma_semaphore, #tpu.memory_space<semaphore_mem>> -> memref<!tpu.dma_semaphore, #tpu.memory_space<semaphore_mem>>
          %dma_start3A_2254 = arith.constant 0 : i32
          %dma_start3A_2255 = tpu.memref_slice %arg5[%mul3A_2245, %dma_start3A_2254] : memref<425984x64xf32, #tpu.memory_space<hbm>> -> memref<128x64xf32, #tpu.memory_space<hbm>>
          %dma_start3A_2256 = arith.constant 0 : i32
          %dma_start3A_2257 = arith.constant 0 : i32
          %dma_start3A_2258 = tpu.memref_slice %run_scoped3A_10[%rem3A_2243, %dma_start3A_2256, %dma_start3A_2257] : memref<2x128x64xf32, #tpu.memory_space<vmem>> -> memref<1x128x64xf32, #tpu.memory_space<vmem>>
          %dma_start3A_2259 = tpu.memref_squeeze %dma_start3A_2258 : memref<1x128x64xf32, #tpu.memory_space<vmem>> -> memref<128x64xf32, #tpu.memory_space<vmem>>
          tpu.enqueue_dma source(%dma_start3A_2259 : memref<128x64xf32, #tpu.memory_space<vmem>>) target(%dma_start3A_2255 : memref<128x64xf32, #tpu.memory_space<hbm>>) target_semaphore(%dma_start3A_2253 : memref<!tpu.dma_semaphore, #tpu.memory_space<semaphore_mem>>)
          "tpu.trace_stop"() : () -> ()
        } else {
        }
        %and3A_1489 = arith.constant true
        %and3A_1490 = arith.andi %or3A_1485, %and3A_1489 : i1
        %add3A_1491 = arith.constant 1 : i32
        %add3A_1492 = arith.addi %scan3A_324, %add3A_1491 : i32
        %select_n3A_1493 = arith.select %and3A_1490, %add3A_1492, %scan3A_324 : i32
        %jit3A_1494 = arith.constant 128 : i32
        %div3A_1495 = arith.divsi %add3A_331, %jit3A_1494 : i32
        %sign3A_1496 = arith.constant 0 : i32
        %sign3A_1497 = arith.cmpi sgt, %add3A_331, %sign3A_1496 : i32
        %sign3A_1498 = arith.extui %sign3A_1497 : i1 to i32
        %sign3A_1499 = arith.constant 0 : i32
        %sign3A_1500 = arith.cmpi slt, %add3A_331, %sign3A_1499 : i32
        %sign3A_1501 = arith.extui %sign3A_1500 : i1 to i32
        %sign3A_1502 = arith.subi %sign3A_1498, %sign3A_1501 : i32
        %sign3A_1503 = arith.constant 0 : i32
        %sign3A_1504 = arith.cmpi sgt, %jit3A_1494, %sign3A_1503 : i32
        %sign3A_1505 = arith.extui %sign3A_1504 : i1 to i32
        %sign3A_1506 = arith.constant 0 : i32
        %sign3A_1507 = arith.cmpi slt, %jit3A_1494, %sign3A_1506 : i32
        %sign3A_1508 = arith.extui %sign3A_1507 : i1 to i32
        %sign3A_1509 = arith.subi %sign3A_1505, %sign3A_1508 : i32
        %ne3A_1510 = arith.cmpi ne, %sign3A_1502, %sign3A_1509 : i32
        %rem3A_1511 = arith.remsi %add3A_331, %jit3A_1494 : i32
        %ne3A_1512 = arith.constant 0 : i32
        %ne3A_1513 = arith.cmpi ne, %rem3A_1511, %ne3A_1512 : i32
        %and3A_1514 = arith.andi %ne3A_1510, %ne3A_1513 : i1
        %sub3A_1515 = arith.constant 1 : i32
        %sub3A_1516 = arith.subi %div3A_1495, %sub3A_1515 : i32
        %select_n3A_1517 = arith.select %and3A_1514, %sub3A_1516, %div3A_1495 : i32
        %jit3A_1518 = arith.constant 128 : i32
        %eq3A_1519 = arith.constant 0 : i32
        %eq3A_1520 = arith.cmpi eq, %jit3A_1518, %eq3A_1519 : i32
        %jit3A_1521 = arith.constant 1 : i32
        %select_n3A_1522 = arith.select %eq3A_1520, %jit3A_1521, %jit3A_1518 : i32
        %rem3A_1523 = arith.remsi %add3A_331, %select_n3A_1522 : i32
        %ne3A_1524 = arith.constant 0 : i32
        %ne3A_1525 = arith.cmpi ne, %rem3A_1523, %ne3A_1524 : i32
        %lt3A_1526 = arith.constant 0 : i32
        %lt3A_1527 = arith.cmpi slt, %rem3A_1523, %lt3A_1526 : i32
        %lt3A_1528 = arith.constant 0 : i32
        %lt3A_1529 = arith.cmpi slt, %select_n3A_1522, %lt3A_1528 : i32
        %ne3A_1530 = arith.xori %lt3A_1527, %lt3A_1529 : i1
        %and3A_1531 = arith.andi %ne3A_1530, %ne3A_1525 : i1
        %add3A_1532 = arith.addi %rem3A_1523, %select_n3A_1522 : i32
        %select_n3A_1533 = arith.select %and3A_1531, %add3A_1532, %rem3A_1523 : i32
        %jit3A_1534 = arith.constant 16 : i32
        %div3A_1535 = arith.divsi %select_n3A_1533, %jit3A_1534 : i32
        %sign3A_1536 = arith.constant 0 : i32
        %sign3A_1537 = arith.cmpi sgt, %select_n3A_1533, %sign3A_1536 : i32
        %sign3A_1538 = arith.extui %sign3A_1537 : i1 to i32
        %sign3A_1539 = arith.constant 0 : i32
        %sign3A_1540 = arith.cmpi slt, %select_n3A_1533, %sign3A_1539 : i32
        %sign3A_1541 = arith.extui %sign3A_1540 : i1 to i32
        %sign3A_1542 = arith.subi %sign3A_1538, %sign3A_1541 : i32
        %sign3A_1543 = arith.constant 0 : i32
        %sign3A_1544 = arith.cmpi sgt, %jit3A_1534, %sign3A_1543 : i32
        %sign3A_1545 = arith.extui %sign3A_1544 : i1 to i32
        %sign3A_1546 = arith.constant 0 : i32
        %sign3A_1547 = arith.cmpi slt, %jit3A_1534, %sign3A_1546 : i32
        %sign3A_1548 = arith.extui %sign3A_1547 : i1 to i32
        %sign3A_1549 = arith.subi %sign3A_1545, %sign3A_1548 : i32
        %ne3A_1550 = arith.cmpi ne, %sign3A_1542, %sign3A_1549 : i32
        %rem3A_1551 = arith.remsi %select_n3A_1533, %jit3A_1534 : i32
        %ne3A_1552 = arith.constant 0 : i32
        %ne3A_1553 = arith.cmpi ne, %rem3A_1551, %ne3A_1552 : i32
        %and3A_1554 = arith.andi %ne3A_1550, %ne3A_1553 : i1
        %sub3A_1555 = arith.constant 1 : i32
        %sub3A_1556 = arith.subi %div3A_1535, %sub3A_1555 : i32
        %select_n3A_1557 = arith.select %and3A_1554, %sub3A_1556, %div3A_1535 : i32
        %mul3A_1558 = arith.constant 32 : i32
        %mul3A_1559 = arith.muli %mul3A_1558, %select_n3A_1557 : i32
        %jit3A_1560 = arith.constant 16 : i32
        %eq3A_1561 = arith.constant 0 : i32
        %eq3A_1562 = arith.cmpi eq, %jit3A_1560, %eq3A_1561 : i32
        %jit3A_1563 = arith.constant 1 : i32
        %select_n3A_1564 = arith.select %eq3A_1562, %jit3A_1563, %jit3A_1560 : i32
        %rem3A_1565 = arith.remsi %add3A_331, %select_n3A_1564 : i32
        %ne3A_1566 = arith.constant 0 : i32
        %ne3A_1567 = arith.cmpi ne, %rem3A_1565, %ne3A_1566 : i32
        %lt3A_1568 = arith.constant 0 : i32
        %lt3A_1569 = arith.cmpi slt, %rem3A_1565, %lt3A_1568 : i32
        %lt3A_1570 = arith.constant 0 : i32
        %lt3A_1571 = arith.cmpi slt, %select_n3A_1564, %lt3A_1570 : i32
        %ne3A_1572 = arith.xori %lt3A_1569, %lt3A_1571 : i1
        %and3A_1573 = arith.andi %ne3A_1572, %ne3A_1567 : i1
        %add3A_1574 = arith.addi %rem3A_1565, %select_n3A_1564 : i32
        %select_n3A_1575 = arith.select %and3A_1573, %add3A_1574, %rem3A_1565 : i32
        %add3A_1576 = arith.addi %mul3A_1559, %select_n3A_1575 : i32
        %jit3A_1577 = arith.constant 128 : i32
        %div3A_1578 = arith.divsi %add3A_340, %jit3A_1577 : i32
        %sign3A_1579 = arith.constant 0 : i32
        %sign3A_1580 = arith.cmpi sgt, %add3A_340, %sign3A_1579 : i32
        %sign3A_1581 = arith.extui %sign3A_1580 : i1 to i32
        %sign3A_1582 = arith.constant 0 : i32
        %sign3A_1583 = arith.cmpi slt, %add3A_340, %sign3A_1582 : i32
        %sign3A_1584 = arith.extui %sign3A_1583 : i1 to i32
        %sign3A_1585 = arith.subi %sign3A_1581, %sign3A_1584 : i32
        %sign3A_1586 = arith.constant 0 : i32
        %sign3A_1587 = arith.cmpi sgt, %jit3A_1577, %sign3A_1586 : i32
        %sign3A_1588 = arith.extui %sign3A_1587 : i1 to i32
        %sign3A_1589 = arith.constant 0 : i32
        %sign3A_1590 = arith.cmpi slt, %jit3A_1577, %sign3A_1589 : i32
        %sign3A_1591 = arith.extui %sign3A_1590 : i1 to i32
        %sign3A_1592 = arith.subi %sign3A_1588, %sign3A_1591 : i32
        %ne3A_1593 = arith.cmpi ne, %sign3A_1585, %sign3A_1592 : i32
        %rem3A_1594 = arith.remsi %add3A_340, %jit3A_1577 : i32
        %ne3A_1595 = arith.constant 0 : i32
        %ne3A_1596 = arith.cmpi ne, %rem3A_1594, %ne3A_1595 : i32
        %and3A_1597 = arith.andi %ne3A_1593, %ne3A_1596 : i1
        %sub3A_1598 = arith.constant 1 : i32
        %sub3A_1599 = arith.subi %div3A_1578, %sub3A_1598 : i32
        %select_n3A_1600 = arith.select %and3A_1597, %sub3A_1599, %div3A_1578 : i32
        %jit3A_1601 = arith.constant 128 : i32
        %eq3A_1602 = arith.constant 0 : i32
        %eq3A_1603 = arith.cmpi eq, %jit3A_1601, %eq3A_1602 : i32
        %jit3A_1604 = arith.constant 1 : i32
        %select_n3A_1605 = arith.select %eq3A_1603, %jit3A_1604, %jit3A_1601 : i32
        %rem3A_1606 = arith.remsi %add3A_340, %select_n3A_1605 : i32
        %ne3A_1607 = arith.constant 0 : i32
        %ne3A_1608 = arith.cmpi ne, %rem3A_1606, %ne3A_1607 : i32
        %lt3A_1609 = arith.constant 0 : i32
        %lt3A_1610 = arith.cmpi slt, %rem3A_1606, %lt3A_1609 : i32
        %lt3A_1611 = arith.constant 0 : i32
        %lt3A_1612 = arith.cmpi slt, %select_n3A_1605, %lt3A_1611 : i32
        %ne3A_1613 = arith.xori %lt3A_1610, %lt3A_1612 : i1
        %and3A_1614 = arith.andi %ne3A_1613, %ne3A_1608 : i1
        %add3A_1615 = arith.addi %rem3A_1606, %select_n3A_1605 : i32
        %select_n3A_1616 = arith.select %and3A_1614, %add3A_1615, %rem3A_1606 : i32
        %jit3A_1617 = arith.constant 16 : i32
        %div3A_1618 = arith.divsi %select_n3A_1616, %jit3A_1617 : i32
        %sign3A_1619 = arith.constant 0 : i32
        %sign3A_1620 = arith.cmpi sgt, %select_n3A_1616, %sign3A_1619 : i32
        %sign3A_1621 = arith.extui %sign3A_1620 : i1 to i32
        %sign3A_1622 = arith.constant 0 : i32
        %sign3A_1623 = arith.cmpi slt, %select_n3A_1616, %sign3A_1622 : i32
        %sign3A_1624 = arith.extui %sign3A_1623 : i1 to i32
        %sign3A_1625 = arith.subi %sign3A_1621, %sign3A_1624 : i32
        %sign3A_1626 = arith.constant 0 : i32
        %sign3A_1627 = arith.cmpi sgt, %jit3A_1617, %sign3A_1626 : i32
        %sign3A_1628 = arith.extui %sign3A_1627 : i1 to i32
        %sign3A_1629 = arith.constant 0 : i32
        %sign3A_1630 = arith.cmpi slt, %jit3A_1617, %sign3A_1629 : i32
        %sign3A_1631 = arith.extui %sign3A_1630 : i1 to i32
        %sign3A_1632 = arith.subi %sign3A_1628, %sign3A_1631 : i32
        %ne3A_1633 = arith.cmpi ne, %sign3A_1625, %sign3A_1632 : i32
        %rem3A_1634 = arith.remsi %select_n3A_1616, %jit3A_1617 : i32
        %ne3A_1635 = arith.constant 0 : i32
        %ne3A_1636 = arith.cmpi ne, %rem3A_1634, %ne3A_1635 : i32
        %and3A_1637 = arith.andi %ne3A_1633, %ne3A_1636 : i1
        %sub3A_1638 = arith.constant 1 : i32
        %sub3A_1639 = arith.subi %div3A_1618, %sub3A_1638 : i32
        %select_n3A_1640 = arith.select %and3A_1637, %sub3A_1639, %div3A_1618 : i32
        %mul3A_1641 = arith.constant 32 : i32
        %mul3A_1642 = arith.muli %mul3A_1641, %select_n3A_1640 : i32
        %jit3A_1643 = arith.constant 16 : i32
        %eq3A_1644 = arith.constant 0 : i32
        %eq3A_1645 = arith.cmpi eq, %jit3A_1643, %eq3A_1644 : i32
        %jit3A_1646 = arith.constant 1 : i32
        %select_n3A_1647 = arith.select %eq3A_1645, %jit3A_1646, %jit3A_1643 : i32
        %rem3A_1648 = arith.remsi %add3A_340, %select_n3A_1647 : i32
        %ne3A_1649 = arith.constant 0 : i32
        %ne3A_1650 = arith.cmpi ne, %rem3A_1648, %ne3A_1649 : i32
        %lt3A_1651 = arith.constant 0 : i32
        %lt3A_1652 = arith.cmpi slt, %rem3A_1648, %lt3A_1651 : i32
        %lt3A_1653 = arith.constant 0 : i32
        %lt3A_1654 = arith.cmpi slt, %select_n3A_1647, %lt3A_1653 : i32
        %ne3A_1655 = arith.xori %lt3A_1652, %lt3A_1654 : i1
        %and3A_1656 = arith.andi %ne3A_1655, %ne3A_1650 : i1
        %add3A_1657 = arith.addi %rem3A_1648, %select_n3A_1647 : i32
        %select_n3A_1658 = arith.select %and3A_1656, %add3A_1657, %rem3A_1648 : i32
        %add3A_1659 = arith.addi %mul3A_1642, %select_n3A_1658 : i32
        %ne3A_1660 = arith.cmpi ne, %select_n3A_1517, %select_n3A_1600 : i32
        %ne3A_1661 = arith.cmpi ne, %add3A_1576, %add3A_1659 : i32
        %or3A_1662 = arith.constant false
        %or3A_1663 = arith.ori %or3A_1662, %ne3A_1660 : i1
        %or3A_1664 = arith.ori %or3A_1663, %ne3A_1661 : i1
        %or3A_1665 = arith.constant false
        %or3A_1666 = arith.ori %or3A_1664, %or3A_1665 : i1
        %not3A_1667 = arith.constant true
        %not3A_1668 = arith.xori %eq3A_328, %not3A_1667 : i1
        %and3A_1669 = arith.andi %or3A_1666, %not3A_1668 : i1
        %convert_element_type3A_1670 = arith.extui %and3A_1669 : i1 to i32
        %cond3A_1671 = arith.constant 0 : i32
        %cond3A_1672 = arith.cmpi ne, %convert_element_type3A_1670, %cond3A_1671 : i32
        scf.if %cond3A_1672 {
        } else {
        }
        %and3A_1673 = arith.constant false
        %and3A_1674 = arith.andi %and3A_1669, %and3A_1673 : i1
        %jit3A_1675 = arith.constant 128 : i32
        %div3A_1676 = arith.divsi %add3A_331, %jit3A_1675 : i32
        %sign3A_1677 = arith.constant 0 : i32
        %sign3A_1678 = arith.cmpi sgt, %add3A_331, %sign3A_1677 : i32
        %sign3A_1679 = arith.extui %sign3A_1678 : i1 to i32
        %sign3A_1680 = arith.constant 0 : i32
        %sign3A_1681 = arith.cmpi slt, %add3A_331, %sign3A_1680 : i32
        %sign3A_1682 = arith.extui %sign3A_1681 : i1 to i32
        %sign3A_1683 = arith.subi %sign3A_1679, %sign3A_1682 : i32
        %sign3A_1684 = arith.constant 0 : i32
        %sign3A_1685 = arith.cmpi sgt, %jit3A_1675, %sign3A_1684 : i32
        %sign3A_1686 = arith.extui %sign3A_1685 : i1 to i32
        %sign3A_1687 = arith.constant 0 : i32
        %sign3A_1688 = arith.cmpi slt, %jit3A_1675, %sign3A_1687 : i32
        %sign3A_1689 = arith.extui %sign3A_1688 : i1 to i32
        %sign3A_1690 = arith.subi %sign3A_1686, %sign3A_1689 : i32
        %ne3A_1691 = arith.cmpi ne, %sign3A_1683, %sign3A_1690 : i32
        %rem3A_1692 = arith.remsi %add3A_331, %jit3A_1675 : i32
        %ne3A_1693 = arith.constant 0 : i32
        %ne3A_1694 = arith.cmpi ne, %rem3A_1692, %ne3A_1693 : i32
        %and3A_1695 = arith.andi %ne3A_1691, %ne3A_1694 : i1
        %sub3A_1696 = arith.constant 1 : i32
        %sub3A_1697 = arith.subi %div3A_1676, %sub3A_1696 : i32
        %select_n3A_1698 = arith.select %and3A_1695, %sub3A_1697, %div3A_1676 : i32
        %jit3A_1699 = arith.constant 128 : i32
        %eq3A_1700 = arith.constant 0 : i32
        %eq3A_1701 = arith.cmpi eq, %jit3A_1699, %eq3A_1700 : i32
        %jit3A_1702 = arith.constant 1 : i32
        %select_n3A_1703 = arith.select %eq3A_1701, %jit3A_1702, %jit3A_1699 : i32
        %rem3A_1704 = arith.remsi %add3A_331, %select_n3A_1703 : i32
        %ne3A_1705 = arith.constant 0 : i32
        %ne3A_1706 = arith.cmpi ne, %rem3A_1704, %ne3A_1705 : i32
        %lt3A_1707 = arith.constant 0 : i32
        %lt3A_1708 = arith.cmpi slt, %rem3A_1704, %lt3A_1707 : i32
        %lt3A_1709 = arith.constant 0 : i32
        %lt3A_1710 = arith.cmpi slt, %select_n3A_1703, %lt3A_1709 : i32
        %ne3A_1711 = arith.xori %lt3A_1708, %lt3A_1710 : i1
        %and3A_1712 = arith.andi %ne3A_1711, %ne3A_1706 : i1
        %add3A_1713 = arith.addi %rem3A_1704, %select_n3A_1703 : i32
        %select_n3A_1714 = arith.select %and3A_1712, %add3A_1713, %rem3A_1704 : i32
        %jit3A_1715 = arith.constant 16 : i32
        %div3A_1716 = arith.divsi %select_n3A_1714, %jit3A_1715 : i32
        %sign3A_1717 = arith.constant 0 : i32
        %sign3A_1718 = arith.cmpi sgt, %select_n3A_1714, %sign3A_1717 : i32
        %sign3A_1719 = arith.extui %sign3A_1718 : i1 to i32
        %sign3A_1720 = arith.constant 0 : i32
        %sign3A_1721 = arith.cmpi slt, %select_n3A_1714, %sign3A_1720 : i32
        %sign3A_1722 = arith.extui %sign3A_1721 : i1 to i32
        %sign3A_1723 = arith.subi %sign3A_1719, %sign3A_1722 : i32
        %sign3A_1724 = arith.constant 0 : i32
        %sign3A_1725 = arith.cmpi sgt, %jit3A_1715, %sign3A_1724 : i32
        %sign3A_1726 = arith.extui %sign3A_1725 : i1 to i32
        %sign3A_1727 = arith.constant 0 : i32
        %sign3A_1728 = arith.cmpi slt, %jit3A_1715, %sign3A_1727 : i32
        %sign3A_1729 = arith.extui %sign3A_1728 : i1 to i32
        %sign3A_1730 = arith.subi %sign3A_1726, %sign3A_1729 : i32
        %ne3A_1731 = arith.cmpi ne, %sign3A_1723, %sign3A_1730 : i32
        %rem3A_1732 = arith.remsi %select_n3A_1714, %jit3A_1715 : i32
        %ne3A_1733 = arith.constant 0 : i32
        %ne3A_1734 = arith.cmpi ne, %rem3A_1732, %ne3A_1733 : i32
        %and3A_1735 = arith.andi %ne3A_1731, %ne3A_1734 : i1
        %sub3A_1736 = arith.constant 1 : i32
        %sub3A_1737 = arith.subi %div3A_1716, %sub3A_1736 : i32
        %select_n3A_1738 = arith.select %and3A_1735, %sub3A_1737, %div3A_1716 : i32
        %mul3A_1739 = arith.constant 32 : i32
        %mul3A_1740 = arith.muli %mul3A_1739, %select_n3A_1738 : i32
        %add3A_1741 = arith.constant 16 : i32
        %add3A_1742 = arith.addi %mul3A_1740, %add3A_1741 : i32
        %jit3A_1743 = arith.constant 16 : i32
        %eq3A_1744 = arith.constant 0 : i32
        %eq3A_1745 = arith.cmpi eq, %jit3A_1743, %eq3A_1744 : i32
        %jit3A_1746 = arith.constant 1 : i32
        %select_n3A_1747 = arith.select %eq3A_1745, %jit3A_1746, %jit3A_1743 : i32
        %rem3A_1748 = arith.remsi %add3A_331, %select_n3A_1747 : i32
        %ne3A_1749 = arith.constant 0 : i32
        %ne3A_1750 = arith.cmpi ne, %rem3A_1748, %ne3A_1749 : i32
        %lt3A_1751 = arith.constant 0 : i32
        %lt3A_1752 = arith.cmpi slt, %rem3A_1748, %lt3A_1751 : i32
        %lt3A_1753 = arith.constant 0 : i32
        %lt3A_1754 = arith.cmpi slt, %select_n3A_1747, %lt3A_1753 : i32
        %ne3A_1755 = arith.xori %lt3A_1752, %lt3A_1754 : i1
        %and3A_1756 = arith.andi %ne3A_1755, %ne3A_1750 : i1
        %add3A_1757 = arith.addi %rem3A_1748, %select_n3A_1747 : i32
        %select_n3A_1758 = arith.select %and3A_1756, %add3A_1757, %rem3A_1748 : i32
        %add3A_1759 = arith.addi %add3A_1742, %select_n3A_1758 : i32
        %jit3A_1760 = arith.constant 128 : i32
        %div3A_1761 = arith.divsi %add3A_340, %jit3A_1760 : i32
        %sign3A_1762 = arith.constant 0 : i32
        %sign3A_1763 = arith.cmpi sgt, %add3A_340, %sign3A_1762 : i32
        %sign3A_1764 = arith.extui %sign3A_1763 : i1 to i32
        %sign3A_1765 = arith.constant 0 : i32
        %sign3A_1766 = arith.cmpi slt, %add3A_340, %sign3A_1765 : i32
        %sign3A_1767 = arith.extui %sign3A_1766 : i1 to i32
        %sign3A_1768 = arith.subi %sign3A_1764, %sign3A_1767 : i32
        %sign3A_1769 = arith.constant 0 : i32
        %sign3A_1770 = arith.cmpi sgt, %jit3A_1760, %sign3A_1769 : i32
        %sign3A_1771 = arith.extui %sign3A_1770 : i1 to i32
        %sign3A_1772 = arith.constant 0 : i32
        %sign3A_1773 = arith.cmpi slt, %jit3A_1760, %sign3A_1772 : i32
        %sign3A_1774 = arith.extui %sign3A_1773 : i1 to i32
        %sign3A_1775 = arith.subi %sign3A_1771, %sign3A_1774 : i32
        %ne3A_1776 = arith.cmpi ne, %sign3A_1768, %sign3A_1775 : i32
        %rem3A_1777 = arith.remsi %add3A_340, %jit3A_1760 : i32
        %ne3A_1778 = arith.constant 0 : i32
        %ne3A_1779 = arith.cmpi ne, %rem3A_1777, %ne3A_1778 : i32
        %and3A_1780 = arith.andi %ne3A_1776, %ne3A_1779 : i1
        %sub3A_1781 = arith.constant 1 : i32
        %sub3A_1782 = arith.subi %div3A_1761, %sub3A_1781 : i32
        %select_n3A_1783 = arith.select %and3A_1780, %sub3A_1782, %div3A_1761 : i32
        %jit3A_1784 = arith.constant 128 : i32
        %eq3A_1785 = arith.constant 0 : i32
        %eq3A_1786 = arith.cmpi eq, %jit3A_1784, %eq3A_1785 : i32
        %jit3A_1787 = arith.constant 1 : i32
        %select_n3A_1788 = arith.select %eq3A_1786, %jit3A_1787, %jit3A_1784 : i32
        %rem3A_1789 = arith.remsi %add3A_340, %select_n3A_1788 : i32
        %ne3A_1790 = arith.constant 0 : i32
        %ne3A_1791 = arith.cmpi ne, %rem3A_1789, %ne3A_1790 : i32
        %lt3A_1792 = arith.constant 0 : i32
        %lt3A_1793 = arith.cmpi slt, %rem3A_1789, %lt3A_1792 : i32
        %lt3A_1794 = arith.constant 0 : i32
        %lt3A_1795 = arith.cmpi slt, %select_n3A_1788, %lt3A_1794 : i32
        %ne3A_1796 = arith.xori %lt3A_1793, %lt3A_1795 : i1
        %and3A_1797 = arith.andi %ne3A_1796, %ne3A_1791 : i1
        %add3A_1798 = arith.addi %rem3A_1789, %select_n3A_1788 : i32
        %select_n3A_1799 = arith.select %and3A_1797, %add3A_1798, %rem3A_1789 : i32
        %jit3A_1800 = arith.constant 16 : i32
        %div3A_1801 = arith.divsi %select_n3A_1799, %jit3A_1800 : i32
        %sign3A_1802 = arith.constant 0 : i32
        %sign3A_1803 = arith.cmpi sgt, %select_n3A_1799, %sign3A_1802 : i32
        %sign3A_1804 = arith.extui %sign3A_1803 : i1 to i32
        %sign3A_1805 = arith.constant 0 : i32
        %sign3A_1806 = arith.cmpi slt, %select_n3A_1799, %sign3A_1805 : i32
        %sign3A_1807 = arith.extui %sign3A_1806 : i1 to i32
        %sign3A_1808 = arith.subi %sign3A_1804, %sign3A_1807 : i32
        %sign3A_1809 = arith.constant 0 : i32
        %sign3A_1810 = arith.cmpi sgt, %jit3A_1800, %sign3A_1809 : i32
        %sign3A_1811 = arith.extui %sign3A_1810 : i1 to i32
        %sign3A_1812 = arith.constant 0 : i32
        %sign3A_1813 = arith.cmpi slt, %jit3A_1800, %sign3A_1812 : i32
        %sign3A_1814 = arith.extui %sign3A_1813 : i1 to i32
        %sign3A_1815 = arith.subi %sign3A_1811, %sign3A_1814 : i32
        %ne3A_1816 = arith.cmpi ne, %sign3A_1808, %sign3A_1815 : i32
        %rem3A_1817 = arith.remsi %select_n3A_1799, %jit3A_1800 : i32
        %ne3A_1818 = arith.constant 0 : i32
        %ne3A_1819 = arith.cmpi ne, %rem3A_1817, %ne3A_1818 : i32
        %and3A_1820 = arith.andi %ne3A_1816, %ne3A_1819 : i1
        %sub3A_1821 = arith.constant 1 : i32
        %sub3A_1822 = arith.subi %div3A_1801, %sub3A_1821 : i32
        %select_n3A_1823 = arith.select %and3A_1820, %sub3A_1822, %div3A_1801 : i32
        %mul3A_1824 = arith.constant 32 : i32
        %mul3A_1825 = arith.muli %mul3A_1824, %select_n3A_1823 : i32
        %add3A_1826 = arith.constant 16 : i32
        %add3A_1827 = arith.addi %mul3A_1825, %add3A_1826 : i32
        %jit3A_1828 = arith.constant 16 : i32
        %eq3A_1829 = arith.constant 0 : i32
        %eq3A_1830 = arith.cmpi eq, %jit3A_1828, %eq3A_1829 : i32
        %jit3A_1831 = arith.constant 1 : i32
        %select_n3A_1832 = arith.select %eq3A_1830, %jit3A_1831, %jit3A_1828 : i32
        %rem3A_1833 = arith.remsi %add3A_340, %select_n3A_1832 : i32
        %ne3A_1834 = arith.constant 0 : i32
        %ne3A_1835 = arith.cmpi ne, %rem3A_1833, %ne3A_1834 : i32
        %lt3A_1836 = arith.constant 0 : i32
        %lt3A_1837 = arith.cmpi slt, %rem3A_1833, %lt3A_1836 : i32
        %lt3A_1838 = arith.constant 0 : i32
        %lt3A_1839 = arith.cmpi slt, %select_n3A_1832, %lt3A_1838 : i32
        %ne3A_1840 = arith.xori %lt3A_1837, %lt3A_1839 : i1
        %and3A_1841 = arith.andi %ne3A_1840, %ne3A_1835 : i1
        %add3A_1842 = arith.addi %rem3A_1833, %select_n3A_1832 : i32
        %select_n3A_1843 = arith.select %and3A_1841, %add3A_1842, %rem3A_1833 : i32
        %add3A_1844 = arith.addi %add3A_1827, %select_n3A_1843 : i32
        %ne3A_1845 = arith.cmpi ne, %select_n3A_1698, %select_n3A_1783 : i32
        %ne3A_1846 = arith.cmpi ne, %add3A_1759, %add3A_1844 : i32
        %or3A_1847 = arith.constant false
        %or3A_1848 = arith.ori %or3A_1847, %ne3A_1845 : i1
        %or3A_1849 = arith.ori %or3A_1848, %ne3A_1846 : i1
        %or3A_1850 = arith.constant false
        %or3A_1851 = arith.ori %or3A_1849, %or3A_1850 : i1
        %not3A_1852 = arith.constant true
        %not3A_1853 = arith.xori %eq3A_328, %not3A_1852 : i1
        %and3A_1854 = arith.andi %or3A_1851, %not3A_1853 : i1
        %convert_element_type3A_1855 = arith.extui %and3A_1854 : i1 to i32
        %cond3A_1856 = arith.constant 0 : i32
        %cond3A_1857 = arith.cmpi ne, %convert_element_type3A_1855, %cond3A_1856 : i32
        scf.if %cond3A_1857 {
        } else {
        }
        %and3A_1858 = arith.constant false
        %and3A_1859 = arith.andi %and3A_1854, %and3A_1858 : i1
        %ne3A_1860 = arith.cmpi ne, %add3A_331, %add3A_340 : i32
        %or3A_1861 = arith.constant false
        %or3A_1862 = arith.ori %or3A_1861, %ne3A_1860 : i1
        %or3A_1863 = arith.constant false
        %or3A_1864 = arith.ori %or3A_1862, %or3A_1863 : i1
        %not3A_1865 = arith.constant true
        %not3A_1866 = arith.xori %eq3A_328, %not3A_1865 : i1
        %and3A_1867 = arith.andi %or3A_1864, %not3A_1866 : i1
        %convert_element_type3A_1868 = arith.extui %and3A_1867 : i1 to i32
        %cond3A_1869 = arith.constant 0 : i32
        %cond3A_1870 = arith.cmpi ne, %convert_element_type3A_1868, %cond3A_1869 : i32
        scf.if %cond3A_1870 {
          "tpu.trace_start"() <{level = 10 : i32, message = "ep_wait_out"}> : () -> ()
          %rem3A_2242 = arith.constant 2 : i32
          %rem3A_2243 = arith.remui %scan3A_325, %rem3A_2242 : i32
          %mul3A_2244 = arith.constant 128 : i32
          %mul3A_2245 = arith.muli %mul3A_2244, %add3A_340 : i32
          %dma_wait3A_2246 = arith.constant 0 : i32
          %dma_wait3A_2247 = arith.constant 0 : i32
          %dma_wait3A_2248 = tpu.memref_slice %run_scoped3A_10[%rem3A_2243, %dma_wait3A_2246, %dma_wait3A_2247] : memref<2x128x64xf32, #tpu.memory_space<vmem>> -> memref<1x128x64xf32, #tpu.memory_space<vmem>>
          %dma_wait3A_2249 = tpu.memref_squeeze %dma_wait3A_2248 : memref<1x128x64xf32, #tpu.memory_space<vmem>> -> memref<128x64xf32, #tpu.memory_space<vmem>>
          %dma_wait3A_2250 = arith.constant 0 : i32
          %dma_wait3A_2251 = tpu.memref_slice %arg5[%mul3A_2245, %dma_wait3A_2250] : memref<425984x64xf32, #tpu.memory_space<hbm>> -> memref<128x64xf32, #tpu.memory_space<hbm>>
          %dma_wait3A_2252 = tpu.memref_slice %run_scoped3A_11[%rem3A_2243] : memref<2x!tpu.dma_semaphore, #tpu.memory_space<semaphore_mem>> -> memref<1x!tpu.dma_semaphore, #tpu.memory_space<semaphore_mem>>
          %dma_wait3A_2253 = tpu.memref_squeeze %dma_wait3A_2252 : memref<1x!tpu.dma_semaphore, #tpu.memory_space<semaphore_mem>> -> memref<!tpu.dma_semaphore, #tpu.memory_space<semaphore_mem>>
          %dma_wait3A_2254 = arith.constant 0 : i32
          %dma_wait3A_2255 = tpu.memref_slice %arg5[%mul3A_2245, %dma_wait3A_2254] : memref<425984x64xf32, #tpu.memory_space<hbm>> -> memref<128x64xf32, #tpu.memory_space<hbm>>
          %dma_wait3A_2256 = arith.constant 0 : i32
          %dma_wait3A_2257 = arith.constant 0 : i32
          %dma_wait3A_2258 = tpu.memref_slice %run_scoped3A_10[%rem3A_2243, %dma_wait3A_2256, %dma_wait3A_2257] : memref<2x128x64xf32, #tpu.memory_space<vmem>> -> memref<1x128x64xf32, #tpu.memory_space<vmem>>
          %dma_wait3A_2259 = tpu.memref_squeeze %dma_wait3A_2258 : memref<1x128x64xf32, #tpu.memory_space<vmem>> -> memref<128x64xf32, #tpu.memory_space<vmem>>
          tpu.wait_dma2 semaphore(%dma_wait3A_2253 : memref<!tpu.dma_semaphore, #tpu.memory_space<semaphore_mem>>) src(%dma_wait3A_2259 : memref<128x64xf32, #tpu.memory_space<vmem>>) dst(%dma_wait3A_2255 : memref<128x64xf32, #tpu.memory_space<hbm>>)
          "tpu.trace_stop"() : () -> ()
        } else {
        }
        %and3A_1871 = arith.constant true
        %and3A_1872 = arith.andi %and3A_1867, %and3A_1871 : i1
        %add3A_1873 = arith.constant 1 : i32
        %add3A_1874 = arith.addi %scan3A_325, %add3A_1873 : i32
        %select_n3A_1875 = arith.select %and3A_1872, %add3A_1874, %scan3A_325 : i32
        %jit3A_1876 = arith.constant 128 : i32
        %div3A_1877 = arith.divsi %add3A_331, %jit3A_1876 : i32
        %sign3A_1878 = arith.constant 0 : i32
        %sign3A_1879 = arith.cmpi sgt, %add3A_331, %sign3A_1878 : i32
        %sign3A_1880 = arith.extui %sign3A_1879 : i1 to i32
        %sign3A_1881 = arith.constant 0 : i32
        %sign3A_1882 = arith.cmpi slt, %add3A_331, %sign3A_1881 : i32
        %sign3A_1883 = arith.extui %sign3A_1882 : i1 to i32
        %sign3A_1884 = arith.subi %sign3A_1880, %sign3A_1883 : i32
        %sign3A_1885 = arith.constant 0 : i32
        %sign3A_1886 = arith.cmpi sgt, %jit3A_1876, %sign3A_1885 : i32
        %sign3A_1887 = arith.extui %sign3A_1886 : i1 to i32
        %sign3A_1888 = arith.constant 0 : i32
        %sign3A_1889 = arith.cmpi slt, %jit3A_1876, %sign3A_1888 : i32
        %sign3A_1890 = arith.extui %sign3A_1889 : i1 to i32
        %sign3A_1891 = arith.subi %sign3A_1887, %sign3A_1890 : i32
        %ne3A_1892 = arith.cmpi ne, %sign3A_1884, %sign3A_1891 : i32
        %rem3A_1893 = arith.remsi %add3A_331, %jit3A_1876 : i32
        %ne3A_1894 = arith.constant 0 : i32
        %ne3A_1895 = arith.cmpi ne, %rem3A_1893, %ne3A_1894 : i32
        %and3A_1896 = arith.andi %ne3A_1892, %ne3A_1895 : i1
        %sub3A_1897 = arith.constant 1 : i32
        %sub3A_1898 = arith.subi %div3A_1877, %sub3A_1897 : i32
        %select_n3A_1899 = arith.select %and3A_1896, %sub3A_1898, %div3A_1877 : i32
        %jit3A_1900 = arith.constant 128 : i32
        %eq3A_1901 = arith.constant 0 : i32
        %eq3A_1902 = arith.cmpi eq, %jit3A_1900, %eq3A_1901 : i32
        %jit3A_1903 = arith.constant 1 : i32
        %select_n3A_1904 = arith.select %eq3A_1902, %jit3A_1903, %jit3A_1900 : i32
        %rem3A_1905 = arith.remsi %add3A_331, %select_n3A_1904 : i32
        %ne3A_1906 = arith.constant 0 : i32
        %ne3A_1907 = arith.cmpi ne, %rem3A_1905, %ne3A_1906 : i32
        %lt3A_1908 = arith.constant 0 : i32
        %lt3A_1909 = arith.cmpi slt, %rem3A_1905, %lt3A_1908 : i32
        %lt3A_1910 = arith.constant 0 : i32
        %lt3A_1911 = arith.cmpi slt, %select_n3A_1904, %lt3A_1910 : i32
        %ne3A_1912 = arith.xori %lt3A_1909, %lt3A_1911 : i1
        %and3A_1913 = arith.andi %ne3A_1912, %ne3A_1907 : i1
        %add3A_1914 = arith.addi %rem3A_1905, %select_n3A_1904 : i32
        %select_n3A_1915 = arith.select %and3A_1913, %add3A_1914, %rem3A_1905 : i32
        %jit3A_1916 = arith.constant 16 : i32
        %div3A_1917 = arith.divsi %select_n3A_1915, %jit3A_1916 : i32
        %sign3A_1918 = arith.constant 0 : i32
        %sign3A_1919 = arith.cmpi sgt, %select_n3A_1915, %sign3A_1918 : i32
        %sign3A_1920 = arith.extui %sign3A_1919 : i1 to i32
        %sign3A_1921 = arith.constant 0 : i32
        %sign3A_1922 = arith.cmpi slt, %select_n3A_1915, %sign3A_1921 : i32
        %sign3A_1923 = arith.extui %sign3A_1922 : i1 to i32
        %sign3A_1924 = arith.subi %sign3A_1920, %sign3A_1923 : i32
        %sign3A_1925 = arith.constant 0 : i32
        %sign3A_1926 = arith.cmpi sgt, %jit3A_1916, %sign3A_1925 : i32
        %sign3A_1927 = arith.extui %sign3A_1926 : i1 to i32
        %sign3A_1928 = arith.constant 0 : i32
        %sign3A_1929 = arith.cmpi slt, %jit3A_1916, %sign3A_1928 : i32
        %sign3A_1930 = arith.extui %sign3A_1929 : i1 to i32
        %sign3A_1931 = arith.subi %sign3A_1927, %sign3A_1930 : i32
        %ne3A_1932 = arith.cmpi ne, %sign3A_1924, %sign3A_1931 : i32
        %rem3A_1933 = arith.remsi %select_n3A_1915, %jit3A_1916 : i32
        %ne3A_1934 = arith.constant 0 : i32
        %ne3A_1935 = arith.cmpi ne, %rem3A_1933, %ne3A_1934 : i32
        %and3A_1936 = arith.andi %ne3A_1932, %ne3A_1935 : i1
        %sub3A_1937 = arith.constant 1 : i32
        %sub3A_1938 = arith.subi %div3A_1917, %sub3A_1937 : i32
        %select_n3A_1939 = arith.select %and3A_1936, %sub3A_1938, %div3A_1917 : i32
        %mul3A_1940 = arith.constant 32 : i32
        %mul3A_1941 = arith.muli %mul3A_1940, %select_n3A_1939 : i32
        %jit3A_1942 = arith.constant 16 : i32
        %eq3A_1943 = arith.constant 0 : i32
        %eq3A_1944 = arith.cmpi eq, %jit3A_1942, %eq3A_1943 : i32
        %jit3A_1945 = arith.constant 1 : i32
        %select_n3A_1946 = arith.select %eq3A_1944, %jit3A_1945, %jit3A_1942 : i32
        %rem3A_1947 = arith.remsi %add3A_331, %select_n3A_1946 : i32
        %ne3A_1948 = arith.constant 0 : i32
        %ne3A_1949 = arith.cmpi ne, %rem3A_1947, %ne3A_1948 : i32
        %lt3A_1950 = arith.constant 0 : i32
        %lt3A_1951 = arith.cmpi slt, %rem3A_1947, %lt3A_1950 : i32
        %lt3A_1952 = arith.constant 0 : i32
        %lt3A_1953 = arith.cmpi slt, %select_n3A_1946, %lt3A_1952 : i32
        %ne3A_1954 = arith.xori %lt3A_1951, %lt3A_1953 : i1
        %and3A_1955 = arith.andi %ne3A_1954, %ne3A_1949 : i1
        %add3A_1956 = arith.addi %rem3A_1947, %select_n3A_1946 : i32
        %select_n3A_1957 = arith.select %and3A_1955, %add3A_1956, %rem3A_1947 : i32
        %add3A_1958 = arith.addi %mul3A_1941, %select_n3A_1957 : i32
        %jit3A_1959 = arith.constant 128 : i32
        %div3A_1960 = arith.divsi %add3A_349, %jit3A_1959 : i32
        %sign3A_1961 = arith.constant 0 : i32
        %sign3A_1962 = arith.cmpi sgt, %add3A_349, %sign3A_1961 : i32
        %sign3A_1963 = arith.extui %sign3A_1962 : i1 to i32
        %sign3A_1964 = arith.constant 0 : i32
        %sign3A_1965 = arith.cmpi slt, %add3A_349, %sign3A_1964 : i32
        %sign3A_1966 = arith.extui %sign3A_1965 : i1 to i32
        %sign3A_1967 = arith.subi %sign3A_1963, %sign3A_1966 : i32
        %sign3A_1968 = arith.constant 0 : i32
        %sign3A_1969 = arith.cmpi sgt, %jit3A_1959, %sign3A_1968 : i32
        %sign3A_1970 = arith.extui %sign3A_1969 : i1 to i32
        %sign3A_1971 = arith.constant 0 : i32
        %sign3A_1972 = arith.cmpi slt, %jit3A_1959, %sign3A_1971 : i32
        %sign3A_1973 = arith.extui %sign3A_1972 : i1 to i32
        %sign3A_1974 = arith.subi %sign3A_1970, %sign3A_1973 : i32
        %ne3A_1975 = arith.cmpi ne, %sign3A_1967, %sign3A_1974 : i32
        %rem3A_1976 = arith.remsi %add3A_349, %jit3A_1959 : i32
        %ne3A_1977 = arith.constant 0 : i32
        %ne3A_1978 = arith.cmpi ne, %rem3A_1976, %ne3A_1977 : i32
        %and3A_1979 = arith.andi %ne3A_1975, %ne3A_1978 : i1
        %sub3A_1980 = arith.constant 1 : i32
        %sub3A_1981 = arith.subi %div3A_1960, %sub3A_1980 : i32
        %select_n3A_1982 = arith.select %and3A_1979, %sub3A_1981, %div3A_1960 : i32
        %jit3A_1983 = arith.constant 128 : i32
        %eq3A_1984 = arith.constant 0 : i32
        %eq3A_1985 = arith.cmpi eq, %jit3A_1983, %eq3A_1984 : i32
        %jit3A_1986 = arith.constant 1 : i32
        %select_n3A_1987 = arith.select %eq3A_1985, %jit3A_1986, %jit3A_1983 : i32
        %rem3A_1988 = arith.remsi %add3A_349, %select_n3A_1987 : i32
        %ne3A_1989 = arith.constant 0 : i32
        %ne3A_1990 = arith.cmpi ne, %rem3A_1988, %ne3A_1989 : i32
        %lt3A_1991 = arith.constant 0 : i32
        %lt3A_1992 = arith.cmpi slt, %rem3A_1988, %lt3A_1991 : i32
        %lt3A_1993 = arith.constant 0 : i32
        %lt3A_1994 = arith.cmpi slt, %select_n3A_1987, %lt3A_1993 : i32
        %ne3A_1995 = arith.xori %lt3A_1992, %lt3A_1994 : i1
        %and3A_1996 = arith.andi %ne3A_1995, %ne3A_1990 : i1
        %add3A_1997 = arith.addi %rem3A_1988, %select_n3A_1987 : i32
        %select_n3A_1998 = arith.select %and3A_1996, %add3A_1997, %rem3A_1988 : i32
        %jit3A_1999 = arith.constant 16 : i32
        %div3A_2000 = arith.divsi %select_n3A_1998, %jit3A_1999 : i32
        %sign3A_2001 = arith.constant 0 : i32
        %sign3A_2002 = arith.cmpi sgt, %select_n3A_1998, %sign3A_2001 : i32
        %sign3A_2003 = arith.extui %sign3A_2002 : i1 to i32
        %sign3A_2004 = arith.constant 0 : i32
        %sign3A_2005 = arith.cmpi slt, %select_n3A_1998, %sign3A_2004 : i32
        %sign3A_2006 = arith.extui %sign3A_2005 : i1 to i32
        %sign3A_2007 = arith.subi %sign3A_2003, %sign3A_2006 : i32
        %sign3A_2008 = arith.constant 0 : i32
        %sign3A_2009 = arith.cmpi sgt, %jit3A_1999, %sign3A_2008 : i32
        %sign3A_2010 = arith.extui %sign3A_2009 : i1 to i32
        %sign3A_2011 = arith.constant 0 : i32
        %sign3A_2012 = arith.cmpi slt, %jit3A_1999, %sign3A_2011 : i32
        %sign3A_2013 = arith.extui %sign3A_2012 : i1 to i32
        %sign3A_2014 = arith.subi %sign3A_2010, %sign3A_2013 : i32
        %ne3A_2015 = arith.cmpi ne, %sign3A_2007, %sign3A_2014 : i32
        %rem3A_2016 = arith.remsi %select_n3A_1998, %jit3A_1999 : i32
        %ne3A_2017 = arith.constant 0 : i32
        %ne3A_2018 = arith.cmpi ne, %rem3A_2016, %ne3A_2017 : i32
        %and3A_2019 = arith.andi %ne3A_2015, %ne3A_2018 : i1
        %sub3A_2020 = arith.constant 1 : i32
        %sub3A_2021 = arith.subi %div3A_2000, %sub3A_2020 : i32
        %select_n3A_2022 = arith.select %and3A_2019, %sub3A_2021, %div3A_2000 : i32
        %mul3A_2023 = arith.constant 32 : i32
        %mul3A_2024 = arith.muli %mul3A_2023, %select_n3A_2022 : i32
        %jit3A_2025 = arith.constant 16 : i32
        %eq3A_2026 = arith.constant 0 : i32
        %eq3A_2027 = arith.cmpi eq, %jit3A_2025, %eq3A_2026 : i32
        %jit3A_2028 = arith.constant 1 : i32
        %select_n3A_2029 = arith.select %eq3A_2027, %jit3A_2028, %jit3A_2025 : i32
        %rem3A_2030 = arith.remsi %add3A_349, %select_n3A_2029 : i32
        %ne3A_2031 = arith.constant 0 : i32
        %ne3A_2032 = arith.cmpi ne, %rem3A_2030, %ne3A_2031 : i32
        %lt3A_2033 = arith.constant 0 : i32
        %lt3A_2034 = arith.cmpi slt, %rem3A_2030, %lt3A_2033 : i32
        %lt3A_2035 = arith.constant 0 : i32
        %lt3A_2036 = arith.cmpi slt, %select_n3A_2029, %lt3A_2035 : i32
        %ne3A_2037 = arith.xori %lt3A_2034, %lt3A_2036 : i1
        %and3A_2038 = arith.andi %ne3A_2037, %ne3A_2032 : i1
        %add3A_2039 = arith.addi %rem3A_2030, %select_n3A_2029 : i32
        %select_n3A_2040 = arith.select %and3A_2038, %add3A_2039, %rem3A_2030 : i32
        %add3A_2041 = arith.addi %mul3A_2024, %select_n3A_2040 : i32
        %ne3A_2042 = arith.cmpi ne, %select_n3A_1899, %select_n3A_1982 : i32
        %ne3A_2043 = arith.cmpi ne, %add3A_1958, %add3A_2041 : i32
        %or3A_2044 = arith.constant false
        %or3A_2045 = arith.ori %or3A_2044, %ne3A_2042 : i1
        %or3A_2046 = arith.ori %or3A_2045, %ne3A_2043 : i1
        %or3A_2047 = arith.constant false
        %or3A_2048 = arith.ori %or3A_2046, %or3A_2047 : i1
        %or3A_2049 = arith.ori %or3A_2048, %eq3A_330 : i1
        %add3A_2050 = arith.constant 1 : i32
        %add3A_2051 = arith.addi %scan3A_321, %add3A_2050 : i32
        %select_n3A_2052 = arith.select %or3A_2049, %add3A_2051, %scan3A_321 : i32
        %jit3A_2053 = arith.constant 128 : i32
        %div3A_2054 = arith.divsi %add3A_331, %jit3A_2053 : i32
        %sign3A_2055 = arith.constant 0 : i32
        %sign3A_2056 = arith.cmpi sgt, %add3A_331, %sign3A_2055 : i32
        %sign3A_2057 = arith.extui %sign3A_2056 : i1 to i32
        %sign3A_2058 = arith.constant 0 : i32
        %sign3A_2059 = arith.cmpi slt, %add3A_331, %sign3A_2058 : i32
        %sign3A_2060 = arith.extui %sign3A_2059 : i1 to i32
        %sign3A_2061 = arith.subi %sign3A_2057, %sign3A_2060 : i32
        %sign3A_2062 = arith.constant 0 : i32
        %sign3A_2063 = arith.cmpi sgt, %jit3A_2053, %sign3A_2062 : i32
        %sign3A_2064 = arith.extui %sign3A_2063 : i1 to i32
        %sign3A_2065 = arith.constant 0 : i32
        %sign3A_2066 = arith.cmpi slt, %jit3A_2053, %sign3A_2065 : i32
        %sign3A_2067 = arith.extui %sign3A_2066 : i1 to i32
        %sign3A_2068 = arith.subi %sign3A_2064, %sign3A_2067 : i32
        %ne3A_2069 = arith.cmpi ne, %sign3A_2061, %sign3A_2068 : i32
        %rem3A_2070 = arith.remsi %add3A_331, %jit3A_2053 : i32
        %ne3A_2071 = arith.constant 0 : i32
        %ne3A_2072 = arith.cmpi ne, %rem3A_2070, %ne3A_2071 : i32
        %and3A_2073 = arith.andi %ne3A_2069, %ne3A_2072 : i1
        %sub3A_2074 = arith.constant 1 : i32
        %sub3A_2075 = arith.subi %div3A_2054, %sub3A_2074 : i32
        %select_n3A_2076 = arith.select %and3A_2073, %sub3A_2075, %div3A_2054 : i32
        %jit3A_2077 = arith.constant 128 : i32
        %eq3A_2078 = arith.constant 0 : i32
        %eq3A_2079 = arith.cmpi eq, %jit3A_2077, %eq3A_2078 : i32
        %jit3A_2080 = arith.constant 1 : i32
        %select_n3A_2081 = arith.select %eq3A_2079, %jit3A_2080, %jit3A_2077 : i32
        %rem3A_2082 = arith.remsi %add3A_331, %select_n3A_2081 : i32
        %ne3A_2083 = arith.constant 0 : i32
        %ne3A_2084 = arith.cmpi ne, %rem3A_2082, %ne3A_2083 : i32
        %lt3A_2085 = arith.constant 0 : i32
        %lt3A_2086 = arith.cmpi slt, %rem3A_2082, %lt3A_2085 : i32
        %lt3A_2087 = arith.constant 0 : i32
        %lt3A_2088 = arith.cmpi slt, %select_n3A_2081, %lt3A_2087 : i32
        %ne3A_2089 = arith.xori %lt3A_2086, %lt3A_2088 : i1
        %and3A_2090 = arith.andi %ne3A_2089, %ne3A_2084 : i1
        %add3A_2091 = arith.addi %rem3A_2082, %select_n3A_2081 : i32
        %select_n3A_2092 = arith.select %and3A_2090, %add3A_2091, %rem3A_2082 : i32
        %jit3A_2093 = arith.constant 16 : i32
        %div3A_2094 = arith.divsi %select_n3A_2092, %jit3A_2093 : i32
        %sign3A_2095 = arith.constant 0 : i32
        %sign3A_2096 = arith.cmpi sgt, %select_n3A_2092, %sign3A_2095 : i32
        %sign3A_2097 = arith.extui %sign3A_2096 : i1 to i32
        %sign3A_2098 = arith.constant 0 : i32
        %sign3A_2099 = arith.cmpi slt, %select_n3A_2092, %sign3A_2098 : i32
        %sign3A_2100 = arith.extui %sign3A_2099 : i1 to i32
        %sign3A_2101 = arith.subi %sign3A_2097, %sign3A_2100 : i32
        %sign3A_2102 = arith.constant 0 : i32
        %sign3A_2103 = arith.cmpi sgt, %jit3A_2093, %sign3A_2102 : i32
        %sign3A_2104 = arith.extui %sign3A_2103 : i1 to i32
        %sign3A_2105 = arith.constant 0 : i32
        %sign3A_2106 = arith.cmpi slt, %jit3A_2093, %sign3A_2105 : i32
        %sign3A_2107 = arith.extui %sign3A_2106 : i1 to i32
        %sign3A_2108 = arith.subi %sign3A_2104, %sign3A_2107 : i32
        %ne3A_2109 = arith.cmpi ne, %sign3A_2101, %sign3A_2108 : i32
        %rem3A_2110 = arith.remsi %select_n3A_2092, %jit3A_2093 : i32
        %ne3A_2111 = arith.constant 0 : i32
        %ne3A_2112 = arith.cmpi ne, %rem3A_2110, %ne3A_2111 : i32
        %and3A_2113 = arith.andi %ne3A_2109, %ne3A_2112 : i1
        %sub3A_2114 = arith.constant 1 : i32
        %sub3A_2115 = arith.subi %div3A_2094, %sub3A_2114 : i32
        %select_n3A_2116 = arith.select %and3A_2113, %sub3A_2115, %div3A_2094 : i32
        %mul3A_2117 = arith.constant 32 : i32
        %mul3A_2118 = arith.muli %mul3A_2117, %select_n3A_2116 : i32
        %add3A_2119 = arith.constant 16 : i32
        %add3A_2120 = arith.addi %mul3A_2118, %add3A_2119 : i32
        %jit3A_2121 = arith.constant 16 : i32
        %eq3A_2122 = arith.constant 0 : i32
        %eq3A_2123 = arith.cmpi eq, %jit3A_2121, %eq3A_2122 : i32
        %jit3A_2124 = arith.constant 1 : i32
        %select_n3A_2125 = arith.select %eq3A_2123, %jit3A_2124, %jit3A_2121 : i32
        %rem3A_2126 = arith.remsi %add3A_331, %select_n3A_2125 : i32
        %ne3A_2127 = arith.constant 0 : i32
        %ne3A_2128 = arith.cmpi ne, %rem3A_2126, %ne3A_2127 : i32
        %lt3A_2129 = arith.constant 0 : i32
        %lt3A_2130 = arith.cmpi slt, %rem3A_2126, %lt3A_2129 : i32
        %lt3A_2131 = arith.constant 0 : i32
        %lt3A_2132 = arith.cmpi slt, %select_n3A_2125, %lt3A_2131 : i32
        %ne3A_2133 = arith.xori %lt3A_2130, %lt3A_2132 : i1
        %and3A_2134 = arith.andi %ne3A_2133, %ne3A_2128 : i1
        %add3A_2135 = arith.addi %rem3A_2126, %select_n3A_2125 : i32
        %select_n3A_2136 = arith.select %and3A_2134, %add3A_2135, %rem3A_2126 : i32
        %add3A_2137 = arith.addi %add3A_2120, %select_n3A_2136 : i32
        %jit3A_2138 = arith.constant 128 : i32
        %div3A_2139 = arith.divsi %add3A_349, %jit3A_2138 : i32
        %sign3A_2140 = arith.constant 0 : i32
        %sign3A_2141 = arith.cmpi sgt, %add3A_349, %sign3A_2140 : i32
        %sign3A_2142 = arith.extui %sign3A_2141 : i1 to i32
        %sign3A_2143 = arith.constant 0 : i32
        %sign3A_2144 = arith.cmpi slt, %add3A_349, %sign3A_2143 : i32
        %sign3A_2145 = arith.extui %sign3A_2144 : i1 to i32
        %sign3A_2146 = arith.subi %sign3A_2142, %sign3A_2145 : i32
        %sign3A_2147 = arith.constant 0 : i32
        %sign3A_2148 = arith.cmpi sgt, %jit3A_2138, %sign3A_2147 : i32
        %sign3A_2149 = arith.extui %sign3A_2148 : i1 to i32
        %sign3A_2150 = arith.constant 0 : i32
        %sign3A_2151 = arith.cmpi slt, %jit3A_2138, %sign3A_2150 : i32
        %sign3A_2152 = arith.extui %sign3A_2151 : i1 to i32
        %sign3A_2153 = arith.subi %sign3A_2149, %sign3A_2152 : i32
        %ne3A_2154 = arith.cmpi ne, %sign3A_2146, %sign3A_2153 : i32
        %rem3A_2155 = arith.remsi %add3A_349, %jit3A_2138 : i32
        %ne3A_2156 = arith.constant 0 : i32
        %ne3A_2157 = arith.cmpi ne, %rem3A_2155, %ne3A_2156 : i32
        %and3A_2158 = arith.andi %ne3A_2154, %ne3A_2157 : i1
        %sub3A_2159 = arith.constant 1 : i32
        %sub3A_2160 = arith.subi %div3A_2139, %sub3A_2159 : i32
        %select_n3A_2161 = arith.select %and3A_2158, %sub3A_2160, %div3A_2139 : i32
        %jit3A_2162 = arith.constant 128 : i32
        %eq3A_2163 = arith.constant 0 : i32
        %eq3A_2164 = arith.cmpi eq, %jit3A_2162, %eq3A_2163 : i32
        %jit3A_2165 = arith.constant 1 : i32
        %select_n3A_2166 = arith.select %eq3A_2164, %jit3A_2165, %jit3A_2162 : i32
        %rem3A_2167 = arith.remsi %add3A_349, %select_n3A_2166 : i32
        %ne3A_2168 = arith.constant 0 : i32
        %ne3A_2169 = arith.cmpi ne, %rem3A_2167, %ne3A_2168 : i32
        %lt3A_2170 = arith.constant 0 : i32
        %lt3A_2171 = arith.cmpi slt, %rem3A_2167, %lt3A_2170 : i32
        %lt3A_2172 = arith.constant 0 : i32
        %lt3A_2173 = arith.cmpi slt, %select_n3A_2166, %lt3A_2172 : i32
        %ne3A_2174 = arith.xori %lt3A_2171, %lt3A_2173 : i1
        %and3A_2175 = arith.andi %ne3A_2174, %ne3A_2169 : i1
        %add3A_2176 = arith.addi %rem3A_2167, %select_n3A_2166 : i32
        %select_n3A_2177 = arith.select %and3A_2175, %add3A_2176, %rem3A_2167 : i32
        %jit3A_2178 = arith.constant 16 : i32
        %div3A_2179 = arith.divsi %select_n3A_2177, %jit3A_2178 : i32
        %sign3A_2180 = arith.constant 0 : i32
        %sign3A_2181 = arith.cmpi sgt, %select_n3A_2177, %sign3A_2180 : i32
        %sign3A_2182 = arith.extui %sign3A_2181 : i1 to i32
        %sign3A_2183 = arith.constant 0 : i32
        %sign3A_2184 = arith.cmpi slt, %select_n3A_2177, %sign3A_2183 : i32
        %sign3A_2185 = arith.extui %sign3A_2184 : i1 to i32
        %sign3A_2186 = arith.subi %sign3A_2182, %sign3A_2185 : i32
        %sign3A_2187 = arith.constant 0 : i32
        %sign3A_2188 = arith.cmpi sgt, %jit3A_2178, %sign3A_2187 : i32
        %sign3A_2189 = arith.extui %sign3A_2188 : i1 to i32
        %sign3A_2190 = arith.constant 0 : i32
        %sign3A_2191 = arith.cmpi slt, %jit3A_2178, %sign3A_2190 : i32
        %sign3A_2192 = arith.extui %sign3A_2191 : i1 to i32
        %sign3A_2193 = arith.subi %sign3A_2189, %sign3A_2192 : i32
        %ne3A_2194 = arith.cmpi ne, %sign3A_2186, %sign3A_2193 : i32
        %rem3A_2195 = arith.remsi %select_n3A_2177, %jit3A_2178 : i32
        %ne3A_2196 = arith.constant 0 : i32
        %ne3A_2197 = arith.cmpi ne, %rem3A_2195, %ne3A_2196 : i32
        %and3A_2198 = arith.andi %ne3A_2194, %ne3A_2197 : i1
        %sub3A_2199 = arith.constant 1 : i32
        %sub3A_2200 = arith.subi %div3A_2179, %sub3A_2199 : i32
        %select_n3A_2201 = arith.select %and3A_2198, %sub3A_2200, %div3A_2179 : i32
        %mul3A_2202 = arith.constant 32 : i32
        %mul3A_2203 = arith.muli %mul3A_2202, %select_n3A_2201 : i32
        %add3A_2204 = arith.constant 16 : i32
        %add3A_2205 = arith.addi %mul3A_2203, %add3A_2204 : i32
        %jit3A_2206 = arith.constant 16 : i32
        %eq3A_2207 = arith.constant 0 : i32
        %eq3A_2208 = arith.cmpi eq, %jit3A_2206, %eq3A_2207 : i32
        %jit3A_2209 = arith.constant 1 : i32
        %select_n3A_2210 = arith.select %eq3A_2208, %jit3A_2209, %jit3A_2206 : i32
        %rem3A_2211 = arith.remsi %add3A_349, %select_n3A_2210 : i32
        %ne3A_2212 = arith.constant 0 : i32
        %ne3A_2213 = arith.cmpi ne, %rem3A_2211, %ne3A_2212 : i32
        %lt3A_2214 = arith.constant 0 : i32
        %lt3A_2215 = arith.cmpi slt, %rem3A_2211, %lt3A_2214 : i32
        %lt3A_2216 = arith.constant 0 : i32
        %lt3A_2217 = arith.cmpi slt, %select_n3A_2210, %lt3A_2216 : i32
        %ne3A_2218 = arith.xori %lt3A_2215, %lt3A_2217 : i1
        %and3A_2219 = arith.andi %ne3A_2218, %ne3A_2213 : i1
        %add3A_2220 = arith.addi %rem3A_2211, %select_n3A_2210 : i32
        %select_n3A_2221 = arith.select %and3A_2219, %add3A_2220, %rem3A_2211 : i32
        %add3A_2222 = arith.addi %add3A_2205, %select_n3A_2221 : i32
        %ne3A_2223 = arith.cmpi ne, %select_n3A_2076, %select_n3A_2161 : i32
        %ne3A_2224 = arith.cmpi ne, %add3A_2137, %add3A_2222 : i32
        %or3A_2225 = arith.constant false
        %or3A_2226 = arith.ori %or3A_2225, %ne3A_2223 : i1
        %or3A_2227 = arith.ori %or3A_2226, %ne3A_2224 : i1
        %or3A_2228 = arith.constant false
        %or3A_2229 = arith.ori %or3A_2227, %or3A_2228 : i1
        %or3A_2230 = arith.ori %or3A_2229, %eq3A_330 : i1
        %add3A_2231 = arith.constant 1 : i32
        %add3A_2232 = arith.addi %scan3A_323, %add3A_2231 : i32
        %select_n3A_2233 = arith.select %or3A_2230, %add3A_2232, %scan3A_323 : i32
        %add3A_2234 = arith.constant 1 : i32
        %add3A_2235 = arith.addi %scan3A_326, %add3A_2234 : i32
        %select_n3A_2236 = arith.constant true
        %select_n3A_2237 = arith.select %select_n3A_2236, %add3A_2235, %scan3A_326 : i32
        %eq3A_2238 = arith.constant 104 : i32
        %eq3A_2239 = arith.cmpi eq, %select_n3A_2237, %eq3A_2238 : i32
        %select_n3A_2240 = arith.constant 0 : i32
        %select_n3A_2241 = arith.select %eq3A_2239, %select_n3A_2240, %select_n3A_2237 : i32
        scf.yield %select_n3A_539, %select_n3A_2052, %select_n3A_729, %select_n3A_2233, %select_n3A_1493, %select_n3A_1875, %select_n3A_2241 : i32, i32, i32, i32, i32, i32, i32
      }
      %scan3A_265 = arith.constant 104 : i32
      %sub3A_266 = arith.constant 1 : i32
      %sub3A_267 = arith.subi %scan3A_264#6, %sub3A_266 : i32
      %select_n3A_268 = arith.constant true
      %select_n3A_269 = arith.select %select_n3A_268, %sub3A_267, %scan3A_264#6 : i32
      %eq3A_270 = arith.constant -1 : i32
      %eq3A_271 = arith.cmpi eq, %select_n3A_269, %eq3A_270 : i32
      %select_n3A_272 = arith.constant 103 : i32
      %select_n3A_273 = arith.select %eq3A_271, %select_n3A_272, %select_n3A_269 : i32
      %add3A_274 = arith.addi %select_n3A_273, %mul3A_6 : i32
      %sub3A_275 = arith.constant 1 : i32
      %sub3A_276 = arith.subi %select_n3A_273, %sub3A_275 : i32
      %select_n3A_277 = arith.constant true
      %select_n3A_278 = arith.select %select_n3A_277, %sub3A_276, %select_n3A_273 : i32
      %eq3A_279 = arith.constant -1 : i32
      %eq3A_280 = arith.cmpi eq, %select_n3A_278, %eq3A_279 : i32
      %select_n3A_281 = arith.constant 103 : i32
      %select_n3A_282 = arith.select %eq3A_280, %select_n3A_281, %select_n3A_278 : i32
      %add3A_283 = arith.addi %select_n3A_282, %mul3A_6 : i32
      %add3A_284 = arith.constant 1 : i32
      %add3A_285 = arith.addi %select_n3A_273, %add3A_284 : i32
      %select_n3A_286 = arith.constant true
      %select_n3A_287 = arith.select %select_n3A_286, %add3A_285, %select_n3A_273 : i32
      %eq3A_288 = arith.constant 104 : i32
      %eq3A_289 = arith.cmpi eq, %select_n3A_287, %eq3A_288 : i32
      %select_n3A_290 = arith.constant 0 : i32
      %select_n3A_291 = arith.select %eq3A_289, %select_n3A_290, %select_n3A_287 : i32
      %add3A_292 = arith.addi %select_n3A_291, %mul3A_6 : i32
      %add3A_293 = arith.constant 1 : i32
      %add3A_294 = arith.addi %select_n3A_291, %add3A_293 : i32
      %select_n3A_295 = arith.constant true
      %select_n3A_296 = arith.select %select_n3A_295, %add3A_294, %select_n3A_291 : i32
      %eq3A_297 = arith.constant 104 : i32
      %eq3A_298 = arith.cmpi eq, %select_n3A_296, %eq3A_297 : i32
      %select_n3A_299 = arith.constant 0 : i32
      %select_n3A_300 = arith.select %eq3A_298, %select_n3A_299, %select_n3A_296 : i32
      %add3A_301 = arith.addi %select_n3A_300, %mul3A_6 : i32
      "tpu.trace_start"() <{level = 10 : i32, message = "ep_finalize"}> : () -> ()
      %rem3A_302 = arith.constant 2 : i32
      %rem3A_303 = arith.remui %scan3A_264#5, %rem3A_302 : i32
      %mul3A_304 = arith.constant 128 : i32
      %mul3A_305 = arith.muli %mul3A_304, %add3A_274 : i32
      %dma_wait3A = arith.constant 0 : i32
      %dma_wait3A_306 = arith.constant 0 : i32
      %dma_wait3A_307 = tpu.memref_slice %run_scoped3A_10[%rem3A_303, %dma_wait3A, %dma_wait3A_306] : memref<2x128x64xf32, #tpu.memory_space<vmem>> -> memref<1x128x64xf32, #tpu.memory_space<vmem>>
      %dma_wait3A_308 = tpu.memref_squeeze %dma_wait3A_307 : memref<1x128x64xf32, #tpu.memory_space<vmem>> -> memref<128x64xf32, #tpu.memory_space<vmem>>
      %dma_wait3A_309 = arith.constant 0 : i32
      %dma_wait3A_310 = tpu.memref_slice %arg5[%mul3A_305, %dma_wait3A_309] : memref<425984x64xf32, #tpu.memory_space<hbm>> -> memref<128x64xf32, #tpu.memory_space<hbm>>
      %dma_wait3A_311 = tpu.memref_slice %run_scoped3A_11[%rem3A_303] : memref<2x!tpu.dma_semaphore, #tpu.memory_space<semaphore_mem>> -> memref<1x!tpu.dma_semaphore, #tpu.memory_space<semaphore_mem>>
      %dma_wait3A_312 = tpu.memref_squeeze %dma_wait3A_311 : memref<1x!tpu.dma_semaphore, #tpu.memory_space<semaphore_mem>> -> memref<!tpu.dma_semaphore, #tpu.memory_space<semaphore_mem>>
      %dma_wait3A_313 = arith.constant 0 : i32
      %dma_wait3A_314 = tpu.memref_slice %arg5[%mul3A_305, %dma_wait3A_313] : memref<425984x64xf32, #tpu.memory_space<hbm>> -> memref<128x64xf32, #tpu.memory_space<hbm>>
      %dma_wait3A_315 = arith.constant 0 : i32
      %dma_wait3A_316 = arith.constant 0 : i32
      %dma_wait3A_317 = tpu.memref_slice %run_scoped3A_10[%rem3A_303, %dma_wait3A_315, %dma_wait3A_316] : memref<2x128x64xf32, #tpu.memory_space<vmem>> -> memref<1x128x64xf32, #tpu.memory_space<vmem>>
      %dma_wait3A_318 = tpu.memref_squeeze %dma_wait3A_317 : memref<1x128x64xf32, #tpu.memory_space<vmem>> -> memref<128x64xf32, #tpu.memory_space<vmem>>
      tpu.wait_dma2 semaphore(%dma_wait3A_312 : memref<!tpu.dma_semaphore, #tpu.memory_space<semaphore_mem>>) src(%dma_wait3A_318 : memref<128x64xf32, #tpu.memory_space<vmem>>) dst(%dma_wait3A_314 : memref<128x64xf32, #tpu.memory_space<hbm>>)
      "tpu.trace_stop"() : () -> ()
      tpu.yield
    }) : () -> ()
    return
  }
}

module attributes {stable_mosaic.version = 14 : i64} {
  func.func @wprep_body(%arg0: i32, %arg1: memref<64x16384xf32, #tpu.memory_space<vmem>>, %arg2: memref<8192x128xf32, #tpu.memory_space<vmem>>) attributes {dimension_semantics = [#tpu.dimension_semantics<parallel>], iteration_bounds = array<i64: 62>, scalar_prefetch = 0 : i64, scratch_operands = 0 : i64, tpu.core_type = #tpu.core_type<tc>, window_params = [{transform_indices = @transform_0, window_bounds = array<i64: 64, 16384>}, {transform_indices = @transform_1, window_bounds = array<i64: 8192, 128>}]} {
    %get3A = arith.constant 0 : index
    %get3A_0 = arith.constant 0 : index
    %get3A_1 = vector.load %arg1[%get3A, %get3A_0] : memref<64x16384xf32, #tpu.memory_space<vmem>>, vector<64x16384xf32>
    %transpose3A = tpu.transpose %get3A_1, [1, 0] : vector<64x16384xf32> -> vector<16384x64xf32>
    %slice3A = vector.extract_strided_slice %transpose3A {offsets = [0, 0], sizes = [1024, 64], strides = [1, 1]} : vector<16384x64xf32> to vector<1024x64xf32>
    %slice3A_2 = vector.extract_strided_slice %transpose3A {offsets = [1024, 0], sizes = [1024, 64], strides = [1, 1]} : vector<16384x64xf32> to vector<1024x64xf32>
    %concatenate3A = tpu.concatenate %slice3A, %slice3A_2 in 1 : vector<1024x64xf32>, vector<1024x64xf32> -> vector<1024x128xf32>
    %slice3A_3 = vector.extract_strided_slice %transpose3A {offsets = [2048, 0], sizes = [1024, 64], strides = [1, 1]} : vector<16384x64xf32> to vector<1024x64xf32>
    %slice3A_4 = vector.extract_strided_slice %transpose3A {offsets = [3072, 0], sizes = [1024, 64], strides = [1, 1]} : vector<16384x64xf32> to vector<1024x64xf32>
    %concatenate3A_5 = tpu.concatenate %slice3A_3, %slice3A_4 in 1 : vector<1024x64xf32>, vector<1024x64xf32> -> vector<1024x128xf32>
    %slice3A_6 = vector.extract_strided_slice %transpose3A {offsets = [4096, 0], sizes = [1024, 64], strides = [1, 1]} : vector<16384x64xf32> to vector<1024x64xf32>
    %slice3A_7 = vector.extract_strided_slice %transpose3A {offsets = [5120, 0], sizes = [1024, 64], strides = [1, 1]} : vector<16384x64xf32> to vector<1024x64xf32>
    %concatenate3A_8 = tpu.concatenate %slice3A_6, %slice3A_7 in 1 : vector<1024x64xf32>, vector<1024x64xf32> -> vector<1024x128xf32>
    %slice3A_9 = vector.extract_strided_slice %transpose3A {offsets = [6144, 0], sizes = [1024, 64], strides = [1, 1]} : vector<16384x64xf32> to vector<1024x64xf32>
    %slice3A_10 = vector.extract_strided_slice %transpose3A {offsets = [7168, 0], sizes = [1024, 64], strides = [1, 1]} : vector<16384x64xf32> to vector<1024x64xf32>
    %concatenate3A_11 = tpu.concatenate %slice3A_9, %slice3A_10 in 1 : vector<1024x64xf32>, vector<1024x64xf32> -> vector<1024x128xf32>
    %slice3A_12 = vector.extract_strided_slice %transpose3A {offsets = [8192, 0], sizes = [1024, 64], strides = [1, 1]} : vector<16384x64xf32> to vector<1024x64xf32>
    %slice3A_13 = vector.extract_strided_slice %transpose3A {offsets = [9216, 0], sizes = [1024, 64], strides = [1, 1]} : vector<16384x64xf32> to vector<1024x64xf32>
    %concatenate3A_14 = tpu.concatenate %slice3A_12, %slice3A_13 in 1 : vector<1024x64xf32>, vector<1024x64xf32> -> vector<1024x128xf32>
    %slice3A_15 = vector.extract_strided_slice %transpose3A {offsets = [10240, 0], sizes = [1024, 64], strides = [1, 1]} : vector<16384x64xf32> to vector<1024x64xf32>
    %slice3A_16 = vector.extract_strided_slice %transpose3A {offsets = [11264, 0], sizes = [1024, 64], strides = [1, 1]} : vector<16384x64xf32> to vector<1024x64xf32>
    %concatenate3A_17 = tpu.concatenate %slice3A_15, %slice3A_16 in 1 : vector<1024x64xf32>, vector<1024x64xf32> -> vector<1024x128xf32>
    %slice3A_18 = vector.extract_strided_slice %transpose3A {offsets = [12288, 0], sizes = [1024, 64], strides = [1, 1]} : vector<16384x64xf32> to vector<1024x64xf32>
    %slice3A_19 = vector.extract_strided_slice %transpose3A {offsets = [13312, 0], sizes = [1024, 64], strides = [1, 1]} : vector<16384x64xf32> to vector<1024x64xf32>
    %concatenate3A_20 = tpu.concatenate %slice3A_18, %slice3A_19 in 1 : vector<1024x64xf32>, vector<1024x64xf32> -> vector<1024x128xf32>
    %slice3A_21 = vector.extract_strided_slice %transpose3A {offsets = [14336, 0], sizes = [1024, 64], strides = [1, 1]} : vector<16384x64xf32> to vector<1024x64xf32>
    %slice3A_22 = vector.extract_strided_slice %transpose3A {offsets = [15360, 0], sizes = [1024, 64], strides = [1, 1]} : vector<16384x64xf32> to vector<1024x64xf32>
    %concatenate3A_23 = tpu.concatenate %slice3A_21, %slice3A_22 in 1 : vector<1024x64xf32>, vector<1024x64xf32> -> vector<1024x128xf32>
    %concatenate3A_24 = tpu.concatenate %concatenate3A, %concatenate3A_5, %concatenate3A_8, %concatenate3A_11, %concatenate3A_14, %concatenate3A_17, %concatenate3A_20, %concatenate3A_23 in 0 : vector<1024x128xf32>, vector<1024x128xf32>, vector<1024x128xf32>, vector<1024x128xf32>, vector<1024x128xf32>, vector<1024x128xf32>, vector<1024x128xf32>, vector<1024x128xf32> -> vector<8192x128xf32>
    %swap3A = arith.constant 0 : index
    %swap3A_25 = arith.constant 0 : index
    %swap3A_26 = vector.load %arg2[%swap3A, %swap3A_25] : memref<8192x128xf32, #tpu.memory_space<vmem>>, vector<8192x128xf32>
    tpu.vector_store %arg2[%swap3A, %swap3A_25], %concatenate3A_24 {strides = array<i32>} : memref<8192x128xf32, #tpu.memory_space<vmem>>, vector<8192x128xf32>,
    return
  }
  func.func @transform_0(%arg0: i32) -> (i32, i32) {
    %c0_i32 = arith.constant 0 : i32
    %c0_i32_0 = arith.constant 0 : i32
    return %c0_i32, %arg0 : i32, i32
  }
  func.func @transform_1(%arg0: i32) -> (i32, i32) {
    %c0_i32 = arith.constant 0 : i32
    %c0_i32_0 = arith.constant 0 : i32
    return %arg0, %c0_i32 : i32, i32
  }
}

module attributes {stable_mosaic.version = 14 : i64} {
  func.func @epilogue_body(%arg0: i32, %arg1: i32, %arg2: memref<1x8192x128xf32, #tpu.memory_space<vmem>>, %arg3: memref<1x64x16384xf32, #tpu.memory_space<vmem>>) attributes {dimension_semantics = [#tpu.dimension_semantics<parallel>, #tpu.dimension_semantics<parallel>], iteration_bounds = array<i64: 26, 1>, scalar_prefetch = 0 : i64, scratch_operands = 0 : i64, tpu.core_type = #tpu.core_type<tc>, window_params = [{transform_indices = @transform_0, window_bounds = array<i64: 1, 8192, 128>}, {transform_indices = @transform_1, window_bounds = array<i64: 1, 64, 16384>}]} {
    %get3A = arith.constant 0 : index
    %get3A_0 = arith.constant 0 : index
    %get3A_1 = arith.constant 0 : index
    %get3A_2 = vector.load %arg2[%get3A, %get3A_0, %get3A_1] : memref<1x8192x128xf32, #tpu.memory_space<vmem>>, vector<1x8192x128xf32>
    %get3A_3 = vector.shape_cast %get3A_2 : vector<1x8192x128xf32> to vector<8192x128xf32>
    %transpose3A = tpu.transpose %get3A_3, [1, 0] : vector<8192x128xf32> -> vector<128x8192xf32>
    %slice3A = vector.extract_strided_slice %transpose3A {offsets = [0, 0], sizes = [64, 1024], strides = [1, 1]} : vector<128x8192xf32> to vector<64x1024xf32>
    %slice3A_4 = vector.extract_strided_slice %transpose3A {offsets = [64, 0], sizes = [64, 1024], strides = [1, 1]} : vector<128x8192xf32> to vector<64x1024xf32>
    %slice3A_5 = vector.extract_strided_slice %transpose3A {offsets = [0, 1024], sizes = [64, 1024], strides = [1, 1]} : vector<128x8192xf32> to vector<64x1024xf32>
    %slice3A_6 = vector.extract_strided_slice %transpose3A {offsets = [64, 1024], sizes = [64, 1024], strides = [1, 1]} : vector<128x8192xf32> to vector<64x1024xf32>
    %slice3A_7 = vector.extract_strided_slice %transpose3A {offsets = [0, 2048], sizes = [64, 1024], strides = [1, 1]} : vector<128x8192xf32> to vector<64x1024xf32>
    %slice3A_8 = vector.extract_strided_slice %transpose3A {offsets = [64, 2048], sizes = [64, 1024], strides = [1, 1]} : vector<128x8192xf32> to vector<64x1024xf32>
    %slice3A_9 = vector.extract_strided_slice %transpose3A {offsets = [0, 3072], sizes = [64, 1024], strides = [1, 1]} : vector<128x8192xf32> to vector<64x1024xf32>
    %slice3A_10 = vector.extract_strided_slice %transpose3A {offsets = [64, 3072], sizes = [64, 1024], strides = [1, 1]} : vector<128x8192xf32> to vector<64x1024xf32>
    %slice3A_11 = vector.extract_strided_slice %transpose3A {offsets = [0, 4096], sizes = [64, 1024], strides = [1, 1]} : vector<128x8192xf32> to vector<64x1024xf32>
    %slice3A_12 = vector.extract_strided_slice %transpose3A {offsets = [64, 4096], sizes = [64, 1024], strides = [1, 1]} : vector<128x8192xf32> to vector<64x1024xf32>
    %slice3A_13 = vector.extract_strided_slice %transpose3A {offsets = [0, 5120], sizes = [64, 1024], strides = [1, 1]} : vector<128x8192xf32> to vector<64x1024xf32>
    %slice3A_14 = vector.extract_strided_slice %transpose3A {offsets = [64, 5120], sizes = [64, 1024], strides = [1, 1]} : vector<128x8192xf32> to vector<64x1024xf32>
    %slice3A_15 = vector.extract_strided_slice %transpose3A {offsets = [0, 6144], sizes = [64, 1024], strides = [1, 1]} : vector<128x8192xf32> to vector<64x1024xf32>
    %slice3A_16 = vector.extract_strided_slice %transpose3A {offsets = [64, 6144], sizes = [64, 1024], strides = [1, 1]} : vector<128x8192xf32> to vector<64x1024xf32>
    %slice3A_17 = vector.extract_strided_slice %transpose3A {offsets = [0, 7168], sizes = [64, 1024], strides = [1, 1]} : vector<128x8192xf32> to vector<64x1024xf32>
    %slice3A_18 = vector.extract_strided_slice %transpose3A {offsets = [64, 7168], sizes = [64, 1024], strides = [1, 1]} : vector<128x8192xf32> to vector<64x1024xf32>
    %concatenate3A = tpu.concatenate %slice3A, %slice3A_4, %slice3A_5, %slice3A_6, %slice3A_7, %slice3A_8, %slice3A_9, %slice3A_10, %slice3A_11, %slice3A_12, %slice3A_13, %slice3A_14, %slice3A_15, %slice3A_16, %slice3A_17, %slice3A_18 in 1 : vector<64x1024xf32>, vector<64x1024xf32>, vector<64x1024xf32>, vector<64x1024xf32>, vector<64x1024xf32>, vector<64x1024xf32>, vector<64x1024xf32>, vector<64x1024xf32>, vector<64x1024xf32>, vector<64x1024xf32>, vector<64x1024xf32>, vector<64x1024xf32>, vector<64x1024xf32>, vector<64x1024xf32>, vector<64x1024xf32>, vector<64x1024xf32> -> vector<64x16384xf32>
    %swap3A = arith.constant 0 : index
    %swap3A_19 = arith.constant 0 : index
    %swap3A_20 = arith.constant 0 : index
    %swap3A_21 = vector.load %arg3[%swap3A, %swap3A_19, %swap3A_20] : memref<1x64x16384xf32, #tpu.memory_space<vmem>>, vector<1x64x16384xf32>
    %swap3A_22 = vector.shape_cast %swap3A_21 : vector<1x64x16384xf32> to vector<64x16384xf32>
    %swap3A_23 = vector.shape_cast %concatenate3A : vector<64x16384xf32> to vector<1x64x16384xf32>
    tpu.vector_store %arg3[%swap3A, %swap3A_19, %swap3A_20], %swap3A_23 {strides = array<i32>} : memref<1x64x16384xf32, #tpu.memory_space<vmem>>, vector<1x64x16384xf32>,
    return
  }
  func.func @transform_0(%arg0: i32, %arg1: i32) -> (i32, i32, i32) {
    %c0_i32 = arith.constant 0 : i32
    %c0_i32_0 = arith.constant 0 : i32
    return %arg0, %arg1, %c0_i32 : i32, i32, i32
  }
  func.func @transform_1(%arg0: i32, %arg1: i32) -> (i32, i32, i32) {
    %c0_i32 = arith.constant 0 : i32
    %c0_i32_0 = arith.constant 0 : i32
    return %arg0, %c0_i32, %arg1 : i32, i32, i32
  }
}

</mosaic_0001>

<sc_bundles>
// kernel: kernel.5.cloned.1.call-start
scs
__scs_entry_jumppad:
0x0: {  	(pc) =	sbr.rel $0x88, $3  }
0x1: {  	(tag) =	ssettag $0x0;
	lr =	simm.s32 $0x1  }
0x2: {  	[smem:$0x3F9F] =	sst lr;
	_ =	strace $0xD0000000  }
0x3: {  	_ = 	snop  }
0x4: {  	_ = 	snop  }
0x5: {  	_ = 	snop  }
0x6: {  	_ = 	snop  }
0x7: {  	_ = 	snop  }
__scs_overlays_trampoline_lowered:
0x8: {  	[smem:$0x3FAE] =	sst s0  }
0x9: {  	[smem:$0x3FAF] =	sst s1  }
0xa: {  	[smem:$0x3FB0] =	sst s2  }
0xb: {  	[smem:$0x3FB1] =	sst s3  }
0xc: {  	[smem:$0x3FB2] =	sst s4  }
0xd: {  	[smem:$0x3FB3] =	sst s5  }
0xe: {  	[smem:$0x3FB4] =	sst s6  }
0xf: {  	[smem:$0x3FB5] =	sst s7  }
0x10: {  	[smem:$0x3FB6] =	sst s8  }
0x11: {  	[smem:$0x3FB7] =	sst s9;
	s0 =	simm.s32 @!p0 $0x0  }
0x12: {  	s1 =	sld [smem:$0x3F9D];
	s0 =	simm.s32 @p0 $0x1  }
0x13: {  	[smem:$0x3FB8] =	sst s0;
	s0 =	simm.s32 @!p1 $0x0  }
0x14: {  	s2 =	sld [smem:$0x3F9C];
	s0 =	simm.s32 @p1 $0x1  }
0x15: {  	[smem:$0x3FB9] =	sst s0;
	s0 =	simm.s32 @!p2 $0x0  }
0x16: {  	s3 =	sld [smem:$0x3FDB];
	s0 =	simm.s32 @p2 $0x1  }
0x17: {  	s4 =	simm.s32 $0x1BF5;
	[smem:$0x3FBB] =	sst s0  }
0x18: {  	s0 =	sld [smem:$0x3F9E];
	_ =	swait.ge [sflag:s4], $0x0  }
0x19: {  	s7 =	sld [smem:$0x3F9F]  }
0x1a: {  	s8 =	sadd.s32 $0xFFFFE003, lr  }
0x1b: {  	s9 =	sadd.s32 $0xFFFFFEF7, lr;
	s5 =	simm.s32 $0xFFFFFFFF;
	p2 =	slt.u32 s8, $0xFFFFF086  }
0x1c: {  	p1 =	slt.u32 s9, $0xF7A;
	s5 =	simm.s32 @!p2 $0x0  }
0x1d: {  	s5 =	simm.s32 @p1 $0x1;
	p0 =	seq.s32 s7, s2  }
0x1e: {  	s7 =	smul.u32 @!p0 $0xF7A, s2;
	p2 =	seq.s32 @!p0 s5, $0x0  }
0x1f: {  	s9 =	smul.u32 $0xF7A, s1;
	s8 =	simm.s32 @!p0 $0x1BF5;
	p2 =	por !p2, p0  }
0x20: {  	[sflag:s8] =	ssyncset.s32 @!p0 $0xFFFFF086;
	s6 =	sadd.s32 @!p0 s3, s7;
	s7 =	simm.s32 @!p0 $0x108  }
0x21: {  	s3 =	sadd.s32 s3, s9;
	s6 =	sadd.s32 @!p0 $0x88, s6;
	s7 =	simm.s32 @p2 $0x1082  }
0x22: {  	[simem:s7], [sflag:s8] =	dma.local @!p0 [hbm:s6], $0xF7A  }
0x23: {  	s9 =	sor.u32 $0xD0000000, s2;
	s6 =	simm.s32 $0x108;
	_ =	swait.ge @!p0 [sflag:s8], $0x0  }
0x24: {  	s3 =	sadd.s32 $0x88, s3;
	s6 =	simm.s32 @!p1 $0x1082;
	[sflag:s4] =	ssyncset.s32 $0xFFFFF086  }
0x25: {  	[simem:s6], [sflag:s4] =	dma.local [hbm:s3], $0xF7A  }
0x26: {  	[smem:$0x3F9F] =	sst s1;
	(tag) =	ssettag s2;
	_ =	strace s9  }
0x27: {  	s1 =	sld [smem:$0x3FAF]  }
0x28: {  	s2 =	sld [smem:$0x3FB0]  }
0x29: {  	s4 =	sld [smem:$0x3FB2]  }
0x2a: {  	p0 =	seq.s32 s5, $0x0;
	s5 =	sld [smem:$0x3FB3]  }
0x2b: {  	s6 =	sld [smem:$0x3FB4]  }
0x2c: {  	s7 =	sld [smem:$0x3FB5]  }
0x2d: {  	s3 =	simm.s32 $0x108;
	s8 =	sld [smem:$0x3FB6]  }
0x2e: {  	s3 =	simm.s32 @!p0 $0x1082;
	s9 =	sld [smem:$0x3FB7]  }
0x2f: {  	lr =	sadd.s32 s0, s3;
	s0 =	sld [smem:$0x3FAE]  }
0x30: {  	s3 =	sld [smem:$0x3FB1]  }
0x31: {  	[smem:$0x3FBA] =	sst s10  }
0x32: {  	s10 =	sld [smem:$0x3FB8];
	_ =	sdelay $0x3  }
0x33: {  	p0 =	seq.s32 s10, $0x1;
	s10 =	sld [smem:$0x3FBA];
	_ =	sdelay $0x3  }
0x34: {  	[smem:$0x3FBA] =	sst s10  }
0x35: {  	s10 =	sld [smem:$0x3FB9];
	_ =	sdelay $0x3  }
0x36: {  	p1 =	seq.s32 s10, $0x1;
	s10 =	sld [smem:$0x3FBA];
	_ =	sdelay $0x3  }
0x37: {  	[smem:$0x3FBA] =	sst s10  }
0x38: {  	s10 =	sld [smem:$0x3FBB]  }
0x39: {  	_ = 	snop;
	(pc) =	sbr.ind lr, $3  }
0x3a: {  	_ = 	snop  }
0x3b: {  	_ = 	snop  }
0x3c: {  	p2 =	seq.s32 s10, $0x1;
	s10 =	sld [smem:$0x3FBA]  }
0x3d: {  	_ =	shalt  }
0x3e: {  	_ =	shalt  }
0x3f: {  	_ =	shalt  }
0x40: {  	_ =	shalt  }
0x41: {  	_ =	shalt  }
0x42: {  	_ =	shalt  }
0x43: {  	_ =	shalt  }
0x44: {  	_ =	shalt  }
0x45: {  	_ =	shalt  }
0x46: {  	_ =	shalt  }
0x47: {  	_ =	shalt  }
0x48: {  	_ =	shalt  }
0x49: {  	_ =	shalt  }
0x4a: {  	_ =	shalt  }
0x4b: {  	_ =	shalt  }
0x4c: {  	_ =	shalt  }
0x4d: {  	_ =	shalt  }
0x4e: {  	_ =	shalt  }
0x4f: {  	_ =	shalt  }
0x50: {  	_ =	shalt  }
0x51: {  	_ =	shalt  }
0x52: {  	_ =	shalt  }
0x53: {  	_ =	shalt  }
0x54: {  	_ =	shalt  }
0x55: {  	_ =	shalt  }
0x56: {  	_ =	shalt  }
0x57: {  	_ =	shalt  }
0x58: {  	_ =	shalt  }
0x59: {  	_ =	shalt  }
0x5a: {  	_ =	shalt  }
0x5b: {  	_ =	shalt  }
0x5c: {  	_ =	shalt  }
0x5d: {  	_ =	shalt  }
0x5e: {  	_ =	shalt  }
0x5f: {  	_ =	shalt  }
0x60: {  	_ =	shalt  }
0x61: {  	_ =	shalt  }
0x62: {  	_ =	shalt  }
0x63: {  	_ =	shalt  }
0x64: {  	_ =	shalt  }
0x65: {  	_ =	shalt  }
0x66: {  	_ =	shalt  }
0x67: {  	_ =	shalt  }
0x68: {  	_ =	shalt  }
0x69: {  	_ =	shalt  }
0x6a: {  	_ =	shalt  }
0x6b: {  	_ =	shalt  }
0x6c: {  	_ =	shalt  }
0x6d: {  	_ =	shalt  }
0x6e: {  	_ =	shalt  }
0x6f: {  	_ =	shalt  }
0x70: {  	_ =	shalt  }
0x71: {  	_ =	shalt  }
0x72: {  	_ =	shalt  }
0x73: {  	_ =	shalt  }
0x74: {  	_ =	shalt  }
0x75: {  	_ =	shalt  }
0x76: {  	_ =	shalt  }
0x77: {  	_ =	shalt  }
0x78: {  	_ =	shalt  }
0x79: {  	_ =	shalt  }
0x7a: {  	_ =	shalt  }
0x7b: {  	_ =	shalt  }
0x7c: {  	_ =	shalt  }
0x7d: {  	_ =	shalt  }
0x7e: {  	_ =	shalt  }
0x7f: {  	_ =	shalt  }
0x80: {  	_ =	shalt  }
0x81: {  	_ =	shalt  }
0x82: {  	_ =	shalt  }
0x83: {  	_ =	shalt  }
0x84: {  	_ =	shalt  }
0x85: {  	_ =	shalt  }
0x86: {  	_ =	shalt  }
0x87: {  	_ =	shalt  }
.Lfunc_end0:
.L_simem_size_0:
called_computation_lowered:
.L_overlay_start_0:
0x88: {  	s2 =	sld [smem:$0x3FD9]  }
0x89: {  	s3 =	sld [smem:$0x3FFE];
	_ =	sdelay $0x1  }
0x8a: {  	s1 =	srdreg.scid  }
0x8b: {  	s0 =	sand.u32 $0x1, s1  }
0x8c: {  	s17 =	sshll.u32 s0, $0xA;
	s2 =	sadd.s32 s3, s2  }
0x8d: {  	s2 =	sadd.s32 s2, s17  }
0x8e: {  	[smem:$0x3FC6] =	sst s2  }
0x8f: {  	_ = 	snop  }
0x90: {  	s2 =	sld [smem:$0x3FD0];
	(tm) =	ssettm $0x1  }
0x91: {  	s18 =	sld [smem:$0x3FFB];
	_ =	sdelay $0x3  }
0x92: {  	_ =	strace s18  }
0x93: {  	s3 =	sld [smem:$0x3FFC];
	_ =	sdelay $0x3  }
0x94: {  	_ =	strace s3  }
0x95: {  	s3 =	sld [smem:$0x3FFD];
	_ =	sdelay $0x3  }
0x96: {  	_ =	strace s3  }
0x97: {  	_ =	strace $0x8FFFFFFF  }
0x98: {  	s19 =	sld [smem:$0x3FDB];
	_ =	sdelay $0x1  }
0x99: {  	s4 =	simm.s32 $_scs_section_size  }
0x9a: {  	s5 =	simm.s32 $_size__tile_overlayer_lowered;
	s6 =	simm.s32 $_tile_overlayer_lowered  }
0x9b: {  	s22 =	simm.s32 $0x1BFF;
	s21 =	sshll.u32 s6, $0x1;
	s3 =	sadd.s32 s4, s19  }
0x9c: {  	s7 =	simm.s32 $0x0;
	s20 =	sshll.u32 s5, $0x1;
	s5 =	sadd.s32 s21, s3  }
0x9d: {  	[timem:s7], [sflag:s22] =	dma.local [hbm:s5], s20  }
0x9e: {  	_ =	swait.ge [sflag:s22], s20  }
0x9f: {  	s4 =	ssub.s32 $0x0, s20;
	[sflag:s22] =	ssyncset.done $0x0  }
0xa0: {  	[sflag:s22] =	ssyncadd.s32 s4;
	_ =	sdelay $0x1  }
0xa1: {  	s23 =	simm.s32 $0x1B8B  }
0xa2: {  	_ =	swait.ge [sflag:s23], $0x1  }
0xa3: {  	[sflag:s23] =	ssyncset.done $0x0  }
0xa4: {  	s25 =	simm.s32 $0x1B8E;
	s24 =	sld [smem:$0x3FFE];
	[sflag:s23] =	ssyncadd.s32 $0xFFFFFFFF  }
0xa5: {  	s26 =	simm.s32 $execute0_lowered;
	[smem:$0x3FD2] =	sst s25  }
0xa6: {  	s5 =	sshll.u32 s26, $0x1;
	_ =	strace $0x80000046;
	[dreg:$0x1] =	wrdreg $0xFFFFFFFF  }
0xa7: {  	s28 =	simm.s32 $_size_execute0_lowered;
	s3 =	sadd.s32 s3, s5;
	[dreg:$0x0] =	wrdreg $0x0  }
0xa8: {  	s5 =	sshll.u32 s28, $0x1;
	[dreg:$0x2] =	wrdreg s3  }
0xa9: {  	[dreg:$0x3] =	wrdreg s5  }
0xaa: {  	[dreg:$0x4] =	wrdreg $0xC0  }
0xab: {  	_ =	task [dreg:s7], $0x5FFFF  }
0xac: {  	[dreg:$0x1] =	wrdreg $0xFFFFFFFF  }
0xad: {  	[dreg:$0x0] =	wrdreg $0x60  }
0xae: {  	[dreg:$0x2] =	wrdreg s24  }
0xaf: {  	[dreg:$0x3] =	wrdreg s2  }
0xb0: {  	[dreg:$0x4] =	wrdreg $0x9  }
0xb1: {  	_ =	task.clear_ibuf [dreg:s7], $0x5FFFF;
	_ =	strace $0x90000046  }
0xb2: {  	s29 =	simm.s32 $0x9;
	_ =	strace $0x80000051  }
0xb3: {  	_ =	swait.ge [sflag:s29], $0x1  }
0xb4: {  	[sflag:s29] =	ssyncadd.s32 $0xFFFFFFFF  }
0xb5: {  	_ =	strace $0x90000051  }
0xb6: {  	_ =	sfence  }
0xb7: {  	s30 =	sld [smem:$0x0];
	_ =	sdelay $0x2  }
0xb8: {  	s31 =	sshll.u32 s1, $0xD;
	s1 =	sshrl.u32 s1, $0x2  }
0xb9: {  	s3 =	sand.u32 $0x4000, s31;
	s1 =	sadd.s32 s1, s30  }
0xba: {  	s0 =	sor.u32 s3, s0;
	s1 =	sshll.u32 s1, $0x11  }
0xbb: {  	s0 =	sor.u32 s1, s0  }
0xbc: {  	s0 =	sadd.s32 $0x8F2B, s0  }
0xbd: {  	[sflag:s0] =	ssyncadd.remote.s32 $0x1  }
0xbe: {  	_ =	sfence.sel $0xFFFF  }
0xbf: {  	[dreg:$0x0] =	wrdreg $0xFFFFFFFF;
	(pc) =	sbr.abs _section_cstart, $3  }
0xc0: {  	[dreg:$0x1] =	wrdreg $0xFFFFFFFF  }
0xc1: {  	_ =	task.clear_ibuf [dreg:s7], $0x2FFFF;
	_ =	strace $0x9FFFFFFF  }
0xc2: {  	(tm) =	ssettm $0x7FFFFFFF  }
0xc3: {  	_ =	shalt  }
tec
execute0_lowered:
.L_overlay_start_1:
0x0: {  	(tag) =	ssettag $0x1  }
0x1: {  	s0 =	srdreg.scid  }
0x2: {  	s5 =	sand.u32 $0x1, s0  }
0x3: {  	s0 =	stileid.u32;
	s1 =	sshll.u32 s5, $0x4  }
0x4: {  	s2 =	sor.u32 s0, s1  }
0x5: {  	s1 =	smul.u32 $0x68, s2  }
0x6: {  	s6 =	rddreg [dreg:$0x0];
	s4 =	smul.u32 $0xD0, s2  }
0x7: {  	s3 =	rddreg [dreg:$0x1];
	s10 =	simm.s32 $0x80;
	s11 =	simm.s32 $0x100  }
0x8: {  	s7 =	smul.u32 $0x3400, s2;
	s8 =	sand.u32 $0xE0, s4;
	s9 =	sand.u32 $0x8, s1  }
0x9: {  	v0 =	vlaneseq.u32;
	s12 =	simm.s32 $0x7;
	s13 =	simm.s32 $0x0;
	s8 =	sor.u32 s9, s8  }
0xa: {  	v0 =	vmul.u32 $0x2, v0;
	s30 =	ssub.s32 $0x2, s5;
	s7 =	sand.u32 $0x7C000, s7;
	s8 =	sshll.u32 s8, $0x6  }
0xb: {  	s5 =	sadd.s32 $0x400, s6;
	s6 =	sadd.s32 $0x7C0400, s6;
	s7 =	sor.u32 s7, s8  }
0xc: {  	s31 =	sshrl.u32 s30, $0x1;
	v1 =	vor.u32 $0x1, v0;
	s4 =	simm.s32 $0x0;
	s7 =	sshrl.u32 s7, $0x3  }
0xd: {  	v2 =	vor.u32 $0x20, v0;
	v3 =	vor.u32 $0x21, v0;
	v4 =	vor.u32 $0x40, v0;
	[smem:$0x7FF] =	sst s4;
	s9 =	ssub.s32 s30, s31;
	s7 =	sadd.s32 s3, s7  }
0xe: {  	v5 =	vor.u32 $0x41, v0;
	v6 =	vor.u32 $0x60, v0;
	v7 =	vor.u32 $0x61, v0;
	_ =	strace $0x80000047;
	s9 =	smax.u32 s9, $0x1;
	s8 =	sadd.s32 $0x80, s7  }
.LBB2_1:
0xf: {  	_ =	strace $0x80000048  }
0x10: {  	s14 =	simm.s32 $0x68;
	s22 =	simm.s32 $0x0;
	s15 =	simm.s32 $0x0  }
0x11: {  	[tilespmem:s10], [sflag:$0x1] =	stream.linear.gather [hbm4b:s7+s4], $0x40, $0x200038;
	[tilespmem:$0x4180] =	vst v63  }
0x12: {  	s16 =	simm.s32 $0x0;
	s17 =	simm.s32 $0x0;
	s18 =	simm.s32 $0x1  }
0x13: {  	[tilespmem:s11], [sflag:$0x3] =	stream.linear.gather [hbm4b:s8+s4], $0x40, $0x200038;
	[tilespmem:$0x4180] =	vst v63  }
0x14: {  	s19 =	simm.s32 $0x0;
	s21 =	simm.s32 $0x1;
	_ =	strace $0x90000048  }
.LBB2_2:
0x15: {  	s23 =	sadd.s32 s1, s22  }
0x16: {  	s20 =	sadd.s32 $0x1, s22;
	s24 =	sshra.s32 s23, $0x1F  }
0x17: {  	s29 =	simm.s32 $0x1;
	p0 =	seq.s32 s20, $0x68;
	s24 =	sshrl.u32 s24, $0x19  }
0x18: {  	p6 =	slt.s32 s23, $0x1;
	s20 =	simm.s32 @p0 $0x0;
	s24 =	sadd.s32 s24, s23  }
0x19: {  	s30 =	sshll.u32 s23, $0x1;
	s25 =	sadd.s32 s1, s20;
	s26 =	sand.u32 $0xFFFFFF80, s24  }
0x1a: {  	s24 =	sshra.s32 s24, $0x7;
	s28 =	sshra.s32 s25, $0x1F;
	p2 =	slt.s32 s25, $0x1  }
0x1b: {  	s2 =	sshll.u32 s25, $0x1;
	p1 =	sne.s32 s23, s26;
	s28 =	sshrl.u32 s28, $0x19  }
0x1c: {  	s26 =	sadd.s32 $0x100, s30;
	s30 =	sand.u32 $0xF, s23;
	s28 =	sadd.s32 s28, s25  }
0x1d: {  	p0 =	por !p6, !p1;
	s26 =	sand.u32 $0xE0, s26;
	s31 =	sand.u32 $0xFFFFFF80, s28  }
0x1e: {  	p0 =	por !p0, !p0;
	s28 =	sshra.s32 s28, $0x7;
	p3 =	sne.s32 s25, s31  }
0x1f: {  	s29 =	simm.s32 @!p0 $0x0;
	s31 =	simm.s32 $0x1;
	p0 =	por !p2, !p3  }
0x20: {  	s24 =	ssub.s32 s24, s29;
	s29 =	sadd.s32 $0x100, s2;
	p0 =	por !p0, !p0  }
0x21: {  	s25 =	sand.u32 $0xF, s25;
	s29 =	sand.u32 $0xE0, s29;
	s31 =	simm.s32 @!p0 $0x0  }
0x22: {  	s26 =	sor.u32 s30, s26;
	s25 =	sor.u32 s25, s29;
	s28 =	ssub.s32 s28, s31  }
0x23: {  	p1 =	seq.s32 s14, $0x1;
	p5 =	sne.s32 s26, s25;
	p4 =	sne.s32 s24, s28  }
0x24: {  	p2 =	seq.s32 s22, $0x0;
	s29 =	sadd.s32 $0xFFFFFFFF, s22;
	p0 =	por p5, p4  }
0x25: {  	s29 =	simm.s32 @p2 $0x67;
	p2 =	por !p0, p1  }
0x26: {  	s28 =	sshll.u32 @!p2 s28, $0xE;
	s25 =	sshll.u32 @!p2 s25, $0x6;
	s30 =	sand.u32 @!p2 $0x1, s21  }
0x27: {  	_ =	strace @!p2 $0x80000049;
	s2 =	simm.s32 @!p2 $0x0;
	s25 =	sor.u32 @!p2 s25, s28  }
0x28: {  	s28 =	sshll.u32 @!p2 s30, $0x6;
	s30 =	sadd.s32 @!p2 $0x1, s30;
	s31 =	sshrl.u32 @!p2 s25, $0x3  }
0x29: {  	s28 =	sor.u32 @!p2 $0x80, s28;
	s25 =	sor.u32 @!p2 $0x400, s25;
	s31 =	sadd.s32 @!p2 s3, s31  }
0x2a: {  	[tilespmem:s28], [sflag:s30] =	stream.linear.gather @!p2 [hbm4b:s31+s2], $0x40, $0x200038;
	[tilespmem:$0x4180] =	vst v63  }
0x2b: {  	s29 =	sadd.s32 s1, s29;
	s25 =	sshrl.u32 @!p2 s25, $0x3;
	s28 =	sand.u32 @!p2 $0x1, s18  }
0x2c: {  	s25 =	sadd.s32 @!p2 s3, s25;
	_ =	strace @!p2 $0x90000049;
	s30 =	sshll.u32 @!p2 s28, $0x6  }
0x2d: {  	s28 =	sadd.s32 @!p2 $0x3, s28;
	_ =	strace @!p2 $0x8000004A;
	s30 =	sor.u32 @!p2 $0x100, s30  }
0x2e: {  	[tilespmem:s30], [sflag:s28] =	stream.linear.gather @!p2 [hbm4b:s25+s2], $0x40, $0x200038;
	[tilespmem:$0x4180] =	vst v63  }
0x2f: {  	s28 =	sshra.s32 s29, $0x1F  }
0x30: {  	s2 =	sshrl.u32 s28, $0x19  }
0x31: {  	s2 =	sadd.s32 s2, s29  }
0x32: {  	p3 =	seq.s32 s14, $0x68;
	s31 =	sshll.u32 s29, $0x1;
	s30 =	sand.u32 $0xFFFFFF80, s2  }
0x33: {  	p4 =	slt.s32 s29, $0x1;
	p5 =	sne.s32 s29, s30;
	s30 =	sadd.s32 $0x100, s31  }
0x34: {  	s31 =	sand.u32 $0xF, s29;
	p4 =	por !p4, !p5;
	s25 =	sand.u32 $0xE0, s30  }
0x35: {  	s29 =	simm.s32 $0x1;
	p4 =	por !p4, !p4;
	s25 =	sor.u32 s31, s25  }
0x36: {  	s2 =	sshra.s32 s2, $0x7;
	s29 =	simm.s32 @!p4 $0x0;
	p4 =	sne.s32 @!p3 s26, s25  }
0x37: {  	s2 =	ssub.s32 s2, s29;
	p4 =	por p3, p4  }
0x38: {  	p5 =	seq.s32 @!p4 s24, s2  }
0x39: {  	p4 =	por p4, !p5  }
0x3a: {  	_ =	strace @!p2 $0x9000004A;
	s2 =	sand.u32 @p4 $0x1, s19  }
0x3b: {  	_ =	strace @p4 $0x8000004B;
	s2 =	sadd.s32 @p4 $0x1, s2  }
0x3c: {  	_ =	swait.ge @p4 [sflag:s2], $0x40  }
0x3d: {  	[sflag:s2] =	ssyncset.done @p4 $0x0  }
0x3e: {  	[sflag:s2] =	ssyncadd.s32 @p4 $0xFFFFFFC0  }
0x3f: {  	s2 =	sand.u32 @p4 $0x1, s17;
	_ =	strace @p4 $0x9000004B  }
0x40: {  	s2 =	sadd.s32 @p4 $0x3, s2;
	_ =	strace @p4 $0x8000004C  }
0x41: {  	_ =	swait.ge @p4 [sflag:s2], $0x40  }
0x42: {  	[sflag:s2] =	ssyncset.done @p4 $0x0  }
0x43: {  	[sflag:s2] =	ssyncadd.s32 @p4 $0xFFFFFFC0  }
0x44: {  	s29 =	sshll.u32 s19, $0x6;
	_ =	strace @p4 $0x9000004C  }
0x45: {  	s2 =	sand.u32 $0x40, s29;
	_ =	strace $0x8000004D  }
0x46: {  	v8 =	vld [tilespmem:s2+$0x80];
	_ =	sdelay $0x3  }
0x47: {  	s30 =	sshll.u32 s17, $0x6  }
0x48: {  	s24 =	sand.u32 $0x40, s30;
	[tilespmem:v0+s4+$0x0] =	vst.idx.msk $0xffff, v8  }
0x49: {  	v8 =	vld [tilespmem:s24+$0x100];
	_ =	sdelay $0x4  }
0x4a: {  	[tilespmem:v1+s4+$0x0] =	vst.idx.msk $0xffff, v8  }
0x4b: {  	v8 =	vld [tilespmem:s2+$0x90];
	_ =	sdelay $0x4  }
0x4c: {  	[tilespmem:v2+s4+$0x0] =	vst.idx.msk $0xffff, v8  }
0x4d: {  	v8 =	vld [tilespmem:s24+$0x110];
	_ =	sdelay $0x4  }
0x4e: {  	[tilespmem:v3+s4+$0x0] =	vst.idx.msk $0xffff, v8  }
0x4f: {  	v8 =	vld [tilespmem:s2+$0xA0];
	_ =	sdelay $0x4  }
0x50: {  	[tilespmem:v4+s4+$0x0] =	vst.idx.msk $0xffff, v8  }
0x51: {  	v8 =	vld [tilespmem:s24+$0x120];
	_ =	sdelay $0x4  }
0x52: {  	[tilespmem:v5+s4+$0x0] =	vst.idx.msk $0xffff, v8  }
0x53: {  	v8 =	vld [tilespmem:s2+$0xB0];
	_ =	sdelay $0x4  }
0x54: {  	[tilespmem:v6+s4+$0x0] =	vst.idx.msk $0xffff, v8  }
0x55: {  	v8 =	vld [tilespmem:s24+$0x130];
	_ =	sdelay $0x2  }
0x56: {  	s2 =	sand.u32 $0x1, s16  }
0x57: {  	s31 =	sshll.u32 s2, $0xD  }
0x58: {  	s24 =	sor.u32 $0x180, s31;
	[tilespmem:v7+s4+$0x0] =	vst.idx.msk $0xffff, v8  }
0x59: {  	[tilespmem:s24], [sflag:$0x7] =	stream.indirect.gather [hbm4b:s5+s10], $0x40, s4, s10, $0x2000b8;
	[tilespmem:$0x4180] =	vst v63  }
0x5a: {  	p6 =	sne.s32 s22, s20;
	_ =	swait.ge [sflag:s12], $0x2000  }
0x5b: {  	p4 =	por p1, p6;
	[sflag:s12] =	ssyncset.done $0x0  }
0x5c: {  	s22 =	sshll.u32 @p4 s23, $0xA;
	[sflag:s12] =	ssyncadd.s32 $0xFFFFE000  }
0x5d: {  	s23 =	simm.s32 @p4 $0x0;
	s22 =	sand.u32 @p4 $0x1FFFFC00, s22;
	_ =	strace $0x9000004D  }
0x5e: {  	s22 =	sadd.s32 @p4 s6, s22;
	s2 =	sadd.s32 @p4 $0x5, s2;
	_ =	strace @p4 $0x8000004E  }
0x5f: {  	[hbm4b:s22+s23] =	stream.linear.scatter @p4 [tilespmem:s24], [sflag:s2], $0x2000, $0x200038;
	[tilespmem:$0x4180] =	vst v63  }
0x60: {  	p0 =	por p1, p0;
	s2 =	sadd.s32 @!p2 $0x1, s21;
	s22 =	simm.s32 @!p2 $0x1  }
0x61: {  	s23 =	sand.u32 @!p3 $0x1, s15;
	s2 =	smov.u32 @p2 s21;
	_ =	strace @p4 $0x9000004E  }
0x62: {  	s22 =	simm.s32 @p2 $0x0;
	s23 =	sadd.s32 @!p3 $0x5, s23;
	p2 =	sne.s32 s14, $0x68  }
0x63: {  	s14 =	sadd.s32 $0xFFFFFFFF, s14;
	_ =	strace @!p3 $0x8000004F;
	s22 =	simm.s32 @p1 $0x0  }
0x64: {  	s2 =	smov.u32 @p1 s21;
	s18 =	sadd.s32 s18, s22;
	s22 =	simm.s32 $0x1  }
0x65: {  	s21 =	simm.s32 $0x1;
	s22 =	simm.s32 @!p0 $0x0;
	p0 =	sne.s32 s14, $0x0  }
.Ltmp0:
0x66: {  	_ =	swait.ge @!p3 [sflag:s23], $0x2000;
	s21 =	simm.s32 @!p4 $0x0;
	(pc) =	sbr.rel @p0 .LBB2_2-.Ltmp0, $4  }
0x67: {  	[sflag:s23] =	ssyncset.done @!p3 $0x0;
	s16 =	sadd.s32 s21, s16;
	s21 =	simm.s32 $0x1  }
0x68: {  	[sflag:s23] =	ssyncadd.s32 @!p3 $0xFFFFE000;
	s21 =	simm.s32 @!p2 $0x0  }
0x69: {  	s19 =	sadd.s32 s22, s19;
	s17 =	sadd.s32 s22, s17;
	s22 =	smov.u32 s20  }
0x6a: {  	_ =	strace @!p3 $0x9000004F;
	s15 =	sadd.s32 s21, s15;
	s21 =	smov.u32 s2  }
0x6b: {  	s13 =	sadd.s32 $0x1, s13  }
0x6c: {  	s2 =	sand.u32 $0x1, s15;
	p0 =	sne.s32 s13, s9  }
.Ltmp1:
0x6d: {  	_ =	strace $0x80000050;
	s2 =	sadd.s32 $0x5, s2;
	(pc) =	sbr.rel @p0 .LBB2_1-.Ltmp1, $4  }
0x6e: {  	_ =	swait.ge [sflag:s2], $0x2000  }
0x6f: {  	[sflag:s2] =	ssyncset.done $0x0  }
0x70: {  	[sflag:s2] =	ssyncadd.s32 $0xFFFFE000  }
0x71: {  	_ =	strace $0x90000050  }
0x72: {  	_ =	sfence.sel $0x180000  }
0x73: {  	[bflag:$0x0] =	sbarrier.arrive $0xFFFF  }
0x74: {  	_ =	strace $0x90000047  }
0x75: {  	[bflag:$0x2] =	sbarrier.arrive $0xFFFF  }
0x76: {  	p0 =	sne.s32 s0, $0x0;
	s0 =	rddreg [dreg:$0x2]  }
0x77: {  	s0 =	sadd.s32 @!p0 $0x100000, s0  }
0x78: {  	[sflag:s0] =	ssyncadd.tile.s32 @!p0 $0x1;
	_ =	shalt  }
.Lfunc_end2:
_tile_overlayer_lowered:
.L_overlay_start_2:
0x79: {  	(tag) =	ssettag $0x2  }
0x7a: {  	s0 =	rddreg [dreg:$0x0];
	s2 =	stileid.u32  }
0x7b: {  	s1 =	rddreg [dreg:$0x1];
	p0 =	sne.s32 s2, $0x0  }
0x7c: {  	s3 =	rddreg [dreg:$0x2];
	[bflag:$0x3] =	sbarrier.arrive $0xFFFF;
	s2 =	simm.s32 @!p0 $0x1C01  }
0x7d: {  	[timem:s3], [sflag:s2] =	dma.local @!p0 [hbm:s0], s1  }
0x7e: {  	s0 =	simm.s32 @!p0 $0x1  }
0x7f: {  	_ =	swait.ge @!p0 [sflag:s0], s1  }
0x80: {  	s1 =	ssub.s32 @!p0 $0x0, s1;
	[sflag:s0] =	ssyncset.done @!p0 $0x0  }
0x81: {  	[sflag:s0] =	ssyncadd.s32 @!p0 s1  }
0x82: {  	[bflag:$0x3] =	sbarrier.arrive $0xFFFF  }
0x83: {  	_ =	shalt  }

</sc_bundles>
